<compile_context>
chip_gen: v7x
topology: tpu7x:2x2x1
jax: 0.10.2.dev20260603
libtpu: 0.0.44.dev20260713+nightly
codegen_flags: <defaults>
</compile_context>

<pallas_src>
import functools

import jax
import jax.numpy as jnp
from jax import lax
from jax.experimental import pallas as pl
from jax.experimental.pallas import tpu as pltpu
from jax.experimental.pallas import tpu_sc as plsc

D = 128
H = 128
O = 64
BN_EPS = 1e-5
BN_INV = (1.0 + BN_EPS) ** -0.5

N = 10000
APAD = 10112
NTILES = 32
CHUNK = 112
ROW_BLK = 1000


NBUF = 3
IB = 18



def _sc_scatter_agg(xp, src2d, dst2d):
  npad = APAD
  nch = src2d.shape[0] // NTILES
  rows_per_tile = npad // 16
  zeros = jnp.zeros((npad, D), jnp.float32)

  @functools.partial(
      pl.kernel,
      mesh=plsc.VectorSubcoreMesh(core_axis_name="c", subcore_axis_name="s"),
      out_type=jax.ShapeDtypeStruct((2, npad, D), jnp.float32),
      scratch_types=[
          pltpu.VMEM((IB, 1, CHUNK), jnp.int32),
          pltpu.VMEM((IB, 1, CHUNK), jnp.int32),
          pltpu.VMEM((NBUF, CHUNK, D), jnp.float32),
          pltpu.VMEM_SHARED((npad, D), jnp.float32),
          pltpu.SemaphoreType.DMA((NBUF,)),
      ],
  )
  def body(x_hbm, src_hbm, dst_hbm, z_hbm, out_hbm, srcs_v, dsts_v, rows_v,
           agg_sh, gsem):
    c = lax.axis_index("c")
    s = lax.axis_index("s")
    wid = s * 2 + c
    r0 = s * rows_per_tile
    pltpu.sync_copy(src_hbm.at[pl.ds(wid * nch, IB)], srcs_v)
    pltpu.sync_copy(dst_hbm.at[pl.ds(wid * nch, IB)], dsts_v)
    for b in range(NBUF):
      pltpu.async_copy(x_hbm.at[srcs_v.at[b, 0]], rows_v.at[b], gsem.at[b])
    pltpu.sync_copy(z_hbm.at[pl.ds(r0, rows_per_tile)],
                    agg_sh.at[pl.ds(r0, rows_per_tile)])
    plsc.subcore_barrier()

    def block(kb, carry):
      @pl.when(kb > 0)
      def _():
        base = kb * IB
        pltpu.sync_copy(src_hbm.at[pl.ds(wid * nch + base, IB)], srcs_v)
        pltpu.sync_copy(dst_hbm.at[pl.ds(wid * nch + base, IB)], dsts_v)
        for b in range(NBUF):
          pltpu.async_copy(x_hbm.at[srcs_v.at[b, 0]], rows_v.at[b],
                           gsem.at[b])

      def step(jo, carry2):
        for b in range(NBUF):
          j = jo * NBUF + b
          pltpu.make_async_copy(x_hbm.at[srcs_v.at[j, 0]], rows_v.at[b],
                                gsem.at[b]).wait()
          pltpu.sync_copy(rows_v.at[b], agg_sh.at[dsts_v.at[j, 0]], add=True)
          pltpu.async_copy(x_hbm.at[srcs_v.at[j + NBUF, 0]], rows_v.at[b],
                           gsem.at[b])
        return carry2

      lax.fori_loop(0, (IB - NBUF) // NBUF, step, 0)
      for b in range(NBUF):
        j = IB - NBUF + b
        pltpu.make_async_copy(x_hbm.at[srcs_v.at[j, 0]], rows_v.at[b],
                              gsem.at[b]).wait()
        pltpu.sync_copy(rows_v.at[b], agg_sh.at[dsts_v.at[j, 0]], add=True)
      return carry

    lax.fori_loop(0, nch // IB, block, 0)
    plsc.subcore_barrier()
    pltpu.sync_copy(agg_sh.at[pl.ds(r0, rows_per_tile)],
                    out_hbm.at[c, pl.ds(r0, rows_per_tile)])

  return body(xp, src2d, dst2d, zeros)


def _mlp_body(eps_ref, x_ref, p_ref, W1_ref, b1_ref, W2_ref, b2_ref,
              g_ref, be_ref, o_ref):
  u = (1.0 + eps_ref[0, 0]) * x_ref[...] + p_ref[0] + p_ref[1]
  h = jnp.dot(u, W1_ref[...], preferred_element_type=jnp.float32)
  h = jnp.maximum(h + b1_ref[...], 0.0)
  h = jnp.dot(h, W2_ref[...], preferred_element_type=jnp.float32)
  h = jnp.maximum(h + b2_ref[...], 0.0)
  o_ref[...] = h * (g_ref[...] * BN_INV) + be_ref[...]


def _head_body(eps_ref, x_ref, p_ref, W1_ref, b1_ref, W2_ref, b2_ref,
               g_ref, be_ref, Wl1_ref, bl1_ref, Wl2_ref, bl2_ref,
               out_ref, emb_ref):
  u = (1.0 + eps_ref[0, 0]) * x_ref[...] + p_ref[0] + p_ref[1]
  h = jnp.dot(u, W1_ref[...], preferred_element_type=jnp.float32)
  h = jnp.maximum(h + b1_ref[...], 0.0)
  h = jnp.dot(h, W2_ref[...], preferred_element_type=jnp.float32)
  h = jnp.maximum(h + b2_ref[...], 0.0)
  h = h * (g_ref[...] * BN_INV) + be_ref[...]
  t = jnp.dot(h, Wl1_ref[...], preferred_element_type=jnp.float32)
  t = jnp.maximum(t + bl1_ref[...], 0.0)
  emb = jnp.dot(t, Wl2_ref[...], preferred_element_type=jnp.float32) + bl2_ref[...]
  m = jnp.max(emb, axis=-1, keepdims=True)
  z = emb - m
  lse = jnp.log(jnp.sum(jnp.exp(z), axis=-1, keepdims=True))
  out_ref[...] = z - lse
  emb_ref[...] = emb


def _row_spec(width):
  return pl.BlockSpec((ROW_BLK, width), lambda i: (i, 0))


def _const_spec(shape):
  return pl.BlockSpec(shape, lambda i: (0,) * len(shape))


def _part_spec():
  return pl.BlockSpec((2, ROW_BLK, D), lambda i: (0, i, 0))


def _tc_mlp(eps, xp, part, W1, b1, W2, b2, g, be):
  grid = N // ROW_BLK
  return pl.pallas_call(
      _mlp_body,
      grid=(grid,),
      in_specs=[
          _const_spec((1, 1)),
          _row_spec(D), _part_spec(),
          _const_spec((D, H)), _const_spec((1, H)),
          _const_spec((H, H)), _const_spec((1, H)),
          _const_spec((1, H)), _const_spec((1, H)),
      ],
      out_specs=_row_spec(H),
      out_shape=jax.ShapeDtypeStruct((N, H), jnp.float32),
  )(eps.reshape(1, 1), xp, part, W1, b1.reshape(1, H), W2,
    b2.reshape(1, H), g.reshape(1, H), be.reshape(1, H))


def _tc_head(eps, hp, part, W1, b1, W2, b2, g, be, Wl1, bl1, Wl2, bl2):
  grid = N // ROW_BLK
  return pl.pallas_call(
      _head_body,
      grid=(grid,),
      in_specs=[
          _const_spec((1, 1)),
          _row_spec(H), _part_spec(),
          _const_spec((H, H)), _const_spec((1, H)),
          _const_spec((H, H)), _const_spec((1, H)),
          _const_spec((1, H)), _const_spec((1, H)),
          _const_spec((H, H)), _const_spec((1, H)),
          _const_spec((H, O)), _const_spec((1, O)),
      ],
      out_specs=[_row_spec(O), _row_spec(O)],
      out_shape=[
          jax.ShapeDtypeStruct((N, O), jnp.float32),
          jax.ShapeDtypeStruct((N, O), jnp.float32),
      ],
  )(eps.reshape(1, 1), hp, part, W1, b1.reshape(1, H), W2, b2.reshape(1, H),
    g.reshape(1, H), be.reshape(1, H), Wl1, bl1.reshape(1, H), Wl2,
    bl2.reshape(1, O))


def kernel(x, edge_index, eps1, W11, b11, W12, b12, g1, be1,
           eps2, W21, b21, W22, b22, g2, be2, Wl1, bl1, Wl2, bl2):
  n = x.shape[0]
  e = edge_index.shape[1]
  quantum = NTILES * CHUNK * IB
  epad = -(-e // quantum) * quantum

  k = jnp.arange(epad - e, dtype=jnp.int32)
  srcp = jnp.concatenate([edge_index[0].astype(jnp.int32), k % n])
  dstp = jnp.concatenate([edge_index[1].astype(jnp.int32), n + k % (APAD - n)])
  src2d = srcp.reshape(-1, 1, CHUNK)
  dst2d = dstp.reshape(-1, 1, CHUNK)

  part1 = _sc_scatter_agg(x, src2d, dst2d)
  h1 = _tc_mlp(eps1, x, part1, W11, b11, W12, b12, g1, be1)
  part2 = _sc_scatter_agg(h1, src2d, dst2d)
  out, emb = _tc_head(eps2, h1, part2, W21, b21, W22, b22,
                      g2, be2, Wl1, bl1, Wl2, bl2)
  return (out, emb)

# --- scband reference (transcript-rebuilt; emitter-appended) ---
"""Pipeline reference for scband-gin-75204877353220 (READ-ONLY COPY).

The authoritative reference and input builder live on the scoring server;
editing this copy changes nothing except your own understanding.
"""

import jax, jax.numpy as jnp
import numpy as np

N = 10000
E = 320000
D = 128
H = 128
O = 64
BN_EPS = 1e-5


def setup_inputs(seed: int = 0) -> dict:
    key = jax.random.key(seed)
    ks = jax.random.split(key, 24)
    inp = {}
    inp['x'] = jax.random.normal(ks[0], (N, D), dtype=jnp.float32)
    inp['edge_index'] = jax.random.randint(ks[1], (2, E), 0, N)
    # conv1 params (GINConv with train_eps=True, eps init 0)
    inp['eps1'] = jnp.zeros((), dtype=jnp.float32)
    inp['W11'] = jax.random.normal(ks[2], (D, H), dtype=jnp.float32) * 0.05
    inp['b11'] = jnp.zeros((H,), dtype=jnp.float32)
    inp['W12'] = jax.random.normal(ks[3], (H, H), dtype=jnp.float32) * 0.05
    inp['b12'] = jnp.zeros((H,), dtype=jnp.float32)
    inp['g1'] = jnp.ones((H,), dtype=jnp.float32)
    inp['be1'] = jnp.zeros((H,), dtype=jnp.float32)
    # conv2 params
    inp['eps2'] = jnp.zeros((), dtype=jnp.float32)
    inp['W21'] = jax.random.normal(ks[4], (H, H), dtype=jnp.float32) * 0.05
    inp['b21'] = jnp.zeros((H,), dtype=jnp.float32)
    inp['W22'] = jax.random.normal(ks[5], (H, H), dtype=jnp.float32) * 0.05
    inp['b22'] = jnp.zeros((H,), dtype=jnp.float32)
    inp['g2'] = jnp.ones((H,), dtype=jnp.float32)
    inp['be2'] = jnp.zeros((H,), dtype=jnp.float32)
    # head
    inp['Wl1'] = jax.random.normal(ks[6], (H, H), dtype=jnp.float32) * 0.05
    inp['bl1'] = jnp.zeros((H,), dtype=jnp.float32)
    inp['Wl2'] = jax.random.normal(ks[7], (H, O), dtype=jnp.float32) * 0.05
    inp['bl2'] = jnp.zeros((O,), dtype=jnp.float32)
    return inp


def _gin_conv(x, edge_index, eps, W1, b1, W2, b2, g, be):
    src = edge_index[0]
    dst = edge_index[1]
    # sum aggregation of neighbor messages (scatter-add)
    agg = jnp.zeros_like(x).at[dst].add(x[src])
    h = (1.0 + eps) * x + agg
    h = jax.nn.relu(h @ W1 + b1)
    h = jax.nn.relu(h @ W2 + b2)
    # BatchNorm1d in eval mode: running_mean=0, running_var=1
    h = h / jnp.sqrt(1.0 + BN_EPS) * g + be
    return h


def reference(x, edge_index, eps1, W11, b11, W12, b12, g1, be1, eps2, W21, b21, W22, b22, g2, be2, Wl1, bl1, Wl2, bl2):
    h = _gin_conv(x, edge_index, eps1, W11, b11, W12, b12, g1, be1)
    h = _gin_conv(h, edge_index, eps2, W21, b21, W22, b22, g2, be2)
    h = jax.nn.relu(h @ Wl1 + bl1)
    # dropout is identity in eval mode
    emb = h @ Wl2 + bl2
    out = jax.nn.log_softmax(emb, axis=-1)
    return (out, emb)

if __name__ == "__main__":
    import jax
    _d = setup_inputs()
    print(jax.jit(kernel)(*tuple(_d.values())))

</pallas_src>

<mosaic_0001>
#map = affine_map<(d0, d1) -> (0, 0)>
#map1 = affine_map<(d0, d1) -> (0, 0, 0)>
module attributes {stable_mosaic.version = 14 : i64} {
  func.func @body(%arg0: i32, %arg1: i32, %arg2: memref<10000x128xf32, #tpu.memory_space<hbm>>, %arg3: memref<2880x1x112xi32, #tpu.memory_space<hbm>>, %arg4: memref<2880x1x112xi32, #tpu.memory_space<hbm>>, %arg5: memref<10112x128xf32, #tpu.memory_space<hbm>>, %arg6: memref<2x10112x128xf32, #tpu.memory_space<hbm>>, %arg7: memref<18x1x112xi32, #tpu.memory_space<vmem>>, %arg8: memref<18x1x112xi32, #tpu.memory_space<vmem>>, %arg9: memref<3x112x128xf32, #tpu.memory_space<vmem>>, %arg10: memref<10112x128xf32, #tpu.memory_space<vmem_shared>>, %arg11: memref<3x!tpu.dma_semaphore, #tpu.memory_space<semaphore_mem>>) attributes {dimension_semantics = [#tpu.dimension_semantics<core_parallel>, #tpu.dimension_semantics<subcore_parallel>], iteration_bounds = array<i64: 2, 16>, scalar_prefetch = 0 : i64, scratch_operands = 5 : i64, tpu.core_type = #tpu.core_type<sc_vector_subcore>, window_params = [{transform_indices = #map}, {transform_indices = #map1}, {transform_indices = #map1}, {transform_indices = #map}, {transform_indices = #map1}]} {
    %mul3A = arith.constant 2 : i32
    %mul3A_0 = arith.muli %arg1, %mul3A : i32
    %add3A = arith.addi %mul3A_0, %arg0 : i32
    %mul3A_1 = arith.constant 632 : i32
    %mul3A_2 = arith.muli %arg1, %mul3A_1 : i32
    %mul3A_3 = arith.constant 90 : i32
    %mul3A_4 = arith.muli %add3A, %mul3A_3 : i32
    "tpu.region"() ({
      %run_scoped3A = tpu.sem_alloc : memref<!tpu.dma_semaphore, #tpu.memory_space<semaphore_mem>>
      %dma_start3A_60 = arith.constant 0 : i32
      %dma_start3A_61 = arith.constant 0 : i32
      %dma_start3A_62 = tpu.memref_slice %arg3[%mul3A_4, %dma_start3A_60, %dma_start3A_61] : memref<2880x1x112xi32, #tpu.memory_space<hbm>> -> memref<18x1x112xi32, #tpu.memory_space<hbm>>
      %dma_start3A_63 = arith.constant 0 : i32
      %dma_start3A_64 = arith.constant 0 : i32
      %dma_start3A_65 = tpu.memref_slice %arg3[%mul3A_4, %dma_start3A_63, %dma_start3A_64] : memref<2880x1x112xi32, #tpu.memory_space<hbm>> -> memref<18x1x112xi32, #tpu.memory_space<hbm>>
      tpu.enqueue_dma source(%dma_start3A_65 : memref<18x1x112xi32, #tpu.memory_space<hbm>>) target(%arg7 : memref<18x1x112xi32, #tpu.memory_space<vmem>>) target_semaphore(%run_scoped3A : memref<!tpu.dma_semaphore, #tpu.memory_space<semaphore_mem>>)
      %dma_wait3A = arith.constant 0 : i32
      %dma_wait3A_66 = arith.constant 0 : i32
      %dma_wait3A_67 = tpu.memref_slice %arg3[%mul3A_4, %dma_wait3A, %dma_wait3A_66] : memref<2880x1x112xi32, #tpu.memory_space<hbm>> -> memref<18x1x112xi32, #tpu.memory_space<hbm>>
      %dma_wait3A_68 = arith.constant 0 : i32
      %dma_wait3A_69 = arith.constant 0 : i32
      %dma_wait3A_70 = tpu.memref_slice %arg3[%mul3A_4, %dma_wait3A_68, %dma_wait3A_69] : memref<2880x1x112xi32, #tpu.memory_space<hbm>> -> memref<18x1x112xi32, #tpu.memory_space<hbm>>
      tpu.wait_dma2 semaphore(%run_scoped3A : memref<!tpu.dma_semaphore, #tpu.memory_space<semaphore_mem>>) src(%dma_wait3A_70 : memref<18x1x112xi32, #tpu.memory_space<hbm>>) dst(%arg7 : memref<18x1x112xi32, #tpu.memory_space<vmem>>)
      tpu.yield
    }) : () -> ()
    %mul3A_5 = arith.constant 90 : i32
    %mul3A_6 = arith.muli %add3A, %mul3A_5 : i32
    "tpu.region"() ({
      %run_scoped3A = tpu.sem_alloc : memref<!tpu.dma_semaphore, #tpu.memory_space<semaphore_mem>>
      %dma_start3A_60 = arith.constant 0 : i32
      %dma_start3A_61 = arith.constant 0 : i32
      %dma_start3A_62 = tpu.memref_slice %arg4[%mul3A_6, %dma_start3A_60, %dma_start3A_61] : memref<2880x1x112xi32, #tpu.memory_space<hbm>> -> memref<18x1x112xi32, #tpu.memory_space<hbm>>
      %dma_start3A_63 = arith.constant 0 : i32
      %dma_start3A_64 = arith.constant 0 : i32
      %dma_start3A_65 = tpu.memref_slice %arg4[%mul3A_6, %dma_start3A_63, %dma_start3A_64] : memref<2880x1x112xi32, #tpu.memory_space<hbm>> -> memref<18x1x112xi32, #tpu.memory_space<hbm>>
      tpu.enqueue_dma source(%dma_start3A_65 : memref<18x1x112xi32, #tpu.memory_space<hbm>>) target(%arg8 : memref<18x1x112xi32, #tpu.memory_space<vmem>>) target_semaphore(%run_scoped3A : memref<!tpu.dma_semaphore, #tpu.memory_space<semaphore_mem>>)
      %dma_wait3A = arith.constant 0 : i32
      %dma_wait3A_66 = arith.constant 0 : i32
      %dma_wait3A_67 = tpu.memref_slice %arg4[%mul3A_6, %dma_wait3A, %dma_wait3A_66] : memref<2880x1x112xi32, #tpu.memory_space<hbm>> -> memref<18x1x112xi32, #tpu.memory_space<hbm>>
      %dma_wait3A_68 = arith.constant 0 : i32
      %dma_wait3A_69 = arith.constant 0 : i32
      %dma_wait3A_70 = tpu.memref_slice %arg4[%mul3A_6, %dma_wait3A_68, %dma_wait3A_69] : memref<2880x1x112xi32, #tpu.memory_space<hbm>> -> memref<18x1x112xi32, #tpu.memory_space<hbm>>
      tpu.wait_dma2 semaphore(%run_scoped3A : memref<!tpu.dma_semaphore, #tpu.memory_space<semaphore_mem>>) src(%dma_wait3A_70 : memref<18x1x112xi32, #tpu.memory_space<hbm>>) dst(%arg8 : memref<18x1x112xi32, #tpu.memory_space<vmem>>)
      tpu.yield
    }) : () -> ()
    %dma_start3A = arith.constant 0 : i32
    %dma_start3A_7 = arith.constant 0 : i32
    %dma_start3A_8 = arith.constant 0 : i32
    %dma_start3A_9 = arith.constant 0 : i32
    %dma_start3A_10 = arith.constant 0 : i32
    %dma_start3A_11 = arith.constant 0 : i32
    %dma_start3A_12 = tpu.memref_slice %arg9[%dma_start3A_8, %dma_start3A_10, %dma_start3A_11] : memref<3x112x128xf32, #tpu.memory_space<vmem>> -> memref<1x112x128xf32, #tpu.memory_space<vmem>>
    %dma_start3A_13 = tpu.memref_squeeze %dma_start3A_12 : memref<1x112x128xf32, #tpu.memory_space<vmem>> -> memref<112x128xf32, #tpu.memory_space<vmem>>
    %dma_start3A_14 = arith.constant 0 : i32
    %dma_start3A_15 = tpu.memref_slice %arg7[%dma_start3A, %dma_start3A_7, %dma_start3A_14] : memref<18x1x112xi32, #tpu.memory_space<vmem>> -> memref<1x1x112xi32, #tpu.memory_space<vmem>>
    %dma_start3A_16 = tpu.memref_squeeze %dma_start3A_15 : memref<1x1x112xi32, #tpu.memory_space<vmem>> -> memref<112xi32, #tpu.memory_space<vmem>>
    %dma_start3A_17 = arith.constant 0 : i32
    %dma_start3A_18 = arith.constant 0 : i32
    %dma_start3A_19 = tpu.memref_slice %arg2[%dma_start3A_17, %dma_start3A_18] : memref<10000x128xf32, #tpu.memory_space<hbm>> -> memref<10000x128xf32, #tpu.memory_space<hbm>>
    %dma_start3A_20 = tpu.memref_slice %arg11[%dma_start3A_9] : memref<3x!tpu.dma_semaphore, #tpu.memory_space<semaphore_mem>> -> memref<1x!tpu.dma_semaphore, #tpu.memory_space<semaphore_mem>>
    %dma_start3A_21 = tpu.memref_squeeze %dma_start3A_20 : memref<1x!tpu.dma_semaphore, #tpu.memory_space<semaphore_mem>> -> memref<!tpu.dma_semaphore, #tpu.memory_space<semaphore_mem>>
    tpu.enqueue_indirect_dma source(%dma_start3A_19 : memref<10000x128xf32, #tpu.memory_space<hbm>>) target(%dma_start3A_13 : memref<112x128xf32, #tpu.memory_space<vmem>>) offsets(%dma_start3A_16 : memref<112xi32, #tpu.memory_space<vmem>>) semaphore(%dma_start3A_21 : memref<!tpu.dma_semaphore, #tpu.memory_space<semaphore_mem>>)
    %dma_start3A_22 = arith.constant 1 : i32
    %dma_start3A_23 = arith.constant 0 : i32
    %dma_start3A_24 = arith.constant 1 : i32
    %dma_start3A_25 = arith.constant 1 : i32
    %dma_start3A_26 = arith.constant 0 : i32
    %dma_start3A_27 = arith.constant 0 : i32
    %dma_start3A_28 = tpu.memref_slice %arg9[%dma_start3A_24, %dma_start3A_26, %dma_start3A_27] : memref<3x112x128xf32, #tpu.memory_space<vmem>> -> memref<1x112x128xf32, #tpu.memory_space<vmem>>
    %dma_start3A_29 = tpu.memref_squeeze %dma_start3A_28 : memref<1x112x128xf32, #tpu.memory_space<vmem>> -> memref<112x128xf32, #tpu.memory_space<vmem>>
    %dma_start3A_30 = arith.constant 0 : i32
    %dma_start3A_31 = tpu.memref_slice %arg7[%dma_start3A_22, %dma_start3A_23, %dma_start3A_30] : memref<18x1x112xi32, #tpu.memory_space<vmem>> -> memref<1x1x112xi32, #tpu.memory_space<vmem>>
    %dma_start3A_32 = tpu.memref_squeeze %dma_start3A_31 : memref<1x1x112xi32, #tpu.memory_space<vmem>> -> memref<112xi32, #tpu.memory_space<vmem>>
    %dma_start3A_33 = arith.constant 0 : i32
    %dma_start3A_34 = arith.constant 0 : i32
    %dma_start3A_35 = tpu.memref_slice %arg2[%dma_start3A_33, %dma_start3A_34] : memref<10000x128xf32, #tpu.memory_space<hbm>> -> memref<10000x128xf32, #tpu.memory_space<hbm>>
    %dma_start3A_36 = tpu.memref_slice %arg11[%dma_start3A_25] : memref<3x!tpu.dma_semaphore, #tpu.memory_space<semaphore_mem>> -> memref<1x!tpu.dma_semaphore, #tpu.memory_space<semaphore_mem>>
    %dma_start3A_37 = tpu.memref_squeeze %dma_start3A_36 : memref<1x!tpu.dma_semaphore, #tpu.memory_space<semaphore_mem>> -> memref<!tpu.dma_semaphore, #tpu.memory_space<semaphore_mem>>
    tpu.enqueue_indirect_dma source(%dma_start3A_35 : memref<10000x128xf32, #tpu.memory_space<hbm>>) target(%dma_start3A_29 : memref<112x128xf32, #tpu.memory_space<vmem>>) offsets(%dma_start3A_32 : memref<112xi32, #tpu.memory_space<vmem>>) semaphore(%dma_start3A_37 : memref<!tpu.dma_semaphore, #tpu.memory_space<semaphore_mem>>)
    %dma_start3A_38 = arith.constant 2 : i32
    %dma_start3A_39 = arith.constant 0 : i32
    %dma_start3A_40 = arith.constant 2 : i32
    %dma_start3A_41 = arith.constant 2 : i32
    %dma_start3A_42 = arith.constant 0 : i32
    %dma_start3A_43 = arith.constant 0 : i32
    %dma_start3A_44 = tpu.memref_slice %arg9[%dma_start3A_40, %dma_start3A_42, %dma_start3A_43] : memref<3x112x128xf32, #tpu.memory_space<vmem>> -> memref<1x112x128xf32, #tpu.memory_space<vmem>>
    %dma_start3A_45 = tpu.memref_squeeze %dma_start3A_44 : memref<1x112x128xf32, #tpu.memory_space<vmem>> -> memref<112x128xf32, #tpu.memory_space<vmem>>
    %dma_start3A_46 = arith.constant 0 : i32
    %dma_start3A_47 = tpu.memref_slice %arg7[%dma_start3A_38, %dma_start3A_39, %dma_start3A_46] : memref<18x1x112xi32, #tpu.memory_space<vmem>> -> memref<1x1x112xi32, #tpu.memory_space<vmem>>
    %dma_start3A_48 = tpu.memref_squeeze %dma_start3A_47 : memref<1x1x112xi32, #tpu.memory_space<vmem>> -> memref<112xi32, #tpu.memory_space<vmem>>
    %dma_start3A_49 = arith.constant 0 : i32
    %dma_start3A_50 = arith.constant 0 : i32
    %dma_start3A_51 = tpu.memref_slice %arg2[%dma_start3A_49, %dma_start3A_50] : memref<10000x128xf32, #tpu.memory_space<hbm>> -> memref<10000x128xf32, #tpu.memory_space<hbm>>
    %dma_start3A_52 = tpu.memref_slice %arg11[%dma_start3A_41] : memref<3x!tpu.dma_semaphore, #tpu.memory_space<semaphore_mem>> -> memref<1x!tpu.dma_semaphore, #tpu.memory_space<semaphore_mem>>
    %dma_start3A_53 = tpu.memref_squeeze %dma_start3A_52 : memref<1x!tpu.dma_semaphore, #tpu.memory_space<semaphore_mem>> -> memref<!tpu.dma_semaphore, #tpu.memory_space<semaphore_mem>>
    tpu.enqueue_indirect_dma source(%dma_start3A_51 : memref<10000x128xf32, #tpu.memory_space<hbm>>) target(%dma_start3A_45 : memref<112x128xf32, #tpu.memory_space<vmem>>) offsets(%dma_start3A_48 : memref<112xi32, #tpu.memory_space<vmem>>) semaphore(%dma_start3A_53 : memref<!tpu.dma_semaphore, #tpu.memory_space<semaphore_mem>>)
    "tpu.region"() ({
      %run_scoped3A = tpu.sem_alloc : memref<!tpu.dma_semaphore, #tpu.memory_space<semaphore_mem>>
      %dma_start3A_60 = arith.constant 0 : i32
      %dma_start3A_61 = tpu.memref_slice %arg10[%mul3A_2, %dma_start3A_60] : memref<10112x128xf32, #tpu.memory_space<vmem_shared>> -> memref<632x128xf32, #tpu.memory_space<vmem_shared>>
      %dma_start3A_62 = arith.constant 0 : i32
      %dma_start3A_63 = tpu.memref_slice %arg5[%mul3A_2, %dma_start3A_62] : memref<10112x128xf32, #tpu.memory_space<hbm>> -> memref<632x128xf32, #tpu.memory_space<hbm>>
      tpu.enqueue_dma source(%dma_start3A_63 : memref<632x128xf32, #tpu.memory_space<hbm>>) target(%dma_start3A_61 : memref<632x128xf32, #tpu.memory_space<vmem_shared>>) target_semaphore(%run_scoped3A : memref<!tpu.dma_semaphore, #tpu.memory_space<semaphore_mem>>)
      %dma_wait3A = arith.constant 0 : i32
      %dma_wait3A_64 = tpu.memref_slice %arg10[%mul3A_2, %dma_wait3A] : memref<10112x128xf32, #tpu.memory_space<vmem_shared>> -> memref<632x128xf32, #tpu.memory_space<vmem_shared>>
      %dma_wait3A_65 = arith.constant 0 : i32
      %dma_wait3A_66 = tpu.memref_slice %arg5[%mul3A_2, %dma_wait3A_65] : memref<10112x128xf32, #tpu.memory_space<hbm>> -> memref<632x128xf32, #tpu.memory_space<hbm>>
      tpu.wait_dma2 semaphore(%run_scoped3A : memref<!tpu.dma_semaphore, #tpu.memory_space<semaphore_mem>>) src(%dma_wait3A_66 : memref<632x128xf32, #tpu.memory_space<hbm>>) dst(%dma_wait3A_64 : memref<632x128xf32, #tpu.memory_space<vmem_shared>>)
      tpu.yield
    }) : () -> ()
    %barrier3A = arith.constant 0 : index
    tpu.barrier barrier_id(%barrier3A)
    %scan3A = arith.constant 0 : i32
    %scan3A_54 = arith.constant 0 : i32
    %scan3A_55 = arith.constant 5 : i32
    %scan3A_56 = arith.addi %scan3A_54, %scan3A_55 : i32
    %scan3A_57 = arith.constant 1 : i32
    scf.for %scan3A_60 = %scan3A_54 to %scan3A_56 step %scan3A_57  : i32 {
      %gt3A = arith.constant 0 : i32
      %gt3A_61 = arith.cmpi sgt, %scan3A_60, %gt3A : i32
      %convert_element_type3A = arith.extui %gt3A_61 : i1 to i32
      %cond3A = arith.constant 0 : i32
      %cond3A_62 = arith.cmpi ne, %convert_element_type3A, %cond3A : i32
      scf.if %cond3A_62 {
        %mul3A_124 = arith.constant 18 : i32
        %mul3A_125 = arith.muli %scan3A_60, %mul3A_124 : i32
        %mul3A_126 = arith.constant 90 : i32
        %mul3A_127 = arith.muli %add3A, %mul3A_126 : i32
        %add3A_128 = arith.addi %mul3A_127, %mul3A_125 : i32
        "tpu.region"() ({
          %run_scoped3A_180 = tpu.sem_alloc : memref<!tpu.dma_semaphore, #tpu.memory_space<semaphore_mem>>
          %dma_start3A_181 = arith.constant 0 : i32
          %dma_start3A_182 = arith.constant 0 : i32
          %dma_start3A_183 = tpu.memref_slice %arg3[%add3A_128, %dma_start3A_181, %dma_start3A_182] : memref<2880x1x112xi32, #tpu.memory_space<hbm>> -> memref<18x1x112xi32, #tpu.memory_space<hbm>>
          %dma_start3A_184 = arith.constant 0 : i32
          %dma_start3A_185 = arith.constant 0 : i32
          %dma_start3A_186 = tpu.memref_slice %arg3[%add3A_128, %dma_start3A_184, %dma_start3A_185] : memref<2880x1x112xi32, #tpu.memory_space<hbm>> -> memref<18x1x112xi32, #tpu.memory_space<hbm>>
          tpu.enqueue_dma source(%dma_start3A_186 : memref<18x1x112xi32, #tpu.memory_space<hbm>>) target(%arg7 : memref<18x1x112xi32, #tpu.memory_space<vmem>>) target_semaphore(%run_scoped3A_180 : memref<!tpu.dma_semaphore, #tpu.memory_space<semaphore_mem>>)
          %dma_wait3A_187 = arith.constant 0 : i32
          %dma_wait3A_188 = arith.constant 0 : i32
          %dma_wait3A_189 = tpu.memref_slice %arg3[%add3A_128, %dma_wait3A_187, %dma_wait3A_188] : memref<2880x1x112xi32, #tpu.memory_space<hbm>> -> memref<18x1x112xi32, #tpu.memory_space<hbm>>
          %dma_wait3A_190 = arith.constant 0 : i32
          %dma_wait3A_191 = arith.constant 0 : i32
          %dma_wait3A_192 = tpu.memref_slice %arg3[%add3A_128, %dma_wait3A_190, %dma_wait3A_191] : memref<2880x1x112xi32, #tpu.memory_space<hbm>> -> memref<18x1x112xi32, #tpu.memory_space<hbm>>
          tpu.wait_dma2 semaphore(%run_scoped3A_180 : memref<!tpu.dma_semaphore, #tpu.memory_space<semaphore_mem>>) src(%dma_wait3A_192 : memref<18x1x112xi32, #tpu.memory_space<hbm>>) dst(%arg7 : memref<18x1x112xi32, #tpu.memory_space<vmem>>)
          tpu.yield
        }) : () -> ()
        %mul3A_129 = arith.constant 90 : i32
        %mul3A_130 = arith.muli %add3A, %mul3A_129 : i32
        %add3A_131 = arith.addi %mul3A_130, %mul3A_125 : i32
        "tpu.region"() ({
          %run_scoped3A_180 = tpu.sem_alloc : memref<!tpu.dma_semaphore, #tpu.memory_space<semaphore_mem>>
          %dma_start3A_181 = arith.constant 0 : i32
          %dma_start3A_182 = arith.constant 0 : i32
          %dma_start3A_183 = tpu.memref_slice %arg4[%add3A_131, %dma_start3A_181, %dma_start3A_182] : memref<2880x1x112xi32, #tpu.memory_space<hbm>> -> memref<18x1x112xi32, #tpu.memory_space<hbm>>
          %dma_start3A_184 = arith.constant 0 : i32
          %dma_start3A_185 = arith.constant 0 : i32
          %dma_start3A_186 = tpu.memref_slice %arg4[%add3A_131, %dma_start3A_184, %dma_start3A_185] : memref<2880x1x112xi32, #tpu.memory_space<hbm>> -> memref<18x1x112xi32, #tpu.memory_space<hbm>>
          tpu.enqueue_dma source(%dma_start3A_186 : memref<18x1x112xi32, #tpu.memory_space<hbm>>) target(%arg8 : memref<18x1x112xi32, #tpu.memory_space<vmem>>) target_semaphore(%run_scoped3A_180 : memref<!tpu.dma_semaphore, #tpu.memory_space<semaphore_mem>>)
          %dma_wait3A_187 = arith.constant 0 : i32
          %dma_wait3A_188 = arith.constant 0 : i32
          %dma_wait3A_189 = tpu.memref_slice %arg4[%add3A_131, %dma_wait3A_187, %dma_wait3A_188] : memref<2880x1x112xi32, #tpu.memory_space<hbm>> -> memref<18x1x112xi32, #tpu.memory_space<hbm>>
          %dma_wait3A_190 = arith.constant 0 : i32
          %dma_wait3A_191 = arith.constant 0 : i32
          %dma_wait3A_192 = tpu.memref_slice %arg4[%add3A_131, %dma_wait3A_190, %dma_wait3A_191] : memref<2880x1x112xi32, #tpu.memory_space<hbm>> -> memref<18x1x112xi32, #tpu.memory_space<hbm>>
          tpu.wait_dma2 semaphore(%run_scoped3A_180 : memref<!tpu.dma_semaphore, #tpu.memory_space<semaphore_mem>>) src(%dma_wait3A_192 : memref<18x1x112xi32, #tpu.memory_space<hbm>>) dst(%arg8 : memref<18x1x112xi32, #tpu.memory_space<vmem>>)
          tpu.yield
        }) : () -> ()
        %dma_start3A_132 = arith.constant 0 : i32
        %dma_start3A_133 = arith.constant 0 : i32
        %dma_start3A_134 = arith.constant 0 : i32
        %dma_start3A_135 = arith.constant 0 : i32
        %dma_start3A_136 = arith.constant 0 : i32
        %dma_start3A_137 = arith.constant 0 : i32
        %dma_start3A_138 = tpu.memref_slice %arg9[%dma_start3A_134, %dma_start3A_136, %dma_start3A_137] : memref<3x112x128xf32, #tpu.memory_space<vmem>> -> memref<1x112x128xf32, #tpu.memory_space<vmem>>
        %dma_start3A_139 = tpu.memref_squeeze %dma_start3A_138 : memref<1x112x128xf32, #tpu.memory_space<vmem>> -> memref<112x128xf32, #tpu.memory_space<vmem>>
        %dma_start3A_140 = arith.constant 0 : i32
        %dma_start3A_141 = tpu.memref_slice %arg7[%dma_start3A_132, %dma_start3A_133, %dma_start3A_140] : memref<18x1x112xi32, #tpu.memory_space<vmem>> -> memref<1x1x112xi32, #tpu.memory_space<vmem>>
        %dma_start3A_142 = tpu.memref_squeeze %dma_start3A_141 : memref<1x1x112xi32, #tpu.memory_space<vmem>> -> memref<112xi32, #tpu.memory_space<vmem>>
        %dma_start3A_143 = arith.constant 0 : i32
        %dma_start3A_144 = arith.constant 0 : i32
        %dma_start3A_145 = tpu.memref_slice %arg2[%dma_start3A_143, %dma_start3A_144] : memref<10000x128xf32, #tpu.memory_space<hbm>> -> memref<10000x128xf32, #tpu.memory_space<hbm>>
        %dma_start3A_146 = tpu.memref_slice %arg11[%dma_start3A_135] : memref<3x!tpu.dma_semaphore, #tpu.memory_space<semaphore_mem>> -> memref<1x!tpu.dma_semaphore, #tpu.memory_space<semaphore_mem>>
        %dma_start3A_147 = tpu.memref_squeeze %dma_start3A_146 : memref<1x!tpu.dma_semaphore, #tpu.memory_space<semaphore_mem>> -> memref<!tpu.dma_semaphore, #tpu.memory_space<semaphore_mem>>
        tpu.enqueue_indirect_dma source(%dma_start3A_145 : memref<10000x128xf32, #tpu.memory_space<hbm>>) target(%dma_start3A_139 : memref<112x128xf32, #tpu.memory_space<vmem>>) offsets(%dma_start3A_142 : memref<112xi32, #tpu.memory_space<vmem>>) semaphore(%dma_start3A_147 : memref<!tpu.dma_semaphore, #tpu.memory_space<semaphore_mem>>)
        %dma_start3A_148 = arith.constant 1 : i32
        %dma_start3A_149 = arith.constant 0 : i32
        %dma_start3A_150 = arith.constant 1 : i32
        %dma_start3A_151 = arith.constant 1 : i32
        %dma_start3A_152 = arith.constant 0 : i32
        %dma_start3A_153 = arith.constant 0 : i32
        %dma_start3A_154 = tpu.memref_slice %arg9[%dma_start3A_150, %dma_start3A_152, %dma_start3A_153] : memref<3x112x128xf32, #tpu.memory_space<vmem>> -> memref<1x112x128xf32, #tpu.memory_space<vmem>>
        %dma_start3A_155 = tpu.memref_squeeze %dma_start3A_154 : memref<1x112x128xf32, #tpu.memory_space<vmem>> -> memref<112x128xf32, #tpu.memory_space<vmem>>
        %dma_start3A_156 = arith.constant 0 : i32
        %dma_start3A_157 = tpu.memref_slice %arg7[%dma_start3A_148, %dma_start3A_149, %dma_start3A_156] : memref<18x1x112xi32, #tpu.memory_space<vmem>> -> memref<1x1x112xi32, #tpu.memory_space<vmem>>
        %dma_start3A_158 = tpu.memref_squeeze %dma_start3A_157 : memref<1x1x112xi32, #tpu.memory_space<vmem>> -> memref<112xi32, #tpu.memory_space<vmem>>
        %dma_start3A_159 = arith.constant 0 : i32
        %dma_start3A_160 = arith.constant 0 : i32
        %dma_start3A_161 = tpu.memref_slice %arg2[%dma_start3A_159, %dma_start3A_160] : memref<10000x128xf32, #tpu.memory_space<hbm>> -> memref<10000x128xf32, #tpu.memory_space<hbm>>
        %dma_start3A_162 = tpu.memref_slice %arg11[%dma_start3A_151] : memref<3x!tpu.dma_semaphore, #tpu.memory_space<semaphore_mem>> -> memref<1x!tpu.dma_semaphore, #tpu.memory_space<semaphore_mem>>
        %dma_start3A_163 = tpu.memref_squeeze %dma_start3A_162 : memref<1x!tpu.dma_semaphore, #tpu.memory_space<semaphore_mem>> -> memref<!tpu.dma_semaphore, #tpu.memory_space<semaphore_mem>>
        tpu.enqueue_indirect_dma source(%dma_start3A_161 : memref<10000x128xf32, #tpu.memory_space<hbm>>) target(%dma_start3A_155 : memref<112x128xf32, #tpu.memory_space<vmem>>) offsets(%dma_start3A_158 : memref<112xi32, #tpu.memory_space<vmem>>) semaphore(%dma_start3A_163 : memref<!tpu.dma_semaphore, #tpu.memory_space<semaphore_mem>>)
        %dma_start3A_164 = arith.constant 2 : i32
        %dma_start3A_165 = arith.constant 0 : i32
        %dma_start3A_166 = arith.constant 2 : i32
        %dma_start3A_167 = arith.constant 2 : i32
        %dma_start3A_168 = arith.constant 0 : i32
        %dma_start3A_169 = arith.constant 0 : i32
        %dma_start3A_170 = tpu.memref_slice %arg9[%dma_start3A_166, %dma_start3A_168, %dma_start3A_169] : memref<3x112x128xf32, #tpu.memory_space<vmem>> -> memref<1x112x128xf32, #tpu.memory_space<vmem>>
        %dma_start3A_171 = tpu.memref_squeeze %dma_start3A_170 : memref<1x112x128xf32, #tpu.memory_space<vmem>> -> memref<112x128xf32, #tpu.memory_space<vmem>>
        %dma_start3A_172 = arith.constant 0 : i32
        %dma_start3A_173 = tpu.memref_slice %arg7[%dma_start3A_164, %dma_start3A_165, %dma_start3A_172] : memref<18x1x112xi32, #tpu.memory_space<vmem>> -> memref<1x1x112xi32, #tpu.memory_space<vmem>>
        %dma_start3A_174 = tpu.memref_squeeze %dma_start3A_173 : memref<1x1x112xi32, #tpu.memory_space<vmem>> -> memref<112xi32, #tpu.memory_space<vmem>>
        %dma_start3A_175 = arith.constant 0 : i32
        %dma_start3A_176 = arith.constant 0 : i32
        %dma_start3A_177 = tpu.memref_slice %arg2[%dma_start3A_175, %dma_start3A_176] : memref<10000x128xf32, #tpu.memory_space<hbm>> -> memref<10000x128xf32, #tpu.memory_space<hbm>>
        %dma_start3A_178 = tpu.memref_slice %arg11[%dma_start3A_167] : memref<3x!tpu.dma_semaphore, #tpu.memory_space<semaphore_mem>> -> memref<1x!tpu.dma_semaphore, #tpu.memory_space<semaphore_mem>>
        %dma_start3A_179 = tpu.memref_squeeze %dma_start3A_178 : memref<1x!tpu.dma_semaphore, #tpu.memory_space<semaphore_mem>> -> memref<!tpu.dma_semaphore, #tpu.memory_space<semaphore_mem>>
        tpu.enqueue_indirect_dma source(%dma_start3A_177 : memref<10000x128xf32, #tpu.memory_space<hbm>>) target(%dma_start3A_171 : memref<112x128xf32, #tpu.memory_space<vmem>>) offsets(%dma_start3A_174 : memref<112xi32, #tpu.memory_space<vmem>>) semaphore(%dma_start3A_179 : memref<!tpu.dma_semaphore, #tpu.memory_space<semaphore_mem>>)
      } else {
      }
      %scan3A_63 = arith.constant 0 : i32
      %scan3A_64 = arith.constant 0 : i32
      %scan3A_65 = arith.constant 5 : i32
      %scan3A_66 = arith.addi %scan3A_64, %scan3A_65 : i32
      %scan3A_67 = arith.constant 1 : i32
      scf.for %scan3A_124 = %scan3A_64 to %scan3A_66 step %scan3A_67  : i32 {
        %mul3A_125 = arith.constant 3 : i32
        %mul3A_126 = arith.muli %scan3A_124, %mul3A_125 : i32
        %add3A_127 = arith.constant 0 : i32
        %add3A_128 = arith.addi %mul3A_126, %add3A_127 : i32
        %dma_wait3A_129 = arith.constant 0 : i32
        %dma_wait3A_130 = arith.constant 0 : i32
        %dma_wait3A_131 = arith.constant 0 : i32
        %dma_wait3A_132 = arith.constant 0 : i32
        %dma_wait3A_133 = arith.constant 0 : i32
        %dma_wait3A_134 = tpu.memref_slice %arg9[%dma_wait3A_130, %dma_wait3A_132, %dma_wait3A_133] : memref<3x112x128xf32, #tpu.memory_space<vmem>> -> memref<1x112x128xf32, #tpu.memory_space<vmem>>
        %dma_wait3A_135 = tpu.memref_squeeze %dma_wait3A_134 : memref<1x112x128xf32, #tpu.memory_space<vmem>> -> memref<112x128xf32, #tpu.memory_space<vmem>>
        %dma_wait3A_136 = arith.constant 0 : i32
        %dma_wait3A_137 = tpu.memref_slice %arg7[%add3A_128, %dma_wait3A_129, %dma_wait3A_136] : memref<18x1x112xi32, #tpu.memory_space<vmem>> -> memref<1x1x112xi32, #tpu.memory_space<vmem>>
        %dma_wait3A_138 = tpu.memref_squeeze %dma_wait3A_137 : memref<1x1x112xi32, #tpu.memory_space<vmem>> -> memref<112xi32, #tpu.memory_space<vmem>>
        %dma_wait3A_139 = arith.constant 0 : i32
        %dma_wait3A_140 = arith.constant 0 : i32
        %dma_wait3A_141 = tpu.memref_slice %arg2[%dma_wait3A_139, %dma_wait3A_140] : memref<10000x128xf32, #tpu.memory_space<hbm>> -> memref<10000x128xf32, #tpu.memory_space<hbm>>
        %dma_wait3A_142 = tpu.memref_slice %arg11[%dma_wait3A_131] : memref<3x!tpu.dma_semaphore, #tpu.memory_space<semaphore_mem>> -> memref<1x!tpu.dma_semaphore, #tpu.memory_space<semaphore_mem>>
        %dma_wait3A_143 = tpu.memref_squeeze %dma_wait3A_142 : memref<1x!tpu.dma_semaphore, #tpu.memory_space<semaphore_mem>> -> memref<!tpu.dma_semaphore, #tpu.memory_space<semaphore_mem>>
        tpu.wait_indirect_dma semaphore(%dma_wait3A_143 : memref<!tpu.dma_semaphore, #tpu.memory_space<semaphore_mem>>) src(%dma_wait3A_141 : memref<10000x128xf32, #tpu.memory_space<hbm>>) dst(%dma_wait3A_135 : memref<112x128xf32, #tpu.memory_space<vmem>>)
        %run_scoped3A_144 = arith.constant 0 : i32
        %run_scoped3A_145 = arith.constant 0 : i32
        "tpu.region"() ({
          %run_scoped3A_239 = tpu.sem_alloc : memref<!tpu.dma_semaphore, #tpu.memory_space<semaphore_mem>>
          %dma_start3A_240 = arith.constant 0 : i32
          %dma_start3A_241 = arith.constant 0 : i32
          %dma_start3A_242 = tpu.memref_slice %arg9[%run_scoped3A_144, %dma_start3A_240, %dma_start3A_241] : memref<3x112x128xf32, #tpu.memory_space<vmem>> -> memref<1x112x128xf32, #tpu.memory_space<vmem>>
          %dma_start3A_243 = tpu.memref_squeeze %dma_start3A_242 : memref<1x112x128xf32, #tpu.memory_space<vmem>> -> memref<112x128xf32, #tpu.memory_space<vmem>>
          %dma_start3A_244 = arith.constant 0 : i32
          %dma_start3A_245 = tpu.memref_slice %arg8[%add3A_128, %run_scoped3A_145, %dma_start3A_244] : memref<18x1x112xi32, #tpu.memory_space<vmem>> -> memref<1x1x112xi32, #tpu.memory_space<vmem>>
          %dma_start3A_246 = tpu.memref_squeeze %dma_start3A_245 : memref<1x1x112xi32, #tpu.memory_space<vmem>> -> memref<112xi32, #tpu.memory_space<vmem>>
          %dma_start3A_247 = arith.constant 0 : i32
          %dma_start3A_248 = arith.constant 0 : i32
          %dma_start3A_249 = tpu.memref_slice %arg10[%dma_start3A_247, %dma_start3A_248] : memref<10112x128xf32, #tpu.memory_space<vmem_shared>> -> memref<10112x128xf32, #tpu.memory_space<vmem_shared>>
          tpu.enqueue_indirect_dma source(%dma_start3A_243 : memref<112x128xf32, #tpu.memory_space<vmem>>) target(%dma_start3A_249 : memref<10112x128xf32, #tpu.memory_space<vmem_shared>>) offsets(%dma_start3A_246 : memref<112xi32, #tpu.memory_space<vmem>>) semaphore(%run_scoped3A_239 : memref<!tpu.dma_semaphore, #tpu.memory_space<semaphore_mem>>) {add = true}
          %dma_wait3A_250 = arith.constant 0 : i32
          %dma_wait3A_251 = arith.constant 0 : i32
          %dma_wait3A_252 = tpu.memref_slice %arg9[%run_scoped3A_144, %dma_wait3A_250, %dma_wait3A_251] : memref<3x112x128xf32, #tpu.memory_space<vmem>> -> memref<1x112x128xf32, #tpu.memory_space<vmem>>
          %dma_wait3A_253 = tpu.memref_squeeze %dma_wait3A_252 : memref<1x112x128xf32, #tpu.memory_space<vmem>> -> memref<112x128xf32, #tpu.memory_space<vmem>>
          %dma_wait3A_254 = arith.constant 0 : i32
          %dma_wait3A_255 = tpu.memref_slice %arg8[%add3A_128, %run_scoped3A_145, %dma_wait3A_254] : memref<18x1x112xi32, #tpu.memory_space<vmem>> -> memref<1x1x112xi32, #tpu.memory_space<vmem>>
          %dma_wait3A_256 = tpu.memref_squeeze %dma_wait3A_255 : memref<1x1x112xi32, #tpu.memory_space<vmem>> -> memref<112xi32, #tpu.memory_space<vmem>>
          %dma_wait3A_257 = arith.constant 0 : i32
          %dma_wait3A_258 = arith.constant 0 : i32
          %dma_wait3A_259 = tpu.memref_slice %arg10[%dma_wait3A_257, %dma_wait3A_258] : memref<10112x128xf32, #tpu.memory_space<vmem_shared>> -> memref<10112x128xf32, #tpu.memory_space<vmem_shared>>
          tpu.wait_indirect_dma semaphore(%run_scoped3A_239 : memref<!tpu.dma_semaphore, #tpu.memory_space<semaphore_mem>>) src(%dma_wait3A_253 : memref<112x128xf32, #tpu.memory_space<vmem>>) dst(%dma_wait3A_259 : memref<10112x128xf32, #tpu.memory_space<vmem_shared>>)
          tpu.yield
        }) : () -> ()
        %add3A_146 = arith.constant 3 : i32
        %add3A_147 = arith.addi %add3A_128, %add3A_146 : i32
        %dma_start3A_148 = arith.constant 0 : i32
        %dma_start3A_149 = arith.constant 0 : i32
        %dma_start3A_150 = arith.constant 0 : i32
        %dma_start3A_151 = arith.constant 0 : i32
        %dma_start3A_152 = arith.constant 0 : i32
        %dma_start3A_153 = tpu.memref_slice %arg9[%dma_start3A_149, %dma_start3A_151, %dma_start3A_152] : memref<3x112x128xf32, #tpu.memory_space<vmem>> -> memref<1x112x128xf32, #tpu.memory_space<vmem>>
        %dma_start3A_154 = tpu.memref_squeeze %dma_start3A_153 : memref<1x112x128xf32, #tpu.memory_space<vmem>> -> memref<112x128xf32, #tpu.memory_space<vmem>>
        %dma_start3A_155 = arith.constant 0 : i32
        %dma_start3A_156 = tpu.memref_slice %arg7[%add3A_147, %dma_start3A_148, %dma_start3A_155] : memref<18x1x112xi32, #tpu.memory_space<vmem>> -> memref<1x1x112xi32, #tpu.memory_space<vmem>>
        %dma_start3A_157 = tpu.memref_squeeze %dma_start3A_156 : memref<1x1x112xi32, #tpu.memory_space<vmem>> -> memref<112xi32, #tpu.memory_space<vmem>>
        %dma_start3A_158 = arith.constant 0 : i32
        %dma_start3A_159 = arith.constant 0 : i32
        %dma_start3A_160 = tpu.memref_slice %arg2[%dma_start3A_158, %dma_start3A_159] : memref<10000x128xf32, #tpu.memory_space<hbm>> -> memref<10000x128xf32, #tpu.memory_space<hbm>>
        %dma_start3A_161 = tpu.memref_slice %arg11[%dma_start3A_150] : memref<3x!tpu.dma_semaphore, #tpu.memory_space<semaphore_mem>> -> memref<1x!tpu.dma_semaphore, #tpu.memory_space<semaphore_mem>>
        %dma_start3A_162 = tpu.memref_squeeze %dma_start3A_161 : memref<1x!tpu.dma_semaphore, #tpu.memory_space<semaphore_mem>> -> memref<!tpu.dma_semaphore, #tpu.memory_space<semaphore_mem>>
        tpu.enqueue_indirect_dma source(%dma_start3A_160 : memref<10000x128xf32, #tpu.memory_space<hbm>>) target(%dma_start3A_154 : memref<112x128xf32, #tpu.memory_space<vmem>>) offsets(%dma_start3A_157 : memref<112xi32, #tpu.memory_space<vmem>>) semaphore(%dma_start3A_162 : memref<!tpu.dma_semaphore, #tpu.memory_space<semaphore_mem>>)
        %mul3A_163 = arith.constant 3 : i32
        %mul3A_164 = arith.muli %scan3A_124, %mul3A_163 : i32
        %add3A_165 = arith.constant 1 : i32
        %add3A_166 = arith.addi %mul3A_164, %add3A_165 : i32
        %dma_wait3A_167 = arith.constant 0 : i32
        %dma_wait3A_168 = arith.constant 1 : i32
        %dma_wait3A_169 = arith.constant 1 : i32
        %dma_wait3A_170 = arith.constant 0 : i32
        %dma_wait3A_171 = arith.constant 0 : i32
        %dma_wait3A_172 = tpu.memref_slice %arg9[%dma_wait3A_168, %dma_wait3A_170, %dma_wait3A_171] : memref<3x112x128xf32, #tpu.memory_space<vmem>> -> memref<1x112x128xf32, #tpu.memory_space<vmem>>
        %dma_wait3A_173 = tpu.memref_squeeze %dma_wait3A_172 : memref<1x112x128xf32, #tpu.memory_space<vmem>> -> memref<112x128xf32, #tpu.memory_space<vmem>>
        %dma_wait3A_174 = arith.constant 0 : i32
        %dma_wait3A_175 = tpu.memref_slice %arg7[%add3A_166, %dma_wait3A_167, %dma_wait3A_174] : memref<18x1x112xi32, #tpu.memory_space<vmem>> -> memref<1x1x112xi32, #tpu.memory_space<vmem>>
        %dma_wait3A_176 = tpu.memref_squeeze %dma_wait3A_175 : memref<1x1x112xi32, #tpu.memory_space<vmem>> -> memref<112xi32, #tpu.memory_space<vmem>>
        %dma_wait3A_177 = arith.constant 0 : i32
        %dma_wait3A_178 = arith.constant 0 : i32
        %dma_wait3A_179 = tpu.memref_slice %arg2[%dma_wait3A_177, %dma_wait3A_178] : memref<10000x128xf32, #tpu.memory_space<hbm>> -> memref<10000x128xf32, #tpu.memory_space<hbm>>
        %dma_wait3A_180 = tpu.memref_slice %arg11[%dma_wait3A_169] : memref<3x!tpu.dma_semaphore, #tpu.memory_space<semaphore_mem>> -> memref<1x!tpu.dma_semaphore, #tpu.memory_space<semaphore_mem>>
        %dma_wait3A_181 = tpu.memref_squeeze %dma_wait3A_180 : memref<1x!tpu.dma_semaphore, #tpu.memory_space<semaphore_mem>> -> memref<!tpu.dma_semaphore, #tpu.memory_space<semaphore_mem>>
        tpu.wait_indirect_dma semaphore(%dma_wait3A_181 : memref<!tpu.dma_semaphore, #tpu.memory_space<semaphore_mem>>) src(%dma_wait3A_179 : memref<10000x128xf32, #tpu.memory_space<hbm>>) dst(%dma_wait3A_173 : memref<112x128xf32, #tpu.memory_space<vmem>>)
        %run_scoped3A_182 = arith.constant 1 : i32
        %run_scoped3A_183 = arith.constant 0 : i32
        "tpu.region"() ({
          %run_scoped3A_239 = tpu.sem_alloc : memref<!tpu.dma_semaphore, #tpu.memory_space<semaphore_mem>>
          %dma_start3A_240 = arith.constant 0 : i32
          %dma_start3A_241 = arith.constant 0 : i32
          %dma_start3A_242 = tpu.memref_slice %arg9[%run_scoped3A_182, %dma_start3A_240, %dma_start3A_241] : memref<3x112x128xf32, #tpu.memory_space<vmem>> -> memref<1x112x128xf32, #tpu.memory_space<vmem>>
          %dma_start3A_243 = tpu.memref_squeeze %dma_start3A_242 : memref<1x112x128xf32, #tpu.memory_space<vmem>> -> memref<112x128xf32, #tpu.memory_space<vmem>>
          %dma_start3A_244 = arith.constant 0 : i32
          %dma_start3A_245 = tpu.memref_slice %arg8[%add3A_166, %run_scoped3A_183, %dma_start3A_244] : memref<18x1x112xi32, #tpu.memory_space<vmem>> -> memref<1x1x112xi32, #tpu.memory_space<vmem>>
          %dma_start3A_246 = tpu.memref_squeeze %dma_start3A_245 : memref<1x1x112xi32, #tpu.memory_space<vmem>> -> memref<112xi32, #tpu.memory_space<vmem>>
          %dma_start3A_247 = arith.constant 0 : i32
          %dma_start3A_248 = arith.constant 0 : i32
          %dma_start3A_249 = tpu.memref_slice %arg10[%dma_start3A_247, %dma_start3A_248] : memref<10112x128xf32, #tpu.memory_space<vmem_shared>> -> memref<10112x128xf32, #tpu.memory_space<vmem_shared>>
          tpu.enqueue_indirect_dma source(%dma_start3A_243 : memref<112x128xf32, #tpu.memory_space<vmem>>) target(%dma_start3A_249 : memref<10112x128xf32, #tpu.memory_space<vmem_shared>>) offsets(%dma_start3A_246 : memref<112xi32, #tpu.memory_space<vmem>>) semaphore(%run_scoped3A_239 : memref<!tpu.dma_semaphore, #tpu.memory_space<semaphore_mem>>) {add = true}
          %dma_wait3A_250 = arith.constant 0 : i32
          %dma_wait3A_251 = arith.constant 0 : i32
          %dma_wait3A_252 = tpu.memref_slice %arg9[%run_scoped3A_182, %dma_wait3A_250, %dma_wait3A_251] : memref<3x112x128xf32, #tpu.memory_space<vmem>> -> memref<1x112x128xf32, #tpu.memory_space<vmem>>
          %dma_wait3A_253 = tpu.memref_squeeze %dma_wait3A_252 : memref<1x112x128xf32, #tpu.memory_space<vmem>> -> memref<112x128xf32, #tpu.memory_space<vmem>>
          %dma_wait3A_254 = arith.constant 0 : i32
          %dma_wait3A_255 = tpu.memref_slice %arg8[%add3A_166, %run_scoped3A_183, %dma_wait3A_254] : memref<18x1x112xi32, #tpu.memory_space<vmem>> -> memref<1x1x112xi32, #tpu.memory_space<vmem>>
          %dma_wait3A_256 = tpu.memref_squeeze %dma_wait3A_255 : memref<1x1x112xi32, #tpu.memory_space<vmem>> -> memref<112xi32, #tpu.memory_space<vmem>>
          %dma_wait3A_257 = arith.constant 0 : i32
          %dma_wait3A_258 = arith.constant 0 : i32
          %dma_wait3A_259 = tpu.memref_slice %arg10[%dma_wait3A_257, %dma_wait3A_258] : memref<10112x128xf32, #tpu.memory_space<vmem_shared>> -> memref<10112x128xf32, #tpu.memory_space<vmem_shared>>
          tpu.wait_indirect_dma semaphore(%run_scoped3A_239 : memref<!tpu.dma_semaphore, #tpu.memory_space<semaphore_mem>>) src(%dma_wait3A_253 : memref<112x128xf32, #tpu.memory_space<vmem>>) dst(%dma_wait3A_259 : memref<10112x128xf32, #tpu.memory_space<vmem_shared>>)
          tpu.yield
        }) : () -> ()
        %add3A_184 = arith.constant 3 : i32
        %add3A_185 = arith.addi %add3A_166, %add3A_184 : i32
        %dma_start3A_186 = arith.constant 0 : i32
        %dma_start3A_187 = arith.constant 1 : i32
        %dma_start3A_188 = arith.constant 1 : i32
        %dma_start3A_189 = arith.constant 0 : i32
        %dma_start3A_190 = arith.constant 0 : i32
        %dma_start3A_191 = tpu.memref_slice %arg9[%dma_start3A_187, %dma_start3A_189, %dma_start3A_190] : memref<3x112x128xf32, #tpu.memory_space<vmem>> -> memref<1x112x128xf32, #tpu.memory_space<vmem>>
        %dma_start3A_192 = tpu.memref_squeeze %dma_start3A_191 : memref<1x112x128xf32, #tpu.memory_space<vmem>> -> memref<112x128xf32, #tpu.memory_space<vmem>>
        %dma_start3A_193 = arith.constant 0 : i32
        %dma_start3A_194 = tpu.memref_slice %arg7[%add3A_185, %dma_start3A_186, %dma_start3A_193] : memref<18x1x112xi32, #tpu.memory_space<vmem>> -> memref<1x1x112xi32, #tpu.memory_space<vmem>>
        %dma_start3A_195 = tpu.memref_squeeze %dma_start3A_194 : memref<1x1x112xi32, #tpu.memory_space<vmem>> -> memref<112xi32, #tpu.memory_space<vmem>>
        %dma_start3A_196 = arith.constant 0 : i32
        %dma_start3A_197 = arith.constant 0 : i32
        %dma_start3A_198 = tpu.memref_slice %arg2[%dma_start3A_196, %dma_start3A_197] : memref<10000x128xf32, #tpu.memory_space<hbm>> -> memref<10000x128xf32, #tpu.memory_space<hbm>>
        %dma_start3A_199 = tpu.memref_slice %arg11[%dma_start3A_188] : memref<3x!tpu.dma_semaphore, #tpu.memory_space<semaphore_mem>> -> memref<1x!tpu.dma_semaphore, #tpu.memory_space<semaphore_mem>>
        %dma_start3A_200 = tpu.memref_squeeze %dma_start3A_199 : memref<1x!tpu.dma_semaphore, #tpu.memory_space<semaphore_mem>> -> memref<!tpu.dma_semaphore, #tpu.memory_space<semaphore_mem>>
        tpu.enqueue_indirect_dma source(%dma_start3A_198 : memref<10000x128xf32, #tpu.memory_space<hbm>>) target(%dma_start3A_192 : memref<112x128xf32, #tpu.memory_space<vmem>>) offsets(%dma_start3A_195 : memref<112xi32, #tpu.memory_space<vmem>>) semaphore(%dma_start3A_200 : memref<!tpu.dma_semaphore, #tpu.memory_space<semaphore_mem>>)
        %mul3A_201 = arith.constant 3 : i32
        %mul3A_202 = arith.muli %scan3A_124, %mul3A_201 : i32
        %add3A_203 = arith.constant 2 : i32
        %add3A_204 = arith.addi %mul3A_202, %add3A_203 : i32
        %dma_wait3A_205 = arith.constant 0 : i32
        %dma_wait3A_206 = arith.constant 2 : i32
        %dma_wait3A_207 = arith.constant 2 : i32
        %dma_wait3A_208 = arith.constant 0 : i32
        %dma_wait3A_209 = arith.constant 0 : i32
        %dma_wait3A_210 = tpu.memref_slice %arg9[%dma_wait3A_206, %dma_wait3A_208, %dma_wait3A_209] : memref<3x112x128xf32, #tpu.memory_space<vmem>> -> memref<1x112x128xf32, #tpu.memory_space<vmem>>
        %dma_wait3A_211 = tpu.memref_squeeze %dma_wait3A_210 : memref<1x112x128xf32, #tpu.memory_space<vmem>> -> memref<112x128xf32, #tpu.memory_space<vmem>>
        %dma_wait3A_212 = arith.constant 0 : i32
        %dma_wait3A_213 = tpu.memref_slice %arg7[%add3A_204, %dma_wait3A_205, %dma_wait3A_212] : memref<18x1x112xi32, #tpu.memory_space<vmem>> -> memref<1x1x112xi32, #tpu.memory_space<vmem>>
        %dma_wait3A_214 = tpu.memref_squeeze %dma_wait3A_213 : memref<1x1x112xi32, #tpu.memory_space<vmem>> -> memref<112xi32, #tpu.memory_space<vmem>>
        %dma_wait3A_215 = arith.constant 0 : i32
        %dma_wait3A_216 = arith.constant 0 : i32
        %dma_wait3A_217 = tpu.memref_slice %arg2[%dma_wait3A_215, %dma_wait3A_216] : memref<10000x128xf32, #tpu.memory_space<hbm>> -> memref<10000x128xf32, #tpu.memory_space<hbm>>
        %dma_wait3A_218 = tpu.memref_slice %arg11[%dma_wait3A_207] : memref<3x!tpu.dma_semaphore, #tpu.memory_space<semaphore_mem>> -> memref<1x!tpu.dma_semaphore, #tpu.memory_space<semaphore_mem>>
        %dma_wait3A_219 = tpu.memref_squeeze %dma_wait3A_218 : memref<1x!tpu.dma_semaphore, #tpu.memory_space<semaphore_mem>> -> memref<!tpu.dma_semaphore, #tpu.memory_space<semaphore_mem>>
        tpu.wait_indirect_dma semaphore(%dma_wait3A_219 : memref<!tpu.dma_semaphore, #tpu.memory_space<semaphore_mem>>) src(%dma_wait3A_217 : memref<10000x128xf32, #tpu.memory_space<hbm>>) dst(%dma_wait3A_211 : memref<112x128xf32, #tpu.memory_space<vmem>>)
        %run_scoped3A_220 = arith.constant 2 : i32
        %run_scoped3A_221 = arith.constant 0 : i32
        "tpu.region"() ({
          %run_scoped3A_239 = tpu.sem_alloc : memref<!tpu.dma_semaphore, #tpu.memory_space<semaphore_mem>>
          %dma_start3A_240 = arith.constant 0 : i32
          %dma_start3A_241 = arith.constant 0 : i32
          %dma_start3A_242 = tpu.memref_slice %arg9[%run_scoped3A_220, %dma_start3A_240, %dma_start3A_241] : memref<3x112x128xf32, #tpu.memory_space<vmem>> -> memref<1x112x128xf32, #tpu.memory_space<vmem>>
          %dma_start3A_243 = tpu.memref_squeeze %dma_start3A_242 : memref<1x112x128xf32, #tpu.memory_space<vmem>> -> memref<112x128xf32, #tpu.memory_space<vmem>>
          %dma_start3A_244 = arith.constant 0 : i32
          %dma_start3A_245 = tpu.memref_slice %arg8[%add3A_204, %run_scoped3A_221, %dma_start3A_244] : memref<18x1x112xi32, #tpu.memory_space<vmem>> -> memref<1x1x112xi32, #tpu.memory_space<vmem>>
          %dma_start3A_246 = tpu.memref_squeeze %dma_start3A_245 : memref<1x1x112xi32, #tpu.memory_space<vmem>> -> memref<112xi32, #tpu.memory_space<vmem>>
          %dma_start3A_247 = arith.constant 0 : i32
          %dma_start3A_248 = arith.constant 0 : i32
          %dma_start3A_249 = tpu.memref_slice %arg10[%dma_start3A_247, %dma_start3A_248] : memref<10112x128xf32, #tpu.memory_space<vmem_shared>> -> memref<10112x128xf32, #tpu.memory_space<vmem_shared>>
          tpu.enqueue_indirect_dma source(%dma_start3A_243 : memref<112x128xf32, #tpu.memory_space<vmem>>) target(%dma_start3A_249 : memref<10112x128xf32, #tpu.memory_space<vmem_shared>>) offsets(%dma_start3A_246 : memref<112xi32, #tpu.memory_space<vmem>>) semaphore(%run_scoped3A_239 : memref<!tpu.dma_semaphore, #tpu.memory_space<semaphore_mem>>) {add = true}
          %dma_wait3A_250 = arith.constant 0 : i32
          %dma_wait3A_251 = arith.constant 0 : i32
          %dma_wait3A_252 = tpu.memref_slice %arg9[%run_scoped3A_220, %dma_wait3A_250, %dma_wait3A_251] : memref<3x112x128xf32, #tpu.memory_space<vmem>> -> memref<1x112x128xf32, #tpu.memory_space<vmem>>
          %dma_wait3A_253 = tpu.memref_squeeze %dma_wait3A_252 : memref<1x112x128xf32, #tpu.memory_space<vmem>> -> memref<112x128xf32, #tpu.memory_space<vmem>>
          %dma_wait3A_254 = arith.constant 0 : i32
          %dma_wait3A_255 = tpu.memref_slice %arg8[%add3A_204, %run_scoped3A_221, %dma_wait3A_254] : memref<18x1x112xi32, #tpu.memory_space<vmem>> -> memref<1x1x112xi32, #tpu.memory_space<vmem>>
          %dma_wait3A_256 = tpu.memref_squeeze %dma_wait3A_255 : memref<1x1x112xi32, #tpu.memory_space<vmem>> -> memref<112xi32, #tpu.memory_space<vmem>>
          %dma_wait3A_257 = arith.constant 0 : i32
          %dma_wait3A_258 = arith.constant 0 : i32
          %dma_wait3A_259 = tpu.memref_slice %arg10[%dma_wait3A_257, %dma_wait3A_258] : memref<10112x128xf32, #tpu.memory_space<vmem_shared>> -> memref<10112x128xf32, #tpu.memory_space<vmem_shared>>
          tpu.wait_indirect_dma semaphore(%run_scoped3A_239 : memref<!tpu.dma_semaphore, #tpu.memory_space<semaphore_mem>>) src(%dma_wait3A_253 : memref<112x128xf32, #tpu.memory_space<vmem>>) dst(%dma_wait3A_259 : memref<10112x128xf32, #tpu.memory_space<vmem_shared>>)
          tpu.yield
        }) : () -> ()
        %add3A_222 = arith.constant 3 : i32
        %add3A_223 = arith.addi %add3A_204, %add3A_222 : i32
        %dma_start3A_224 = arith.constant 0 : i32
        %dma_start3A_225 = arith.constant 2 : i32
        %dma_start3A_226 = arith.constant 2 : i32
        %dma_start3A_227 = arith.constant 0 : i32
        %dma_start3A_228 = arith.constant 0 : i32
        %dma_start3A_229 = tpu.memref_slice %arg9[%dma_start3A_225, %dma_start3A_227, %dma_start3A_228] : memref<3x112x128xf32, #tpu.memory_space<vmem>> -> memref<1x112x128xf32, #tpu.memory_space<vmem>>
        %dma_start3A_230 = tpu.memref_squeeze %dma_start3A_229 : memref<1x112x128xf32, #tpu.memory_space<vmem>> -> memref<112x128xf32, #tpu.memory_space<vmem>>
        %dma_start3A_231 = arith.constant 0 : i32
        %dma_start3A_232 = tpu.memref_slice %arg7[%add3A_223, %dma_start3A_224, %dma_start3A_231] : memref<18x1x112xi32, #tpu.memory_space<vmem>> -> memref<1x1x112xi32, #tpu.memory_space<vmem>>
        %dma_start3A_233 = tpu.memref_squeeze %dma_start3A_232 : memref<1x1x112xi32, #tpu.memory_space<vmem>> -> memref<112xi32, #tpu.memory_space<vmem>>
        %dma_start3A_234 = arith.constant 0 : i32
        %dma_start3A_235 = arith.constant 0 : i32
        %dma_start3A_236 = tpu.memref_slice %arg2[%dma_start3A_234, %dma_start3A_235] : memref<10000x128xf32, #tpu.memory_space<hbm>> -> memref<10000x128xf32, #tpu.memory_space<hbm>>
        %dma_start3A_237 = tpu.memref_slice %arg11[%dma_start3A_226] : memref<3x!tpu.dma_semaphore, #tpu.memory_space<semaphore_mem>> -> memref<1x!tpu.dma_semaphore, #tpu.memory_space<semaphore_mem>>
        %dma_start3A_238 = tpu.memref_squeeze %dma_start3A_237 : memref<1x!tpu.dma_semaphore, #tpu.memory_space<semaphore_mem>> -> memref<!tpu.dma_semaphore, #tpu.memory_space<semaphore_mem>>
        tpu.enqueue_indirect_dma source(%dma_start3A_236 : memref<10000x128xf32, #tpu.memory_space<hbm>>) target(%dma_start3A_230 : memref<112x128xf32, #tpu.memory_space<vmem>>) offsets(%dma_start3A_233 : memref<112xi32, #tpu.memory_space<vmem>>) semaphore(%dma_start3A_238 : memref<!tpu.dma_semaphore, #tpu.memory_space<semaphore_mem>>)
      }
      %scan3A_68 = arith.constant 5 : i32
      %dma_wait3A = arith.constant 15 : i32
      %dma_wait3A_69 = arith.constant 0 : i32
      %dma_wait3A_70 = arith.constant 0 : i32
      %dma_wait3A_71 = arith.constant 0 : i32
      %dma_wait3A_72 = arith.constant 0 : i32
      %dma_wait3A_73 = arith.constant 0 : i32
      %dma_wait3A_74 = tpu.memref_slice %arg9[%dma_wait3A_70, %dma_wait3A_72, %dma_wait3A_73] : memref<3x112x128xf32, #tpu.memory_space<vmem>> -> memref<1x112x128xf32, #tpu.memory_space<vmem>>
      %dma_wait3A_75 = tpu.memref_squeeze %dma_wait3A_74 : memref<1x112x128xf32, #tpu.memory_space<vmem>> -> memref<112x128xf32, #tpu.memory_space<vmem>>
      %dma_wait3A_76 = arith.constant 0 : i32
      %dma_wait3A_77 = tpu.memref_slice %arg7[%dma_wait3A, %dma_wait3A_69, %dma_wait3A_76] : memref<18x1x112xi32, #tpu.memory_space<vmem>> -> memref<1x1x112xi32, #tpu.memory_space<vmem>>
      %dma_wait3A_78 = tpu.memref_squeeze %dma_wait3A_77 : memref<1x1x112xi32, #tpu.memory_space<vmem>> -> memref<112xi32, #tpu.memory_space<vmem>>
      %dma_wait3A_79 = arith.constant 0 : i32
      %dma_wait3A_80 = arith.constant 0 : i32
      %dma_wait3A_81 = tpu.memref_slice %arg2[%dma_wait3A_79, %dma_wait3A_80] : memref<10000x128xf32, #tpu.memory_space<hbm>> -> memref<10000x128xf32, #tpu.memory_space<hbm>>
      %dma_wait3A_82 = tpu.memref_slice %arg11[%dma_wait3A_71] : memref<3x!tpu.dma_semaphore, #tpu.memory_space<semaphore_mem>> -> memref<1x!tpu.dma_semaphore, #tpu.memory_space<semaphore_mem>>
      %dma_wait3A_83 = tpu.memref_squeeze %dma_wait3A_82 : memref<1x!tpu.dma_semaphore, #tpu.memory_space<semaphore_mem>> -> memref<!tpu.dma_semaphore, #tpu.memory_space<semaphore_mem>>
      tpu.wait_indirect_dma semaphore(%dma_wait3A_83 : memref<!tpu.dma_semaphore, #tpu.memory_space<semaphore_mem>>) src(%dma_wait3A_81 : memref<10000x128xf32, #tpu.memory_space<hbm>>) dst(%dma_wait3A_75 : memref<112x128xf32, #tpu.memory_space<vmem>>)
      %run_scoped3A = arith.constant 0 : i32
      %run_scoped3A_84 = arith.constant 15 : i32
      %run_scoped3A_85 = arith.constant 0 : i32
      "tpu.region"() ({
        %run_scoped3A_124 = tpu.sem_alloc : memref<!tpu.dma_semaphore, #tpu.memory_space<semaphore_mem>>
        %dma_start3A_125 = arith.constant 0 : i32
        %dma_start3A_126 = arith.constant 0 : i32
        %dma_start3A_127 = tpu.memref_slice %arg9[%run_scoped3A, %dma_start3A_125, %dma_start3A_126] : memref<3x112x128xf32, #tpu.memory_space<vmem>> -> memref<1x112x128xf32, #tpu.memory_space<vmem>>
        %dma_start3A_128 = tpu.memref_squeeze %dma_start3A_127 : memref<1x112x128xf32, #tpu.memory_space<vmem>> -> memref<112x128xf32, #tpu.memory_space<vmem>>
        %dma_start3A_129 = arith.constant 0 : i32
        %dma_start3A_130 = tpu.memref_slice %arg8[%run_scoped3A_84, %run_scoped3A_85, %dma_start3A_129] : memref<18x1x112xi32, #tpu.memory_space<vmem>> -> memref<1x1x112xi32, #tpu.memory_space<vmem>>
        %dma_start3A_131 = tpu.memref_squeeze %dma_start3A_130 : memref<1x1x112xi32, #tpu.memory_space<vmem>> -> memref<112xi32, #tpu.memory_space<vmem>>
        %dma_start3A_132 = arith.constant 0 : i32
        %dma_start3A_133 = arith.constant 0 : i32
        %dma_start3A_134 = tpu.memref_slice %arg10[%dma_start3A_132, %dma_start3A_133] : memref<10112x128xf32, #tpu.memory_space<vmem_shared>> -> memref<10112x128xf32, #tpu.memory_space<vmem_shared>>
        tpu.enqueue_indirect_dma source(%dma_start3A_128 : memref<112x128xf32, #tpu.memory_space<vmem>>) target(%dma_start3A_134 : memref<10112x128xf32, #tpu.memory_space<vmem_shared>>) offsets(%dma_start3A_131 : memref<112xi32, #tpu.memory_space<vmem>>) semaphore(%run_scoped3A_124 : memref<!tpu.dma_semaphore, #tpu.memory_space<semaphore_mem>>) {add = true}
        %dma_wait3A_135 = arith.constant 0 : i32
        %dma_wait3A_136 = arith.constant 0 : i32
        %dma_wait3A_137 = tpu.memref_slice %arg9[%run_scoped3A, %dma_wait3A_135, %dma_wait3A_136] : memref<3x112x128xf32, #tpu.memory_space<vmem>> -> memref<1x112x128xf32, #tpu.memory_space<vmem>>
        %dma_wait3A_138 = tpu.memref_squeeze %dma_wait3A_137 : memref<1x112x128xf32, #tpu.memory_space<vmem>> -> memref<112x128xf32, #tpu.memory_space<vmem>>
        %dma_wait3A_139 = arith.constant 0 : i32
        %dma_wait3A_140 = tpu.memref_slice %arg8[%run_scoped3A_84, %run_scoped3A_85, %dma_wait3A_139] : memref<18x1x112xi32, #tpu.memory_space<vmem>> -> memref<1x1x112xi32, #tpu.memory_space<vmem>>
        %dma_wait3A_141 = tpu.memref_squeeze %dma_wait3A_140 : memref<1x1x112xi32, #tpu.memory_space<vmem>> -> memref<112xi32, #tpu.memory_space<vmem>>
        %dma_wait3A_142 = arith.constant 0 : i32
        %dma_wait3A_143 = arith.constant 0 : i32
        %dma_wait3A_144 = tpu.memref_slice %arg10[%dma_wait3A_142, %dma_wait3A_143] : memref<10112x128xf32, #tpu.memory_space<vmem_shared>> -> memref<10112x128xf32, #tpu.memory_space<vmem_shared>>
        tpu.wait_indirect_dma semaphore(%run_scoped3A_124 : memref<!tpu.dma_semaphore, #tpu.memory_space<semaphore_mem>>) src(%dma_wait3A_138 : memref<112x128xf32, #tpu.memory_space<vmem>>) dst(%dma_wait3A_144 : memref<10112x128xf32, #tpu.memory_space<vmem_shared>>)
        tpu.yield
      }) : () -> ()
      %dma_wait3A_86 = arith.constant 16 : i32
      %dma_wait3A_87 = arith.constant 0 : i32
      %dma_wait3A_88 = arith.constant 1 : i32
      %dma_wait3A_89 = arith.constant 1 : i32
      %dma_wait3A_90 = arith.constant 0 : i32
      %dma_wait3A_91 = arith.constant 0 : i32
      %dma_wait3A_92 = tpu.memref_slice %arg9[%dma_wait3A_88, %dma_wait3A_90, %dma_wait3A_91] : memref<3x112x128xf32, #tpu.memory_space<vmem>> -> memref<1x112x128xf32, #tpu.memory_space<vmem>>
      %dma_wait3A_93 = tpu.memref_squeeze %dma_wait3A_92 : memref<1x112x128xf32, #tpu.memory_space<vmem>> -> memref<112x128xf32, #tpu.memory_space<vmem>>
      %dma_wait3A_94 = arith.constant 0 : i32
      %dma_wait3A_95 = tpu.memref_slice %arg7[%dma_wait3A_86, %dma_wait3A_87, %dma_wait3A_94] : memref<18x1x112xi32, #tpu.memory_space<vmem>> -> memref<1x1x112xi32, #tpu.memory_space<vmem>>
      %dma_wait3A_96 = tpu.memref_squeeze %dma_wait3A_95 : memref<1x1x112xi32, #tpu.memory_space<vmem>> -> memref<112xi32, #tpu.memory_space<vmem>>
      %dma_wait3A_97 = arith.constant 0 : i32
      %dma_wait3A_98 = arith.constant 0 : i32
      %dma_wait3A_99 = tpu.memref_slice %arg2[%dma_wait3A_97, %dma_wait3A_98] : memref<10000x128xf32, #tpu.memory_space<hbm>> -> memref<10000x128xf32, #tpu.memory_space<hbm>>
      %dma_wait3A_100 = tpu.memref_slice %arg11[%dma_wait3A_89] : memref<3x!tpu.dma_semaphore, #tpu.memory_space<semaphore_mem>> -> memref<1x!tpu.dma_semaphore, #tpu.memory_space<semaphore_mem>>
      %dma_wait3A_101 = tpu.memref_squeeze %dma_wait3A_100 : memref<1x!tpu.dma_semaphore, #tpu.memory_space<semaphore_mem>> -> memref<!tpu.dma_semaphore, #tpu.memory_space<semaphore_mem>>
      tpu.wait_indirect_dma semaphore(%dma_wait3A_101 : memref<!tpu.dma_semaphore, #tpu.memory_space<semaphore_mem>>) src(%dma_wait3A_99 : memref<10000x128xf32, #tpu.memory_space<hbm>>) dst(%dma_wait3A_93 : memref<112x128xf32, #tpu.memory_space<vmem>>)
      %run_scoped3A_102 = arith.constant 1 : i32
      %run_scoped3A_103 = arith.constant 16 : i32
      %run_scoped3A_104 = arith.constant 0 : i32
      "tpu.region"() ({
        %run_scoped3A_124 = tpu.sem_alloc : memref<!tpu.dma_semaphore, #tpu.memory_space<semaphore_mem>>
        %dma_start3A_125 = arith.constant 0 : i32
        %dma_start3A_126 = arith.constant 0 : i32
        %dma_start3A_127 = tpu.memref_slice %arg9[%run_scoped3A_102, %dma_start3A_125, %dma_start3A_126] : memref<3x112x128xf32, #tpu.memory_space<vmem>> -> memref<1x112x128xf32, #tpu.memory_space<vmem>>
        %dma_start3A_128 = tpu.memref_squeeze %dma_start3A_127 : memref<1x112x128xf32, #tpu.memory_space<vmem>> -> memref<112x128xf32, #tpu.memory_space<vmem>>
        %dma_start3A_129 = arith.constant 0 : i32
        %dma_start3A_130 = tpu.memref_slice %arg8[%run_scoped3A_103, %run_scoped3A_104, %dma_start3A_129] : memref<18x1x112xi32, #tpu.memory_space<vmem>> -> memref<1x1x112xi32, #tpu.memory_space<vmem>>
        %dma_start3A_131 = tpu.memref_squeeze %dma_start3A_130 : memref<1x1x112xi32, #tpu.memory_space<vmem>> -> memref<112xi32, #tpu.memory_space<vmem>>
        %dma_start3A_132 = arith.constant 0 : i32
        %dma_start3A_133 = arith.constant 0 : i32
        %dma_start3A_134 = tpu.memref_slice %arg10[%dma_start3A_132, %dma_start3A_133] : memref<10112x128xf32, #tpu.memory_space<vmem_shared>> -> memref<10112x128xf32, #tpu.memory_space<vmem_shared>>
        tpu.enqueue_indirect_dma source(%dma_start3A_128 : memref<112x128xf32, #tpu.memory_space<vmem>>) target(%dma_start3A_134 : memref<10112x128xf32, #tpu.memory_space<vmem_shared>>) offsets(%dma_start3A_131 : memref<112xi32, #tpu.memory_space<vmem>>) semaphore(%run_scoped3A_124 : memref<!tpu.dma_semaphore, #tpu.memory_space<semaphore_mem>>) {add = true}
        %dma_wait3A_135 = arith.constant 0 : i32
        %dma_wait3A_136 = arith.constant 0 : i32
        %dma_wait3A_137 = tpu.memref_slice %arg9[%run_scoped3A_102, %dma_wait3A_135, %dma_wait3A_136] : memref<3x112x128xf32, #tpu.memory_space<vmem>> -> memref<1x112x128xf32, #tpu.memory_space<vmem>>
        %dma_wait3A_138 = tpu.memref_squeeze %dma_wait3A_137 : memref<1x112x128xf32, #tpu.memory_space<vmem>> -> memref<112x128xf32, #tpu.memory_space<vmem>>
        %dma_wait3A_139 = arith.constant 0 : i32
        %dma_wait3A_140 = tpu.memref_slice %arg8[%run_scoped3A_103, %run_scoped3A_104, %dma_wait3A_139] : memref<18x1x112xi32, #tpu.memory_space<vmem>> -> memref<1x1x112xi32, #tpu.memory_space<vmem>>
        %dma_wait3A_141 = tpu.memref_squeeze %dma_wait3A_140 : memref<1x1x112xi32, #tpu.memory_space<vmem>> -> memref<112xi32, #tpu.memory_space<vmem>>
        %dma_wait3A_142 = arith.constant 0 : i32
        %dma_wait3A_143 = arith.constant 0 : i32
        %dma_wait3A_144 = tpu.memref_slice %arg10[%dma_wait3A_142, %dma_wait3A_143] : memref<10112x128xf32, #tpu.memory_space<vmem_shared>> -> memref<10112x128xf32, #tpu.memory_space<vmem_shared>>
        tpu.wait_indirect_dma semaphore(%run_scoped3A_124 : memref<!tpu.dma_semaphore, #tpu.memory_space<semaphore_mem>>) src(%dma_wait3A_138 : memref<112x128xf32, #tpu.memory_space<vmem>>) dst(%dma_wait3A_144 : memref<10112x128xf32, #tpu.memory_space<vmem_shared>>)
        tpu.yield
      }) : () -> ()
      %dma_wait3A_105 = arith.constant 17 : i32
      %dma_wait3A_106 = arith.constant 0 : i32
      %dma_wait3A_107 = arith.constant 2 : i32
      %dma_wait3A_108 = arith.constant 2 : i32
      %dma_wait3A_109 = arith.constant 0 : i32
      %dma_wait3A_110 = arith.constant 0 : i32
      %dma_wait3A_111 = tpu.memref_slice %arg9[%dma_wait3A_107, %dma_wait3A_109, %dma_wait3A_110] : memref<3x112x128xf32, #tpu.memory_space<vmem>> -> memref<1x112x128xf32, #tpu.memory_space<vmem>>
      %dma_wait3A_112 = tpu.memref_squeeze %dma_wait3A_111 : memref<1x112x128xf32, #tpu.memory_space<vmem>> -> memref<112x128xf32, #tpu.memory_space<vmem>>
      %dma_wait3A_113 = arith.constant 0 : i32
      %dma_wait3A_114 = tpu.memref_slice %arg7[%dma_wait3A_105, %dma_wait3A_106, %dma_wait3A_113] : memref<18x1x112xi32, #tpu.memory_space<vmem>> -> memref<1x1x112xi32, #tpu.memory_space<vmem>>
      %dma_wait3A_115 = tpu.memref_squeeze %dma_wait3A_114 : memref<1x1x112xi32, #tpu.memory_space<vmem>> -> memref<112xi32, #tpu.memory_space<vmem>>
      %dma_wait3A_116 = arith.constant 0 : i32
      %dma_wait3A_117 = arith.constant 0 : i32
      %dma_wait3A_118 = tpu.memref_slice %arg2[%dma_wait3A_116, %dma_wait3A_117] : memref<10000x128xf32, #tpu.memory_space<hbm>> -> memref<10000x128xf32, #tpu.memory_space<hbm>>
      %dma_wait3A_119 = tpu.memref_slice %arg11[%dma_wait3A_108] : memref<3x!tpu.dma_semaphore, #tpu.memory_space<semaphore_mem>> -> memref<1x!tpu.dma_semaphore, #tpu.memory_space<semaphore_mem>>
      %dma_wait3A_120 = tpu.memref_squeeze %dma_wait3A_119 : memref<1x!tpu.dma_semaphore, #tpu.memory_space<semaphore_mem>> -> memref<!tpu.dma_semaphore, #tpu.memory_space<semaphore_mem>>
      tpu.wait_indirect_dma semaphore(%dma_wait3A_120 : memref<!tpu.dma_semaphore, #tpu.memory_space<semaphore_mem>>) src(%dma_wait3A_118 : memref<10000x128xf32, #tpu.memory_space<hbm>>) dst(%dma_wait3A_112 : memref<112x128xf32, #tpu.memory_space<vmem>>)
      %run_scoped3A_121 = arith.constant 2 : i32
      %run_scoped3A_122 = arith.constant 17 : i32
      %run_scoped3A_123 = arith.constant 0 : i32
      "tpu.region"() ({
        %run_scoped3A_124 = tpu.sem_alloc : memref<!tpu.dma_semaphore, #tpu.memory_space<semaphore_mem>>
        %dma_start3A_125 = arith.constant 0 : i32
        %dma_start3A_126 = arith.constant 0 : i32
        %dma_start3A_127 = tpu.memref_slice %arg9[%run_scoped3A_121, %dma_start3A_125, %dma_start3A_126] : memref<3x112x128xf32, #tpu.memory_space<vmem>> -> memref<1x112x128xf32, #tpu.memory_space<vmem>>
        %dma_start3A_128 = tpu.memref_squeeze %dma_start3A_127 : memref<1x112x128xf32, #tpu.memory_space<vmem>> -> memref<112x128xf32, #tpu.memory_space<vmem>>
        %dma_start3A_129 = arith.constant 0 : i32
        %dma_start3A_130 = tpu.memref_slice %arg8[%run_scoped3A_122, %run_scoped3A_123, %dma_start3A_129] : memref<18x1x112xi32, #tpu.memory_space<vmem>> -> memref<1x1x112xi32, #tpu.memory_space<vmem>>
        %dma_start3A_131 = tpu.memref_squeeze %dma_start3A_130 : memref<1x1x112xi32, #tpu.memory_space<vmem>> -> memref<112xi32, #tpu.memory_space<vmem>>
        %dma_start3A_132 = arith.constant 0 : i32
        %dma_start3A_133 = arith.constant 0 : i32
        %dma_start3A_134 = tpu.memref_slice %arg10[%dma_start3A_132, %dma_start3A_133] : memref<10112x128xf32, #tpu.memory_space<vmem_shared>> -> memref<10112x128xf32, #tpu.memory_space<vmem_shared>>
        tpu.enqueue_indirect_dma source(%dma_start3A_128 : memref<112x128xf32, #tpu.memory_space<vmem>>) target(%dma_start3A_134 : memref<10112x128xf32, #tpu.memory_space<vmem_shared>>) offsets(%dma_start3A_131 : memref<112xi32, #tpu.memory_space<vmem>>) semaphore(%run_scoped3A_124 : memref<!tpu.dma_semaphore, #tpu.memory_space<semaphore_mem>>) {add = true}
        %dma_wait3A_135 = arith.constant 0 : i32
        %dma_wait3A_136 = arith.constant 0 : i32
        %dma_wait3A_137 = tpu.memref_slice %arg9[%run_scoped3A_121, %dma_wait3A_135, %dma_wait3A_136] : memref<3x112x128xf32, #tpu.memory_space<vmem>> -> memref<1x112x128xf32, #tpu.memory_space<vmem>>
        %dma_wait3A_138 = tpu.memref_squeeze %dma_wait3A_137 : memref<1x112x128xf32, #tpu.memory_space<vmem>> -> memref<112x128xf32, #tpu.memory_space<vmem>>
        %dma_wait3A_139 = arith.constant 0 : i32
        %dma_wait3A_140 = tpu.memref_slice %arg8[%run_scoped3A_122, %run_scoped3A_123, %dma_wait3A_139] : memref<18x1x112xi32, #tpu.memory_space<vmem>> -> memref<1x1x112xi32, #tpu.memory_space<vmem>>
        %dma_wait3A_141 = tpu.memref_squeeze %dma_wait3A_140 : memref<1x1x112xi32, #tpu.memory_space<vmem>> -> memref<112xi32, #tpu.memory_space<vmem>>
        %dma_wait3A_142 = arith.constant 0 : i32
        %dma_wait3A_143 = arith.constant 0 : i32
        %dma_wait3A_144 = tpu.memref_slice %arg10[%dma_wait3A_142, %dma_wait3A_143] : memref<10112x128xf32, #tpu.memory_space<vmem_shared>> -> memref<10112x128xf32, #tpu.memory_space<vmem_shared>>
        tpu.wait_indirect_dma semaphore(%run_scoped3A_124 : memref<!tpu.dma_semaphore, #tpu.memory_space<semaphore_mem>>) src(%dma_wait3A_138 : memref<112x128xf32, #tpu.memory_space<vmem>>) dst(%dma_wait3A_144 : memref<10112x128xf32, #tpu.memory_space<vmem_shared>>)
        tpu.yield
      }) : () -> ()
    }
    %scan3A_58 = arith.constant 5 : i32
    %barrier3A_59 = arith.constant 0 : index
    tpu.barrier barrier_id(%barrier3A_59)
    "tpu.region"() ({
      %run_scoped3A = tpu.sem_alloc : memref<!tpu.dma_semaphore, #tpu.memory_space<semaphore_mem>>
      %dma_start3A_60 = arith.constant 0 : i32
      %dma_start3A_61 = tpu.memref_slice %arg6[%arg0, %mul3A_2, %dma_start3A_60] : memref<2x10112x128xf32, #tpu.memory_space<hbm>> -> memref<1x632x128xf32, #tpu.memory_space<hbm>>
      %dma_start3A_62 = tpu.memref_squeeze %dma_start3A_61 : memref<1x632x128xf32, #tpu.memory_space<hbm>> -> memref<632x128xf32, #tpu.memory_space<hbm>>
      %dma_start3A_63 = arith.constant 0 : i32
      %dma_start3A_64 = tpu.memref_slice %arg10[%mul3A_2, %dma_start3A_63] : memref<10112x128xf32, #tpu.memory_space<vmem_shared>> -> memref<632x128xf32, #tpu.memory_space<vmem_shared>>
      tpu.enqueue_dma source(%dma_start3A_64 : memref<632x128xf32, #tpu.memory_space<vmem_shared>>) target(%dma_start3A_62 : memref<632x128xf32, #tpu.memory_space<hbm>>) target_semaphore(%run_scoped3A : memref<!tpu.dma_semaphore, #tpu.memory_space<semaphore_mem>>)
      %dma_wait3A = arith.constant 0 : i32
      %dma_wait3A_65 = tpu.memref_slice %arg6[%arg0, %mul3A_2, %dma_wait3A] : memref<2x10112x128xf32, #tpu.memory_space<hbm>> -> memref<1x632x128xf32, #tpu.memory_space<hbm>>
      %dma_wait3A_66 = tpu.memref_squeeze %dma_wait3A_65 : memref<1x632x128xf32, #tpu.memory_space<hbm>> -> memref<632x128xf32, #tpu.memory_space<hbm>>
      %dma_wait3A_67 = arith.constant 0 : i32
      %dma_wait3A_68 = tpu.memref_slice %arg10[%mul3A_2, %dma_wait3A_67] : memref<10112x128xf32, #tpu.memory_space<vmem_shared>> -> memref<632x128xf32, #tpu.memory_space<vmem_shared>>
      tpu.wait_dma2 semaphore(%run_scoped3A : memref<!tpu.dma_semaphore, #tpu.memory_space<semaphore_mem>>) src(%dma_wait3A_68 : memref<632x128xf32, #tpu.memory_space<vmem_shared>>) dst(%dma_wait3A_66 : memref<632x128xf32, #tpu.memory_space<hbm>>)
      tpu.yield
    }) : () -> ()
    return
  }
}

#map = affine_map<(d0, d1) -> (0, 0)>
#map1 = affine_map<(d0, d1) -> (0, 0, 0)>
module attributes {stable_mosaic.version = 14 : i64} {
  func.func @body(%arg0: i32, %arg1: i32, %arg2: memref<10000x128xf32, #tpu.memory_space<hbm>>, %arg3: memref<2880x1x112xi32, #tpu.memory_space<hbm>>, %arg4: memref<2880x1x112xi32, #tpu.memory_space<hbm>>, %arg5: memref<10112x128xf32, #tpu.memory_space<hbm>>, %arg6: memref<2x10112x128xf32, #tpu.memory_space<hbm>>, %arg7: memref<18x1x112xi32, #tpu.memory_space<vmem>>, %arg8: memref<18x1x112xi32, #tpu.memory_space<vmem>>, %arg9: memref<3x112x128xf32, #tpu.memory_space<vmem>>, %arg10: memref<10112x128xf32, #tpu.memory_space<vmem_shared>>, %arg11: memref<3x!tpu.dma_semaphore, #tpu.memory_space<semaphore_mem>>) attributes {dimension_semantics = [#tpu.dimension_semantics<core_parallel>, #tpu.dimension_semantics<subcore_parallel>], iteration_bounds = array<i64: 2, 16>, scalar_prefetch = 0 : i64, scratch_operands = 5 : i64, tpu.core_type = #tpu.core_type<sc_vector_subcore>, window_params = [{transform_indices = #map}, {transform_indices = #map1}, {transform_indices = #map1}, {transform_indices = #map}, {transform_indices = #map1}]} {
    %mul3A = arith.constant 2 : i32
    %mul3A_0 = arith.muli %arg1, %mul3A : i32
    %add3A = arith.addi %mul3A_0, %arg0 : i32
    %mul3A_1 = arith.constant 632 : i32
    %mul3A_2 = arith.muli %arg1, %mul3A_1 : i32
    %mul3A_3 = arith.constant 90 : i32
    %mul3A_4 = arith.muli %add3A, %mul3A_3 : i32
    "tpu.region"() ({
      %run_scoped3A = tpu.sem_alloc : memref<!tpu.dma_semaphore, #tpu.memory_space<semaphore_mem>>
      %dma_start3A_60 = arith.constant 0 : i32
      %dma_start3A_61 = arith.constant 0 : i32
      %dma_start3A_62 = tpu.memref_slice %arg3[%mul3A_4, %dma_start3A_60, %dma_start3A_61] : memref<2880x1x112xi32, #tpu.memory_space<hbm>> -> memref<18x1x112xi32, #tpu.memory_space<hbm>>
      %dma_start3A_63 = arith.constant 0 : i32
      %dma_start3A_64 = arith.constant 0 : i32
      %dma_start3A_65 = tpu.memref_slice %arg3[%mul3A_4, %dma_start3A_63, %dma_start3A_64] : memref<2880x1x112xi32, #tpu.memory_space<hbm>> -> memref<18x1x112xi32, #tpu.memory_space<hbm>>
      tpu.enqueue_dma source(%dma_start3A_65 : memref<18x1x112xi32, #tpu.memory_space<hbm>>) target(%arg7 : memref<18x1x112xi32, #tpu.memory_space<vmem>>) target_semaphore(%run_scoped3A : memref<!tpu.dma_semaphore, #tpu.memory_space<semaphore_mem>>)
      %dma_wait3A = arith.constant 0 : i32
      %dma_wait3A_66 = arith.constant 0 : i32
      %dma_wait3A_67 = tpu.memref_slice %arg3[%mul3A_4, %dma_wait3A, %dma_wait3A_66] : memref<2880x1x112xi32, #tpu.memory_space<hbm>> -> memref<18x1x112xi32, #tpu.memory_space<hbm>>
      %dma_wait3A_68 = arith.constant 0 : i32
      %dma_wait3A_69 = arith.constant 0 : i32
      %dma_wait3A_70 = tpu.memref_slice %arg3[%mul3A_4, %dma_wait3A_68, %dma_wait3A_69] : memref<2880x1x112xi32, #tpu.memory_space<hbm>> -> memref<18x1x112xi32, #tpu.memory_space<hbm>>
      tpu.wait_dma2 semaphore(%run_scoped3A : memref<!tpu.dma_semaphore, #tpu.memory_space<semaphore_mem>>) src(%dma_wait3A_70 : memref<18x1x112xi32, #tpu.memory_space<hbm>>) dst(%arg7 : memref<18x1x112xi32, #tpu.memory_space<vmem>>)
      tpu.yield
    }) : () -> ()
    %mul3A_5 = arith.constant 90 : i32
    %mul3A_6 = arith.muli %add3A, %mul3A_5 : i32
    "tpu.region"() ({
      %run_scoped3A = tpu.sem_alloc : memref<!tpu.dma_semaphore, #tpu.memory_space<semaphore_mem>>
      %dma_start3A_60 = arith.constant 0 : i32
      %dma_start3A_61 = arith.constant 0 : i32
      %dma_start3A_62 = tpu.memref_slice %arg4[%mul3A_6, %dma_start3A_60, %dma_start3A_61] : memref<2880x1x112xi32, #tpu.memory_space<hbm>> -> memref<18x1x112xi32, #tpu.memory_space<hbm>>
      %dma_start3A_63 = arith.constant 0 : i32
      %dma_start3A_64 = arith.constant 0 : i32
      %dma_start3A_65 = tpu.memref_slice %arg4[%mul3A_6, %dma_start3A_63, %dma_start3A_64] : memref<2880x1x112xi32, #tpu.memory_space<hbm>> -> memref<18x1x112xi32, #tpu.memory_space<hbm>>
      tpu.enqueue_dma source(%dma_start3A_65 : memref<18x1x112xi32, #tpu.memory_space<hbm>>) target(%arg8 : memref<18x1x112xi32, #tpu.memory_space<vmem>>) target_semaphore(%run_scoped3A : memref<!tpu.dma_semaphore, #tpu.memory_space<semaphore_mem>>)
      %dma_wait3A = arith.constant 0 : i32
      %dma_wait3A_66 = arith.constant 0 : i32
      %dma_wait3A_67 = tpu.memref_slice %arg4[%mul3A_6, %dma_wait3A, %dma_wait3A_66] : memref<2880x1x112xi32, #tpu.memory_space<hbm>> -> memref<18x1x112xi32, #tpu.memory_space<hbm>>
      %dma_wait3A_68 = arith.constant 0 : i32
      %dma_wait3A_69 = arith.constant 0 : i32
      %dma_wait3A_70 = tpu.memref_slice %arg4[%mul3A_6, %dma_wait3A_68, %dma_wait3A_69] : memref<2880x1x112xi32, #tpu.memory_space<hbm>> -> memref<18x1x112xi32, #tpu.memory_space<hbm>>
      tpu.wait_dma2 semaphore(%run_scoped3A : memref<!tpu.dma_semaphore, #tpu.memory_space<semaphore_mem>>) src(%dma_wait3A_70 : memref<18x1x112xi32, #tpu.memory_space<hbm>>) dst(%arg8 : memref<18x1x112xi32, #tpu.memory_space<vmem>>)
      tpu.yield
    }) : () -> ()
    %dma_start3A = arith.constant 0 : i32
    %dma_start3A_7 = arith.constant 0 : i32
    %dma_start3A_8 = arith.constant 0 : i32
    %dma_start3A_9 = arith.constant 0 : i32
    %dma_start3A_10 = arith.constant 0 : i32
    %dma_start3A_11 = arith.constant 0 : i32
    %dma_start3A_12 = tpu.memref_slice %arg9[%dma_start3A_8, %dma_start3A_10, %dma_start3A_11] : memref<3x112x128xf32, #tpu.memory_space<vmem>> -> memref<1x112x128xf32, #tpu.memory_space<vmem>>
    %dma_start3A_13 = tpu.memref_squeeze %dma_start3A_12 : memref<1x112x128xf32, #tpu.memory_space<vmem>> -> memref<112x128xf32, #tpu.memory_space<vmem>>
    %dma_start3A_14 = arith.constant 0 : i32
    %dma_start3A_15 = tpu.memref_slice %arg7[%dma_start3A, %dma_start3A_7, %dma_start3A_14] : memref<18x1x112xi32, #tpu.memory_space<vmem>> -> memref<1x1x112xi32, #tpu.memory_space<vmem>>
    %dma_start3A_16 = tpu.memref_squeeze %dma_start3A_15 : memref<1x1x112xi32, #tpu.memory_space<vmem>> -> memref<112xi32, #tpu.memory_space<vmem>>
    %dma_start3A_17 = arith.constant 0 : i32
    %dma_start3A_18 = arith.constant 0 : i32
    %dma_start3A_19 = tpu.memref_slice %arg2[%dma_start3A_17, %dma_start3A_18] : memref<10000x128xf32, #tpu.memory_space<hbm>> -> memref<10000x128xf32, #tpu.memory_space<hbm>>
    %dma_start3A_20 = tpu.memref_slice %arg11[%dma_start3A_9] : memref<3x!tpu.dma_semaphore, #tpu.memory_space<semaphore_mem>> -> memref<1x!tpu.dma_semaphore, #tpu.memory_space<semaphore_mem>>
    %dma_start3A_21 = tpu.memref_squeeze %dma_start3A_20 : memref<1x!tpu.dma_semaphore, #tpu.memory_space<semaphore_mem>> -> memref<!tpu.dma_semaphore, #tpu.memory_space<semaphore_mem>>
    tpu.enqueue_indirect_dma source(%dma_start3A_19 : memref<10000x128xf32, #tpu.memory_space<hbm>>) target(%dma_start3A_13 : memref<112x128xf32, #tpu.memory_space<vmem>>) offsets(%dma_start3A_16 : memref<112xi32, #tpu.memory_space<vmem>>) semaphore(%dma_start3A_21 : memref<!tpu.dma_semaphore, #tpu.memory_space<semaphore_mem>>)
    %dma_start3A_22 = arith.constant 1 : i32
    %dma_start3A_23 = arith.constant 0 : i32
    %dma_start3A_24 = arith.constant 1 : i32
    %dma_start3A_25 = arith.constant 1 : i32
    %dma_start3A_26 = arith.constant 0 : i32
    %dma_start3A_27 = arith.constant 0 : i32
    %dma_start3A_28 = tpu.memref_slice %arg9[%dma_start3A_24, %dma_start3A_26, %dma_start3A_27] : memref<3x112x128xf32, #tpu.memory_space<vmem>> -> memref<1x112x128xf32, #tpu.memory_space<vmem>>
    %dma_start3A_29 = tpu.memref_squeeze %dma_start3A_28 : memref<1x112x128xf32, #tpu.memory_space<vmem>> -> memref<112x128xf32, #tpu.memory_space<vmem>>
    %dma_start3A_30 = arith.constant 0 : i32
    %dma_start3A_31 = tpu.memref_slice %arg7[%dma_start3A_22, %dma_start3A_23, %dma_start3A_30] : memref<18x1x112xi32, #tpu.memory_space<vmem>> -> memref<1x1x112xi32, #tpu.memory_space<vmem>>
    %dma_start3A_32 = tpu.memref_squeeze %dma_start3A_31 : memref<1x1x112xi32, #tpu.memory_space<vmem>> -> memref<112xi32, #tpu.memory_space<vmem>>
    %dma_start3A_33 = arith.constant 0 : i32
    %dma_start3A_34 = arith.constant 0 : i32
    %dma_start3A_35 = tpu.memref_slice %arg2[%dma_start3A_33, %dma_start3A_34] : memref<10000x128xf32, #tpu.memory_space<hbm>> -> memref<10000x128xf32, #tpu.memory_space<hbm>>
    %dma_start3A_36 = tpu.memref_slice %arg11[%dma_start3A_25] : memref<3x!tpu.dma_semaphore, #tpu.memory_space<semaphore_mem>> -> memref<1x!tpu.dma_semaphore, #tpu.memory_space<semaphore_mem>>
    %dma_start3A_37 = tpu.memref_squeeze %dma_start3A_36 : memref<1x!tpu.dma_semaphore, #tpu.memory_space<semaphore_mem>> -> memref<!tpu.dma_semaphore, #tpu.memory_space<semaphore_mem>>
    tpu.enqueue_indirect_dma source(%dma_start3A_35 : memref<10000x128xf32, #tpu.memory_space<hbm>>) target(%dma_start3A_29 : memref<112x128xf32, #tpu.memory_space<vmem>>) offsets(%dma_start3A_32 : memref<112xi32, #tpu.memory_space<vmem>>) semaphore(%dma_start3A_37 : memref<!tpu.dma_semaphore, #tpu.memory_space<semaphore_mem>>)
    %dma_start3A_38 = arith.constant 2 : i32
    %dma_start3A_39 = arith.constant 0 : i32
    %dma_start3A_40 = arith.constant 2 : i32
    %dma_start3A_41 = arith.constant 2 : i32
    %dma_start3A_42 = arith.constant 0 : i32
    %dma_start3A_43 = arith.constant 0 : i32
    %dma_start3A_44 = tpu.memref_slice %arg9[%dma_start3A_40, %dma_start3A_42, %dma_start3A_43] : memref<3x112x128xf32, #tpu.memory_space<vmem>> -> memref<1x112x128xf32, #tpu.memory_space<vmem>>
    %dma_start3A_45 = tpu.memref_squeeze %dma_start3A_44 : memref<1x112x128xf32, #tpu.memory_space<vmem>> -> memref<112x128xf32, #tpu.memory_space<vmem>>
    %dma_start3A_46 = arith.constant 0 : i32
    %dma_start3A_47 = tpu.memref_slice %arg7[%dma_start3A_38, %dma_start3A_39, %dma_start3A_46] : memref<18x1x112xi32, #tpu.memory_space<vmem>> -> memref<1x1x112xi32, #tpu.memory_space<vmem>>
    %dma_start3A_48 = tpu.memref_squeeze %dma_start3A_47 : memref<1x1x112xi32, #tpu.memory_space<vmem>> -> memref<112xi32, #tpu.memory_space<vmem>>
    %dma_start3A_49 = arith.constant 0 : i32
    %dma_start3A_50 = arith.constant 0 : i32
    %dma_start3A_51 = tpu.memref_slice %arg2[%dma_start3A_49, %dma_start3A_50] : memref<10000x128xf32, #tpu.memory_space<hbm>> -> memref<10000x128xf32, #tpu.memory_space<hbm>>
    %dma_start3A_52 = tpu.memref_slice %arg11[%dma_start3A_41] : memref<3x!tpu.dma_semaphore, #tpu.memory_space<semaphore_mem>> -> memref<1x!tpu.dma_semaphore, #tpu.memory_space<semaphore_mem>>
    %dma_start3A_53 = tpu.memref_squeeze %dma_start3A_52 : memref<1x!tpu.dma_semaphore, #tpu.memory_space<semaphore_mem>> -> memref<!tpu.dma_semaphore, #tpu.memory_space<semaphore_mem>>
    tpu.enqueue_indirect_dma source(%dma_start3A_51 : memref<10000x128xf32, #tpu.memory_space<hbm>>) target(%dma_start3A_45 : memref<112x128xf32, #tpu.memory_space<vmem>>) offsets(%dma_start3A_48 : memref<112xi32, #tpu.memory_space<vmem>>) semaphore(%dma_start3A_53 : memref<!tpu.dma_semaphore, #tpu.memory_space<semaphore_mem>>)
    "tpu.region"() ({
      %run_scoped3A = tpu.sem_alloc : memref<!tpu.dma_semaphore, #tpu.memory_space<semaphore_mem>>
      %dma_start3A_60 = arith.constant 0 : i32
      %dma_start3A_61 = tpu.memref_slice %arg10[%mul3A_2, %dma_start3A_60] : memref<10112x128xf32, #tpu.memory_space<vmem_shared>> -> memref<632x128xf32, #tpu.memory_space<vmem_shared>>
      %dma_start3A_62 = arith.constant 0 : i32
      %dma_start3A_63 = tpu.memref_slice %arg5[%mul3A_2, %dma_start3A_62] : memref<10112x128xf32, #tpu.memory_space<hbm>> -> memref<632x128xf32, #tpu.memory_space<hbm>>
      tpu.enqueue_dma source(%dma_start3A_63 : memref<632x128xf32, #tpu.memory_space<hbm>>) target(%dma_start3A_61 : memref<632x128xf32, #tpu.memory_space<vmem_shared>>) target_semaphore(%run_scoped3A : memref<!tpu.dma_semaphore, #tpu.memory_space<semaphore_mem>>)
      %dma_wait3A = arith.constant 0 : i32
      %dma_wait3A_64 = tpu.memref_slice %arg10[%mul3A_2, %dma_wait3A] : memref<10112x128xf32, #tpu.memory_space<vmem_shared>> -> memref<632x128xf32, #tpu.memory_space<vmem_shared>>
      %dma_wait3A_65 = arith.constant 0 : i32
      %dma_wait3A_66 = tpu.memref_slice %arg5[%mul3A_2, %dma_wait3A_65] : memref<10112x128xf32, #tpu.memory_space<hbm>> -> memref<632x128xf32, #tpu.memory_space<hbm>>
      tpu.wait_dma2 semaphore(%run_scoped3A : memref<!tpu.dma_semaphore, #tpu.memory_space<semaphore_mem>>) src(%dma_wait3A_66 : memref<632x128xf32, #tpu.memory_space<hbm>>) dst(%dma_wait3A_64 : memref<632x128xf32, #tpu.memory_space<vmem_shared>>)
      tpu.yield
    }) : () -> ()
    %barrier3A = arith.constant 0 : index
    tpu.barrier barrier_id(%barrier3A)
    %scan3A = arith.constant 0 : i32
    %scan3A_54 = arith.constant 0 : i32
    %scan3A_55 = arith.constant 5 : i32
    %scan3A_56 = arith.addi %scan3A_54, %scan3A_55 : i32
    %scan3A_57 = arith.constant 1 : i32
    scf.for %scan3A_60 = %scan3A_54 to %scan3A_56 step %scan3A_57  : i32 {
      %gt3A = arith.constant 0 : i32
      %gt3A_61 = arith.cmpi sgt, %scan3A_60, %gt3A : i32
      %convert_element_type3A = arith.extui %gt3A_61 : i1 to i32
      %cond3A = arith.constant 0 : i32
      %cond3A_62 = arith.cmpi ne, %convert_element_type3A, %cond3A : i32
      scf.if %cond3A_62 {
        %mul3A_124 = arith.constant 18 : i32
        %mul3A_125 = arith.muli %scan3A_60, %mul3A_124 : i32
        %mul3A_126 = arith.constant 90 : i32
        %mul3A_127 = arith.muli %add3A, %mul3A_126 : i32
        %add3A_128 = arith.addi %mul3A_127, %mul3A_125 : i32
        "tpu.region"() ({
          %run_scoped3A_180 = tpu.sem_alloc : memref<!tpu.dma_semaphore, #tpu.memory_space<semaphore_mem>>
          %dma_start3A_181 = arith.constant 0 : i32
          %dma_start3A_182 = arith.constant 0 : i32
          %dma_start3A_183 = tpu.memref_slice %arg3[%add3A_128, %dma_start3A_181, %dma_start3A_182] : memref<2880x1x112xi32, #tpu.memory_space<hbm>> -> memref<18x1x112xi32, #tpu.memory_space<hbm>>
          %dma_start3A_184 = arith.constant 0 : i32
          %dma_start3A_185 = arith.constant 0 : i32
          %dma_start3A_186 = tpu.memref_slice %arg3[%add3A_128, %dma_start3A_184, %dma_start3A_185] : memref<2880x1x112xi32, #tpu.memory_space<hbm>> -> memref<18x1x112xi32, #tpu.memory_space<hbm>>
          tpu.enqueue_dma source(%dma_start3A_186 : memref<18x1x112xi32, #tpu.memory_space<hbm>>) target(%arg7 : memref<18x1x112xi32, #tpu.memory_space<vmem>>) target_semaphore(%run_scoped3A_180 : memref<!tpu.dma_semaphore, #tpu.memory_space<semaphore_mem>>)
          %dma_wait3A_187 = arith.constant 0 : i32
          %dma_wait3A_188 = arith.constant 0 : i32
          %dma_wait3A_189 = tpu.memref_slice %arg3[%add3A_128, %dma_wait3A_187, %dma_wait3A_188] : memref<2880x1x112xi32, #tpu.memory_space<hbm>> -> memref<18x1x112xi32, #tpu.memory_space<hbm>>
          %dma_wait3A_190 = arith.constant 0 : i32
          %dma_wait3A_191 = arith.constant 0 : i32
          %dma_wait3A_192 = tpu.memref_slice %arg3[%add3A_128, %dma_wait3A_190, %dma_wait3A_191] : memref<2880x1x112xi32, #tpu.memory_space<hbm>> -> memref<18x1x112xi32, #tpu.memory_space<hbm>>
          tpu.wait_dma2 semaphore(%run_scoped3A_180 : memref<!tpu.dma_semaphore, #tpu.memory_space<semaphore_mem>>) src(%dma_wait3A_192 : memref<18x1x112xi32, #tpu.memory_space<hbm>>) dst(%arg7 : memref<18x1x112xi32, #tpu.memory_space<vmem>>)
          tpu.yield
        }) : () -> ()
        %mul3A_129 = arith.constant 90 : i32
        %mul3A_130 = arith.muli %add3A, %mul3A_129 : i32
        %add3A_131 = arith.addi %mul3A_130, %mul3A_125 : i32
        "tpu.region"() ({
          %run_scoped3A_180 = tpu.sem_alloc : memref<!tpu.dma_semaphore, #tpu.memory_space<semaphore_mem>>
          %dma_start3A_181 = arith.constant 0 : i32
          %dma_start3A_182 = arith.constant 0 : i32
          %dma_start3A_183 = tpu.memref_slice %arg4[%add3A_131, %dma_start3A_181, %dma_start3A_182] : memref<2880x1x112xi32, #tpu.memory_space<hbm>> -> memref<18x1x112xi32, #tpu.memory_space<hbm>>
          %dma_start3A_184 = arith.constant 0 : i32
          %dma_start3A_185 = arith.constant 0 : i32
          %dma_start3A_186 = tpu.memref_slice %arg4[%add3A_131, %dma_start3A_184, %dma_start3A_185] : memref<2880x1x112xi32, #tpu.memory_space<hbm>> -> memref<18x1x112xi32, #tpu.memory_space<hbm>>
          tpu.enqueue_dma source(%dma_start3A_186 : memref<18x1x112xi32, #tpu.memory_space<hbm>>) target(%arg8 : memref<18x1x112xi32, #tpu.memory_space<vmem>>) target_semaphore(%run_scoped3A_180 : memref<!tpu.dma_semaphore, #tpu.memory_space<semaphore_mem>>)
          %dma_wait3A_187 = arith.constant 0 : i32
          %dma_wait3A_188 = arith.constant 0 : i32
          %dma_wait3A_189 = tpu.memref_slice %arg4[%add3A_131, %dma_wait3A_187, %dma_wait3A_188] : memref<2880x1x112xi32, #tpu.memory_space<hbm>> -> memref<18x1x112xi32, #tpu.memory_space<hbm>>
          %dma_wait3A_190 = arith.constant 0 : i32
          %dma_wait3A_191 = arith.constant 0 : i32
          %dma_wait3A_192 = tpu.memref_slice %arg4[%add3A_131, %dma_wait3A_190, %dma_wait3A_191] : memref<2880x1x112xi32, #tpu.memory_space<hbm>> -> memref<18x1x112xi32, #tpu.memory_space<hbm>>
          tpu.wait_dma2 semaphore(%run_scoped3A_180 : memref<!tpu.dma_semaphore, #tpu.memory_space<semaphore_mem>>) src(%dma_wait3A_192 : memref<18x1x112xi32, #tpu.memory_space<hbm>>) dst(%arg8 : memref<18x1x112xi32, #tpu.memory_space<vmem>>)
          tpu.yield
        }) : () -> ()
        %dma_start3A_132 = arith.constant 0 : i32
        %dma_start3A_133 = arith.constant 0 : i32
        %dma_start3A_134 = arith.constant 0 : i32
        %dma_start3A_135 = arith.constant 0 : i32
        %dma_start3A_136 = arith.constant 0 : i32
        %dma_start3A_137 = arith.constant 0 : i32
        %dma_start3A_138 = tpu.memref_slice %arg9[%dma_start3A_134, %dma_start3A_136, %dma_start3A_137] : memref<3x112x128xf32, #tpu.memory_space<vmem>> -> memref<1x112x128xf32, #tpu.memory_space<vmem>>
        %dma_start3A_139 = tpu.memref_squeeze %dma_start3A_138 : memref<1x112x128xf32, #tpu.memory_space<vmem>> -> memref<112x128xf32, #tpu.memory_space<vmem>>
        %dma_start3A_140 = arith.constant 0 : i32
        %dma_start3A_141 = tpu.memref_slice %arg7[%dma_start3A_132, %dma_start3A_133, %dma_start3A_140] : memref<18x1x112xi32, #tpu.memory_space<vmem>> -> memref<1x1x112xi32, #tpu.memory_space<vmem>>
        %dma_start3A_142 = tpu.memref_squeeze %dma_start3A_141 : memref<1x1x112xi32, #tpu.memory_space<vmem>> -> memref<112xi32, #tpu.memory_space<vmem>>
        %dma_start3A_143 = arith.constant 0 : i32
        %dma_start3A_144 = arith.constant 0 : i32
        %dma_start3A_145 = tpu.memref_slice %arg2[%dma_start3A_143, %dma_start3A_144] : memref<10000x128xf32, #tpu.memory_space<hbm>> -> memref<10000x128xf32, #tpu.memory_space<hbm>>
        %dma_start3A_146 = tpu.memref_slice %arg11[%dma_start3A_135] : memref<3x!tpu.dma_semaphore, #tpu.memory_space<semaphore_mem>> -> memref<1x!tpu.dma_semaphore, #tpu.memory_space<semaphore_mem>>
        %dma_start3A_147 = tpu.memref_squeeze %dma_start3A_146 : memref<1x!tpu.dma_semaphore, #tpu.memory_space<semaphore_mem>> -> memref<!tpu.dma_semaphore, #tpu.memory_space<semaphore_mem>>
        tpu.enqueue_indirect_dma source(%dma_start3A_145 : memref<10000x128xf32, #tpu.memory_space<hbm>>) target(%dma_start3A_139 : memref<112x128xf32, #tpu.memory_space<vmem>>) offsets(%dma_start3A_142 : memref<112xi32, #tpu.memory_space<vmem>>) semaphore(%dma_start3A_147 : memref<!tpu.dma_semaphore, #tpu.memory_space<semaphore_mem>>)
        %dma_start3A_148 = arith.constant 1 : i32
        %dma_start3A_149 = arith.constant 0 : i32
        %dma_start3A_150 = arith.constant 1 : i32
        %dma_start3A_151 = arith.constant 1 : i32
        %dma_start3A_152 = arith.constant 0 : i32
        %dma_start3A_153 = arith.constant 0 : i32
        %dma_start3A_154 = tpu.memref_slice %arg9[%dma_start3A_150, %dma_start3A_152, %dma_start3A_153] : memref<3x112x128xf32, #tpu.memory_space<vmem>> -> memref<1x112x128xf32, #tpu.memory_space<vmem>>
        %dma_start3A_155 = tpu.memref_squeeze %dma_start3A_154 : memref<1x112x128xf32, #tpu.memory_space<vmem>> -> memref<112x128xf32, #tpu.memory_space<vmem>>
        %dma_start3A_156 = arith.constant 0 : i32
        %dma_start3A_157 = tpu.memref_slice %arg7[%dma_start3A_148, %dma_start3A_149, %dma_start3A_156] : memref<18x1x112xi32, #tpu.memory_space<vmem>> -> memref<1x1x112xi32, #tpu.memory_space<vmem>>
        %dma_start3A_158 = tpu.memref_squeeze %dma_start3A_157 : memref<1x1x112xi32, #tpu.memory_space<vmem>> -> memref<112xi32, #tpu.memory_space<vmem>>
        %dma_start3A_159 = arith.constant 0 : i32
        %dma_start3A_160 = arith.constant 0 : i32
        %dma_start3A_161 = tpu.memref_slice %arg2[%dma_start3A_159, %dma_start3A_160] : memref<10000x128xf32, #tpu.memory_space<hbm>> -> memref<10000x128xf32, #tpu.memory_space<hbm>>
        %dma_start3A_162 = tpu.memref_slice %arg11[%dma_start3A_151] : memref<3x!tpu.dma_semaphore, #tpu.memory_space<semaphore_mem>> -> memref<1x!tpu.dma_semaphore, #tpu.memory_space<semaphore_mem>>
        %dma_start3A_163 = tpu.memref_squeeze %dma_start3A_162 : memref<1x!tpu.dma_semaphore, #tpu.memory_space<semaphore_mem>> -> memref<!tpu.dma_semaphore, #tpu.memory_space<semaphore_mem>>
        tpu.enqueue_indirect_dma source(%dma_start3A_161 : memref<10000x128xf32, #tpu.memory_space<hbm>>) target(%dma_start3A_155 : memref<112x128xf32, #tpu.memory_space<vmem>>) offsets(%dma_start3A_158 : memref<112xi32, #tpu.memory_space<vmem>>) semaphore(%dma_start3A_163 : memref<!tpu.dma_semaphore, #tpu.memory_space<semaphore_mem>>)
        %dma_start3A_164 = arith.constant 2 : i32
        %dma_start3A_165 = arith.constant 0 : i32
        %dma_start3A_166 = arith.constant 2 : i32
        %dma_start3A_167 = arith.constant 2 : i32
        %dma_start3A_168 = arith.constant 0 : i32
        %dma_start3A_169 = arith.constant 0 : i32
        %dma_start3A_170 = tpu.memref_slice %arg9[%dma_start3A_166, %dma_start3A_168, %dma_start3A_169] : memref<3x112x128xf32, #tpu.memory_space<vmem>> -> memref<1x112x128xf32, #tpu.memory_space<vmem>>
        %dma_start3A_171 = tpu.memref_squeeze %dma_start3A_170 : memref<1x112x128xf32, #tpu.memory_space<vmem>> -> memref<112x128xf32, #tpu.memory_space<vmem>>
        %dma_start3A_172 = arith.constant 0 : i32
        %dma_start3A_173 = tpu.memref_slice %arg7[%dma_start3A_164, %dma_start3A_165, %dma_start3A_172] : memref<18x1x112xi32, #tpu.memory_space<vmem>> -> memref<1x1x112xi32, #tpu.memory_space<vmem>>
        %dma_start3A_174 = tpu.memref_squeeze %dma_start3A_173 : memref<1x1x112xi32, #tpu.memory_space<vmem>> -> memref<112xi32, #tpu.memory_space<vmem>>
        %dma_start3A_175 = arith.constant 0 : i32
        %dma_start3A_176 = arith.constant 0 : i32
        %dma_start3A_177 = tpu.memref_slice %arg2[%dma_start3A_175, %dma_start3A_176] : memref<10000x128xf32, #tpu.memory_space<hbm>> -> memref<10000x128xf32, #tpu.memory_space<hbm>>
        %dma_start3A_178 = tpu.memref_slice %arg11[%dma_start3A_167] : memref<3x!tpu.dma_semaphore, #tpu.memory_space<semaphore_mem>> -> memref<1x!tpu.dma_semaphore, #tpu.memory_space<semaphore_mem>>
        %dma_start3A_179 = tpu.memref_squeeze %dma_start3A_178 : memref<1x!tpu.dma_semaphore, #tpu.memory_space<semaphore_mem>> -> memref<!tpu.dma_semaphore, #tpu.memory_space<semaphore_mem>>
        tpu.enqueue_indirect_dma source(%dma_start3A_177 : memref<10000x128xf32, #tpu.memory_space<hbm>>) target(%dma_start3A_171 : memref<112x128xf32, #tpu.memory_space<vmem>>) offsets(%dma_start3A_174 : memref<112xi32, #tpu.memory_space<vmem>>) semaphore(%dma_start3A_179 : memref<!tpu.dma_semaphore, #tpu.memory_space<semaphore_mem>>)
      } else {
      }
      %scan3A_63 = arith.constant 0 : i32
      %scan3A_64 = arith.constant 0 : i32
      %scan3A_65 = arith.constant 5 : i32
      %scan3A_66 = arith.addi %scan3A_64, %scan3A_65 : i32
      %scan3A_67 = arith.constant 1 : i32
      scf.for %scan3A_124 = %scan3A_64 to %scan3A_66 step %scan3A_67  : i32 {
        %mul3A_125 = arith.constant 3 : i32
        %mul3A_126 = arith.muli %scan3A_124, %mul3A_125 : i32
        %add3A_127 = arith.constant 0 : i32
        %add3A_128 = arith.addi %mul3A_126, %add3A_127 : i32
        %dma_wait3A_129 = arith.constant 0 : i32
        %dma_wait3A_130 = arith.constant 0 : i32
        %dma_wait3A_131 = arith.constant 0 : i32
        %dma_wait3A_132 = arith.constant 0 : i32
        %dma_wait3A_133 = arith.constant 0 : i32
        %dma_wait3A_134 = tpu.memref_slice %arg9[%dma_wait3A_130, %dma_wait3A_132, %dma_wait3A_133] : memref<3x112x128xf32, #tpu.memory_space<vmem>> -> memref<1x112x128xf32, #tpu.memory_space<vmem>>
        %dma_wait3A_135 = tpu.memref_squeeze %dma_wait3A_134 : memref<1x112x128xf32, #tpu.memory_space<vmem>> -> memref<112x128xf32, #tpu.memory_space<vmem>>
        %dma_wait3A_136 = arith.constant 0 : i32
        %dma_wait3A_137 = tpu.memref_slice %arg7[%add3A_128, %dma_wait3A_129, %dma_wait3A_136] : memref<18x1x112xi32, #tpu.memory_space<vmem>> -> memref<1x1x112xi32, #tpu.memory_space<vmem>>
        %dma_wait3A_138 = tpu.memref_squeeze %dma_wait3A_137 : memref<1x1x112xi32, #tpu.memory_space<vmem>> -> memref<112xi32, #tpu.memory_space<vmem>>
        %dma_wait3A_139 = arith.constant 0 : i32
        %dma_wait3A_140 = arith.constant 0 : i32
        %dma_wait3A_141 = tpu.memref_slice %arg2[%dma_wait3A_139, %dma_wait3A_140] : memref<10000x128xf32, #tpu.memory_space<hbm>> -> memref<10000x128xf32, #tpu.memory_space<hbm>>
        %dma_wait3A_142 = tpu.memref_slice %arg11[%dma_wait3A_131] : memref<3x!tpu.dma_semaphore, #tpu.memory_space<semaphore_mem>> -> memref<1x!tpu.dma_semaphore, #tpu.memory_space<semaphore_mem>>
        %dma_wait3A_143 = tpu.memref_squeeze %dma_wait3A_142 : memref<1x!tpu.dma_semaphore, #tpu.memory_space<semaphore_mem>> -> memref<!tpu.dma_semaphore, #tpu.memory_space<semaphore_mem>>
        tpu.wait_indirect_dma semaphore(%dma_wait3A_143 : memref<!tpu.dma_semaphore, #tpu.memory_space<semaphore_mem>>) src(%dma_wait3A_141 : memref<10000x128xf32, #tpu.memory_space<hbm>>) dst(%dma_wait3A_135 : memref<112x128xf32, #tpu.memory_space<vmem>>)
        %run_scoped3A_144 = arith.constant 0 : i32
        %run_scoped3A_145 = arith.constant 0 : i32
        "tpu.region"() ({
          %run_scoped3A_239 = tpu.sem_alloc : memref<!tpu.dma_semaphore, #tpu.memory_space<semaphore_mem>>
          %dma_start3A_240 = arith.constant 0 : i32
          %dma_start3A_241 = arith.constant 0 : i32
          %dma_start3A_242 = tpu.memref_slice %arg9[%run_scoped3A_144, %dma_start3A_240, %dma_start3A_241] : memref<3x112x128xf32, #tpu.memory_space<vmem>> -> memref<1x112x128xf32, #tpu.memory_space<vmem>>
          %dma_start3A_243 = tpu.memref_squeeze %dma_start3A_242 : memref<1x112x128xf32, #tpu.memory_space<vmem>> -> memref<112x128xf32, #tpu.memory_space<vmem>>
          %dma_start3A_244 = arith.constant 0 : i32
          %dma_start3A_245 = tpu.memref_slice %arg8[%add3A_128, %run_scoped3A_145, %dma_start3A_244] : memref<18x1x112xi32, #tpu.memory_space<vmem>> -> memref<1x1x112xi32, #tpu.memory_space<vmem>>
          %dma_start3A_246 = tpu.memref_squeeze %dma_start3A_245 : memref<1x1x112xi32, #tpu.memory_space<vmem>> -> memref<112xi32, #tpu.memory_space<vmem>>
          %dma_start3A_247 = arith.constant 0 : i32
          %dma_start3A_248 = arith.constant 0 : i32
          %dma_start3A_249 = tpu.memref_slice %arg10[%dma_start3A_247, %dma_start3A_248] : memref<10112x128xf32, #tpu.memory_space<vmem_shared>> -> memref<10112x128xf32, #tpu.memory_space<vmem_shared>>
          tpu.enqueue_indirect_dma source(%dma_start3A_243 : memref<112x128xf32, #tpu.memory_space<vmem>>) target(%dma_start3A_249 : memref<10112x128xf32, #tpu.memory_space<vmem_shared>>) offsets(%dma_start3A_246 : memref<112xi32, #tpu.memory_space<vmem>>) semaphore(%run_scoped3A_239 : memref<!tpu.dma_semaphore, #tpu.memory_space<semaphore_mem>>) {add = true}
          %dma_wait3A_250 = arith.constant 0 : i32
          %dma_wait3A_251 = arith.constant 0 : i32
          %dma_wait3A_252 = tpu.memref_slice %arg9[%run_scoped3A_144, %dma_wait3A_250, %dma_wait3A_251] : memref<3x112x128xf32, #tpu.memory_space<vmem>> -> memref<1x112x128xf32, #tpu.memory_space<vmem>>
          %dma_wait3A_253 = tpu.memref_squeeze %dma_wait3A_252 : memref<1x112x128xf32, #tpu.memory_space<vmem>> -> memref<112x128xf32, #tpu.memory_space<vmem>>
          %dma_wait3A_254 = arith.constant 0 : i32
          %dma_wait3A_255 = tpu.memref_slice %arg8[%add3A_128, %run_scoped3A_145, %dma_wait3A_254] : memref<18x1x112xi32, #tpu.memory_space<vmem>> -> memref<1x1x112xi32, #tpu.memory_space<vmem>>
          %dma_wait3A_256 = tpu.memref_squeeze %dma_wait3A_255 : memref<1x1x112xi32, #tpu.memory_space<vmem>> -> memref<112xi32, #tpu.memory_space<vmem>>
          %dma_wait3A_257 = arith.constant 0 : i32
          %dma_wait3A_258 = arith.constant 0 : i32
          %dma_wait3A_259 = tpu.memref_slice %arg10[%dma_wait3A_257, %dma_wait3A_258] : memref<10112x128xf32, #tpu.memory_space<vmem_shared>> -> memref<10112x128xf32, #tpu.memory_space<vmem_shared>>
          tpu.wait_indirect_dma semaphore(%run_scoped3A_239 : memref<!tpu.dma_semaphore, #tpu.memory_space<semaphore_mem>>) src(%dma_wait3A_253 : memref<112x128xf32, #tpu.memory_space<vmem>>) dst(%dma_wait3A_259 : memref<10112x128xf32, #tpu.memory_space<vmem_shared>>)
          tpu.yield
        }) : () -> ()
        %add3A_146 = arith.constant 3 : i32
        %add3A_147 = arith.addi %add3A_128, %add3A_146 : i32
        %dma_start3A_148 = arith.constant 0 : i32
        %dma_start3A_149 = arith.constant 0 : i32
        %dma_start3A_150 = arith.constant 0 : i32
        %dma_start3A_151 = arith.constant 0 : i32
        %dma_start3A_152 = arith.constant 0 : i32
        %dma_start3A_153 = tpu.memref_slice %arg9[%dma_start3A_149, %dma_start3A_151, %dma_start3A_152] : memref<3x112x128xf32, #tpu.memory_space<vmem>> -> memref<1x112x128xf32, #tpu.memory_space<vmem>>
        %dma_start3A_154 = tpu.memref_squeeze %dma_start3A_153 : memref<1x112x128xf32, #tpu.memory_space<vmem>> -> memref<112x128xf32, #tpu.memory_space<vmem>>
        %dma_start3A_155 = arith.constant 0 : i32
        %dma_start3A_156 = tpu.memref_slice %arg7[%add3A_147, %dma_start3A_148, %dma_start3A_155] : memref<18x1x112xi32, #tpu.memory_space<vmem>> -> memref<1x1x112xi32, #tpu.memory_space<vmem>>
        %dma_start3A_157 = tpu.memref_squeeze %dma_start3A_156 : memref<1x1x112xi32, #tpu.memory_space<vmem>> -> memref<112xi32, #tpu.memory_space<vmem>>
        %dma_start3A_158 = arith.constant 0 : i32
        %dma_start3A_159 = arith.constant 0 : i32
        %dma_start3A_160 = tpu.memref_slice %arg2[%dma_start3A_158, %dma_start3A_159] : memref<10000x128xf32, #tpu.memory_space<hbm>> -> memref<10000x128xf32, #tpu.memory_space<hbm>>
        %dma_start3A_161 = tpu.memref_slice %arg11[%dma_start3A_150] : memref<3x!tpu.dma_semaphore, #tpu.memory_space<semaphore_mem>> -> memref<1x!tpu.dma_semaphore, #tpu.memory_space<semaphore_mem>>
        %dma_start3A_162 = tpu.memref_squeeze %dma_start3A_161 : memref<1x!tpu.dma_semaphore, #tpu.memory_space<semaphore_mem>> -> memref<!tpu.dma_semaphore, #tpu.memory_space<semaphore_mem>>
        tpu.enqueue_indirect_dma source(%dma_start3A_160 : memref<10000x128xf32, #tpu.memory_space<hbm>>) target(%dma_start3A_154 : memref<112x128xf32, #tpu.memory_space<vmem>>) offsets(%dma_start3A_157 : memref<112xi32, #tpu.memory_space<vmem>>) semaphore(%dma_start3A_162 : memref<!tpu.dma_semaphore, #tpu.memory_space<semaphore_mem>>)
        %mul3A_163 = arith.constant 3 : i32
        %mul3A_164 = arith.muli %scan3A_124, %mul3A_163 : i32
        %add3A_165 = arith.constant 1 : i32
        %add3A_166 = arith.addi %mul3A_164, %add3A_165 : i32
        %dma_wait3A_167 = arith.constant 0 : i32
        %dma_wait3A_168 = arith.constant 1 : i32
        %dma_wait3A_169 = arith.constant 1 : i32
        %dma_wait3A_170 = arith.constant 0 : i32
        %dma_wait3A_171 = arith.constant 0 : i32
        %dma_wait3A_172 = tpu.memref_slice %arg9[%dma_wait3A_168, %dma_wait3A_170, %dma_wait3A_171] : memref<3x112x128xf32, #tpu.memory_space<vmem>> -> memref<1x112x128xf32, #tpu.memory_space<vmem>>
        %dma_wait3A_173 = tpu.memref_squeeze %dma_wait3A_172 : memref<1x112x128xf32, #tpu.memory_space<vmem>> -> memref<112x128xf32, #tpu.memory_space<vmem>>
        %dma_wait3A_174 = arith.constant 0 : i32
        %dma_wait3A_175 = tpu.memref_slice %arg7[%add3A_166, %dma_wait3A_167, %dma_wait3A_174] : memref<18x1x112xi32, #tpu.memory_space<vmem>> -> memref<1x1x112xi32, #tpu.memory_space<vmem>>
        %dma_wait3A_176 = tpu.memref_squeeze %dma_wait3A_175 : memref<1x1x112xi32, #tpu.memory_space<vmem>> -> memref<112xi32, #tpu.memory_space<vmem>>
        %dma_wait3A_177 = arith.constant 0 : i32
        %dma_wait3A_178 = arith.constant 0 : i32
        %dma_wait3A_179 = tpu.memref_slice %arg2[%dma_wait3A_177, %dma_wait3A_178] : memref<10000x128xf32, #tpu.memory_space<hbm>> -> memref<10000x128xf32, #tpu.memory_space<hbm>>
        %dma_wait3A_180 = tpu.memref_slice %arg11[%dma_wait3A_169] : memref<3x!tpu.dma_semaphore, #tpu.memory_space<semaphore_mem>> -> memref<1x!tpu.dma_semaphore, #tpu.memory_space<semaphore_mem>>
        %dma_wait3A_181 = tpu.memref_squeeze %dma_wait3A_180 : memref<1x!tpu.dma_semaphore, #tpu.memory_space<semaphore_mem>> -> memref<!tpu.dma_semaphore, #tpu.memory_space<semaphore_mem>>
        tpu.wait_indirect_dma semaphore(%dma_wait3A_181 : memref<!tpu.dma_semaphore, #tpu.memory_space<semaphore_mem>>) src(%dma_wait3A_179 : memref<10000x128xf32, #tpu.memory_space<hbm>>) dst(%dma_wait3A_173 : memref<112x128xf32, #tpu.memory_space<vmem>>)
        %run_scoped3A_182 = arith.constant 1 : i32
        %run_scoped3A_183 = arith.constant 0 : i32
        "tpu.region"() ({
          %run_scoped3A_239 = tpu.sem_alloc : memref<!tpu.dma_semaphore, #tpu.memory_space<semaphore_mem>>
          %dma_start3A_240 = arith.constant 0 : i32
          %dma_start3A_241 = arith.constant 0 : i32
          %dma_start3A_242 = tpu.memref_slice %arg9[%run_scoped3A_182, %dma_start3A_240, %dma_start3A_241] : memref<3x112x128xf32, #tpu.memory_space<vmem>> -> memref<1x112x128xf32, #tpu.memory_space<vmem>>
          %dma_start3A_243 = tpu.memref_squeeze %dma_start3A_242 : memref<1x112x128xf32, #tpu.memory_space<vmem>> -> memref<112x128xf32, #tpu.memory_space<vmem>>
          %dma_start3A_244 = arith.constant 0 : i32
          %dma_start3A_245 = tpu.memref_slice %arg8[%add3A_166, %run_scoped3A_183, %dma_start3A_244] : memref<18x1x112xi32, #tpu.memory_space<vmem>> -> memref<1x1x112xi32, #tpu.memory_space<vmem>>
          %dma_start3A_246 = tpu.memref_squeeze %dma_start3A_245 : memref<1x1x112xi32, #tpu.memory_space<vmem>> -> memref<112xi32, #tpu.memory_space<vmem>>
          %dma_start3A_247 = arith.constant 0 : i32
          %dma_start3A_248 = arith.constant 0 : i32
          %dma_start3A_249 = tpu.memref_slice %arg10[%dma_start3A_247, %dma_start3A_248] : memref<10112x128xf32, #tpu.memory_space<vmem_shared>> -> memref<10112x128xf32, #tpu.memory_space<vmem_shared>>
          tpu.enqueue_indirect_dma source(%dma_start3A_243 : memref<112x128xf32, #tpu.memory_space<vmem>>) target(%dma_start3A_249 : memref<10112x128xf32, #tpu.memory_space<vmem_shared>>) offsets(%dma_start3A_246 : memref<112xi32, #tpu.memory_space<vmem>>) semaphore(%run_scoped3A_239 : memref<!tpu.dma_semaphore, #tpu.memory_space<semaphore_mem>>) {add = true}
          %dma_wait3A_250 = arith.constant 0 : i32
          %dma_wait3A_251 = arith.constant 0 : i32
          %dma_wait3A_252 = tpu.memref_slice %arg9[%run_scoped3A_182, %dma_wait3A_250, %dma_wait3A_251] : memref<3x112x128xf32, #tpu.memory_space<vmem>> -> memref<1x112x128xf32, #tpu.memory_space<vmem>>
          %dma_wait3A_253 = tpu.memref_squeeze %dma_wait3A_252 : memref<1x112x128xf32, #tpu.memory_space<vmem>> -> memref<112x128xf32, #tpu.memory_space<vmem>>
          %dma_wait3A_254 = arith.constant 0 : i32
          %dma_wait3A_255 = tpu.memref_slice %arg8[%add3A_166, %run_scoped3A_183, %dma_wait3A_254] : memref<18x1x112xi32, #tpu.memory_space<vmem>> -> memref<1x1x112xi32, #tpu.memory_space<vmem>>
          %dma_wait3A_256 = tpu.memref_squeeze %dma_wait3A_255 : memref<1x1x112xi32, #tpu.memory_space<vmem>> -> memref<112xi32, #tpu.memory_space<vmem>>
          %dma_wait3A_257 = arith.constant 0 : i32
          %dma_wait3A_258 = arith.constant 0 : i32
          %dma_wait3A_259 = tpu.memref_slice %arg10[%dma_wait3A_257, %dma_wait3A_258] : memref<10112x128xf32, #tpu.memory_space<vmem_shared>> -> memref<10112x128xf32, #tpu.memory_space<vmem_shared>>
          tpu.wait_indirect_dma semaphore(%run_scoped3A_239 : memref<!tpu.dma_semaphore, #tpu.memory_space<semaphore_mem>>) src(%dma_wait3A_253 : memref<112x128xf32, #tpu.memory_space<vmem>>) dst(%dma_wait3A_259 : memref<10112x128xf32, #tpu.memory_space<vmem_shared>>)
          tpu.yield
        }) : () -> ()
        %add3A_184 = arith.constant 3 : i32
        %add3A_185 = arith.addi %add3A_166, %add3A_184 : i32
        %dma_start3A_186 = arith.constant 0 : i32
        %dma_start3A_187 = arith.constant 1 : i32
        %dma_start3A_188 = arith.constant 1 : i32
        %dma_start3A_189 = arith.constant 0 : i32
        %dma_start3A_190 = arith.constant 0 : i32
        %dma_start3A_191 = tpu.memref_slice %arg9[%dma_start3A_187, %dma_start3A_189, %dma_start3A_190] : memref<3x112x128xf32, #tpu.memory_space<vmem>> -> memref<1x112x128xf32, #tpu.memory_space<vmem>>
        %dma_start3A_192 = tpu.memref_squeeze %dma_start3A_191 : memref<1x112x128xf32, #tpu.memory_space<vmem>> -> memref<112x128xf32, #tpu.memory_space<vmem>>
        %dma_start3A_193 = arith.constant 0 : i32
        %dma_start3A_194 = tpu.memref_slice %arg7[%add3A_185, %dma_start3A_186, %dma_start3A_193] : memref<18x1x112xi32, #tpu.memory_space<vmem>> -> memref<1x1x112xi32, #tpu.memory_space<vmem>>
        %dma_start3A_195 = tpu.memref_squeeze %dma_start3A_194 : memref<1x1x112xi32, #tpu.memory_space<vmem>> -> memref<112xi32, #tpu.memory_space<vmem>>
        %dma_start3A_196 = arith.constant 0 : i32
        %dma_start3A_197 = arith.constant 0 : i32
        %dma_start3A_198 = tpu.memref_slice %arg2[%dma_start3A_196, %dma_start3A_197] : memref<10000x128xf32, #tpu.memory_space<hbm>> -> memref<10000x128xf32, #tpu.memory_space<hbm>>
        %dma_start3A_199 = tpu.memref_slice %arg11[%dma_start3A_188] : memref<3x!tpu.dma_semaphore, #tpu.memory_space<semaphore_mem>> -> memref<1x!tpu.dma_semaphore, #tpu.memory_space<semaphore_mem>>
        %dma_start3A_200 = tpu.memref_squeeze %dma_start3A_199 : memref<1x!tpu.dma_semaphore, #tpu.memory_space<semaphore_mem>> -> memref<!tpu.dma_semaphore, #tpu.memory_space<semaphore_mem>>
        tpu.enqueue_indirect_dma source(%dma_start3A_198 : memref<10000x128xf32, #tpu.memory_space<hbm>>) target(%dma_start3A_192 : memref<112x128xf32, #tpu.memory_space<vmem>>) offsets(%dma_start3A_195 : memref<112xi32, #tpu.memory_space<vmem>>) semaphore(%dma_start3A_200 : memref<!tpu.dma_semaphore, #tpu.memory_space<semaphore_mem>>)
        %mul3A_201 = arith.constant 3 : i32
        %mul3A_202 = arith.muli %scan3A_124, %mul3A_201 : i32
        %add3A_203 = arith.constant 2 : i32
        %add3A_204 = arith.addi %mul3A_202, %add3A_203 : i32
        %dma_wait3A_205 = arith.constant 0 : i32
        %dma_wait3A_206 = arith.constant 2 : i32
        %dma_wait3A_207 = arith.constant 2 : i32
        %dma_wait3A_208 = arith.constant 0 : i32
        %dma_wait3A_209 = arith.constant 0 : i32
        %dma_wait3A_210 = tpu.memref_slice %arg9[%dma_wait3A_206, %dma_wait3A_208, %dma_wait3A_209] : memref<3x112x128xf32, #tpu.memory_space<vmem>> -> memref<1x112x128xf32, #tpu.memory_space<vmem>>
        %dma_wait3A_211 = tpu.memref_squeeze %dma_wait3A_210 : memref<1x112x128xf32, #tpu.memory_space<vmem>> -> memref<112x128xf32, #tpu.memory_space<vmem>>
        %dma_wait3A_212 = arith.constant 0 : i32
        %dma_wait3A_213 = tpu.memref_slice %arg7[%add3A_204, %dma_wait3A_205, %dma_wait3A_212] : memref<18x1x112xi32, #tpu.memory_space<vmem>> -> memref<1x1x112xi32, #tpu.memory_space<vmem>>
        %dma_wait3A_214 = tpu.memref_squeeze %dma_wait3A_213 : memref<1x1x112xi32, #tpu.memory_space<vmem>> -> memref<112xi32, #tpu.memory_space<vmem>>
        %dma_wait3A_215 = arith.constant 0 : i32
        %dma_wait3A_216 = arith.constant 0 : i32
        %dma_wait3A_217 = tpu.memref_slice %arg2[%dma_wait3A_215, %dma_wait3A_216] : memref<10000x128xf32, #tpu.memory_space<hbm>> -> memref<10000x128xf32, #tpu.memory_space<hbm>>
        %dma_wait3A_218 = tpu.memref_slice %arg11[%dma_wait3A_207] : memref<3x!tpu.dma_semaphore, #tpu.memory_space<semaphore_mem>> -> memref<1x!tpu.dma_semaphore, #tpu.memory_space<semaphore_mem>>
        %dma_wait3A_219 = tpu.memref_squeeze %dma_wait3A_218 : memref<1x!tpu.dma_semaphore, #tpu.memory_space<semaphore_mem>> -> memref<!tpu.dma_semaphore, #tpu.memory_space<semaphore_mem>>
        tpu.wait_indirect_dma semaphore(%dma_wait3A_219 : memref<!tpu.dma_semaphore, #tpu.memory_space<semaphore_mem>>) src(%dma_wait3A_217 : memref<10000x128xf32, #tpu.memory_space<hbm>>) dst(%dma_wait3A_211 : memref<112x128xf32, #tpu.memory_space<vmem>>)
        %run_scoped3A_220 = arith.constant 2 : i32
        %run_scoped3A_221 = arith.constant 0 : i32
        "tpu.region"() ({
          %run_scoped3A_239 = tpu.sem_alloc : memref<!tpu.dma_semaphore, #tpu.memory_space<semaphore_mem>>
          %dma_start3A_240 = arith.constant 0 : i32
          %dma_start3A_241 = arith.constant 0 : i32
          %dma_start3A_242 = tpu.memref_slice %arg9[%run_scoped3A_220, %dma_start3A_240, %dma_start3A_241] : memref<3x112x128xf32, #tpu.memory_space<vmem>> -> memref<1x112x128xf32, #tpu.memory_space<vmem>>
          %dma_start3A_243 = tpu.memref_squeeze %dma_start3A_242 : memref<1x112x128xf32, #tpu.memory_space<vmem>> -> memref<112x128xf32, #tpu.memory_space<vmem>>
          %dma_start3A_244 = arith.constant 0 : i32
          %dma_start3A_245 = tpu.memref_slice %arg8[%add3A_204, %run_scoped3A_221, %dma_start3A_244] : memref<18x1x112xi32, #tpu.memory_space<vmem>> -> memref<1x1x112xi32, #tpu.memory_space<vmem>>
          %dma_start3A_246 = tpu.memref_squeeze %dma_start3A_245 : memref<1x1x112xi32, #tpu.memory_space<vmem>> -> memref<112xi32, #tpu.memory_space<vmem>>
          %dma_start3A_247 = arith.constant 0 : i32
          %dma_start3A_248 = arith.constant 0 : i32
          %dma_start3A_249 = tpu.memref_slice %arg10[%dma_start3A_247, %dma_start3A_248] : memref<10112x128xf32, #tpu.memory_space<vmem_shared>> -> memref<10112x128xf32, #tpu.memory_space<vmem_shared>>
          tpu.enqueue_indirect_dma source(%dma_start3A_243 : memref<112x128xf32, #tpu.memory_space<vmem>>) target(%dma_start3A_249 : memref<10112x128xf32, #tpu.memory_space<vmem_shared>>) offsets(%dma_start3A_246 : memref<112xi32, #tpu.memory_space<vmem>>) semaphore(%run_scoped3A_239 : memref<!tpu.dma_semaphore, #tpu.memory_space<semaphore_mem>>) {add = true}
          %dma_wait3A_250 = arith.constant 0 : i32
          %dma_wait3A_251 = arith.constant 0 : i32
          %dma_wait3A_252 = tpu.memref_slice %arg9[%run_scoped3A_220, %dma_wait3A_250, %dma_wait3A_251] : memref<3x112x128xf32, #tpu.memory_space<vmem>> -> memref<1x112x128xf32, #tpu.memory_space<vmem>>
          %dma_wait3A_253 = tpu.memref_squeeze %dma_wait3A_252 : memref<1x112x128xf32, #tpu.memory_space<vmem>> -> memref<112x128xf32, #tpu.memory_space<vmem>>
          %dma_wait3A_254 = arith.constant 0 : i32
          %dma_wait3A_255 = tpu.memref_slice %arg8[%add3A_204, %run_scoped3A_221, %dma_wait3A_254] : memref<18x1x112xi32, #tpu.memory_space<vmem>> -> memref<1x1x112xi32, #tpu.memory_space<vmem>>
          %dma_wait3A_256 = tpu.memref_squeeze %dma_wait3A_255 : memref<1x1x112xi32, #tpu.memory_space<vmem>> -> memref<112xi32, #tpu.memory_space<vmem>>
          %dma_wait3A_257 = arith.constant 0 : i32
          %dma_wait3A_258 = arith.constant 0 : i32
          %dma_wait3A_259 = tpu.memref_slice %arg10[%dma_wait3A_257, %dma_wait3A_258] : memref<10112x128xf32, #tpu.memory_space<vmem_shared>> -> memref<10112x128xf32, #tpu.memory_space<vmem_shared>>
          tpu.wait_indirect_dma semaphore(%run_scoped3A_239 : memref<!tpu.dma_semaphore, #tpu.memory_space<semaphore_mem>>) src(%dma_wait3A_253 : memref<112x128xf32, #tpu.memory_space<vmem>>) dst(%dma_wait3A_259 : memref<10112x128xf32, #tpu.memory_space<vmem_shared>>)
          tpu.yield
        }) : () -> ()
        %add3A_222 = arith.constant 3 : i32
        %add3A_223 = arith.addi %add3A_204, %add3A_222 : i32
        %dma_start3A_224 = arith.constant 0 : i32
        %dma_start3A_225 = arith.constant 2 : i32
        %dma_start3A_226 = arith.constant 2 : i32
        %dma_start3A_227 = arith.constant 0 : i32
        %dma_start3A_228 = arith.constant 0 : i32
        %dma_start3A_229 = tpu.memref_slice %arg9[%dma_start3A_225, %dma_start3A_227, %dma_start3A_228] : memref<3x112x128xf32, #tpu.memory_space<vmem>> -> memref<1x112x128xf32, #tpu.memory_space<vmem>>
        %dma_start3A_230 = tpu.memref_squeeze %dma_start3A_229 : memref<1x112x128xf32, #tpu.memory_space<vmem>> -> memref<112x128xf32, #tpu.memory_space<vmem>>
        %dma_start3A_231 = arith.constant 0 : i32
        %dma_start3A_232 = tpu.memref_slice %arg7[%add3A_223, %dma_start3A_224, %dma_start3A_231] : memref<18x1x112xi32, #tpu.memory_space<vmem>> -> memref<1x1x112xi32, #tpu.memory_space<vmem>>
        %dma_start3A_233 = tpu.memref_squeeze %dma_start3A_232 : memref<1x1x112xi32, #tpu.memory_space<vmem>> -> memref<112xi32, #tpu.memory_space<vmem>>
        %dma_start3A_234 = arith.constant 0 : i32
        %dma_start3A_235 = arith.constant 0 : i32
        %dma_start3A_236 = tpu.memref_slice %arg2[%dma_start3A_234, %dma_start3A_235] : memref<10000x128xf32, #tpu.memory_space<hbm>> -> memref<10000x128xf32, #tpu.memory_space<hbm>>
        %dma_start3A_237 = tpu.memref_slice %arg11[%dma_start3A_226] : memref<3x!tpu.dma_semaphore, #tpu.memory_space<semaphore_mem>> -> memref<1x!tpu.dma_semaphore, #tpu.memory_space<semaphore_mem>>
        %dma_start3A_238 = tpu.memref_squeeze %dma_start3A_237 : memref<1x!tpu.dma_semaphore, #tpu.memory_space<semaphore_mem>> -> memref<!tpu.dma_semaphore, #tpu.memory_space<semaphore_mem>>
        tpu.enqueue_indirect_dma source(%dma_start3A_236 : memref<10000x128xf32, #tpu.memory_space<hbm>>) target(%dma_start3A_230 : memref<112x128xf32, #tpu.memory_space<vmem>>) offsets(%dma_start3A_233 : memref<112xi32, #tpu.memory_space<vmem>>) semaphore(%dma_start3A_238 : memref<!tpu.dma_semaphore, #tpu.memory_space<semaphore_mem>>)
      }
      %scan3A_68 = arith.constant 5 : i32
      %dma_wait3A = arith.constant 15 : i32
      %dma_wait3A_69 = arith.constant 0 : i32
      %dma_wait3A_70 = arith.constant 0 : i32
      %dma_wait3A_71 = arith.constant 0 : i32
      %dma_wait3A_72 = arith.constant 0 : i32
      %dma_wait3A_73 = arith.constant 0 : i32
      %dma_wait3A_74 = tpu.memref_slice %arg9[%dma_wait3A_70, %dma_wait3A_72, %dma_wait3A_73] : memref<3x112x128xf32, #tpu.memory_space<vmem>> -> memref<1x112x128xf32, #tpu.memory_space<vmem>>
      %dma_wait3A_75 = tpu.memref_squeeze %dma_wait3A_74 : memref<1x112x128xf32, #tpu.memory_space<vmem>> -> memref<112x128xf32, #tpu.memory_space<vmem>>
      %dma_wait3A_76 = arith.constant 0 : i32
      %dma_wait3A_77 = tpu.memref_slice %arg7[%dma_wait3A, %dma_wait3A_69, %dma_wait3A_76] : memref<18x1x112xi32, #tpu.memory_space<vmem>> -> memref<1x1x112xi32, #tpu.memory_space<vmem>>
      %dma_wait3A_78 = tpu.memref_squeeze %dma_wait3A_77 : memref<1x1x112xi32, #tpu.memory_space<vmem>> -> memref<112xi32, #tpu.memory_space<vmem>>
      %dma_wait3A_79 = arith.constant 0 : i32
      %dma_wait3A_80 = arith.constant 0 : i32
      %dma_wait3A_81 = tpu.memref_slice %arg2[%dma_wait3A_79, %dma_wait3A_80] : memref<10000x128xf32, #tpu.memory_space<hbm>> -> memref<10000x128xf32, #tpu.memory_space<hbm>>
      %dma_wait3A_82 = tpu.memref_slice %arg11[%dma_wait3A_71] : memref<3x!tpu.dma_semaphore, #tpu.memory_space<semaphore_mem>> -> memref<1x!tpu.dma_semaphore, #tpu.memory_space<semaphore_mem>>
      %dma_wait3A_83 = tpu.memref_squeeze %dma_wait3A_82 : memref<1x!tpu.dma_semaphore, #tpu.memory_space<semaphore_mem>> -> memref<!tpu.dma_semaphore, #tpu.memory_space<semaphore_mem>>
      tpu.wait_indirect_dma semaphore(%dma_wait3A_83 : memref<!tpu.dma_semaphore, #tpu.memory_space<semaphore_mem>>) src(%dma_wait3A_81 : memref<10000x128xf32, #tpu.memory_space<hbm>>) dst(%dma_wait3A_75 : memref<112x128xf32, #tpu.memory_space<vmem>>)
      %run_scoped3A = arith.constant 0 : i32
      %run_scoped3A_84 = arith.constant 15 : i32
      %run_scoped3A_85 = arith.constant 0 : i32
      "tpu.region"() ({
        %run_scoped3A_124 = tpu.sem_alloc : memref<!tpu.dma_semaphore, #tpu.memory_space<semaphore_mem>>
        %dma_start3A_125 = arith.constant 0 : i32
        %dma_start3A_126 = arith.constant 0 : i32
        %dma_start3A_127 = tpu.memref_slice %arg9[%run_scoped3A, %dma_start3A_125, %dma_start3A_126] : memref<3x112x128xf32, #tpu.memory_space<vmem>> -> memref<1x112x128xf32, #tpu.memory_space<vmem>>
        %dma_start3A_128 = tpu.memref_squeeze %dma_start3A_127 : memref<1x112x128xf32, #tpu.memory_space<vmem>> -> memref<112x128xf32, #tpu.memory_space<vmem>>
        %dma_start3A_129 = arith.constant 0 : i32
        %dma_start3A_130 = tpu.memref_slice %arg8[%run_scoped3A_84, %run_scoped3A_85, %dma_start3A_129] : memref<18x1x112xi32, #tpu.memory_space<vmem>> -> memref<1x1x112xi32, #tpu.memory_space<vmem>>
        %dma_start3A_131 = tpu.memref_squeeze %dma_start3A_130 : memref<1x1x112xi32, #tpu.memory_space<vmem>> -> memref<112xi32, #tpu.memory_space<vmem>>
        %dma_start3A_132 = arith.constant 0 : i32
        %dma_start3A_133 = arith.constant 0 : i32
        %dma_start3A_134 = tpu.memref_slice %arg10[%dma_start3A_132, %dma_start3A_133] : memref<10112x128xf32, #tpu.memory_space<vmem_shared>> -> memref<10112x128xf32, #tpu.memory_space<vmem_shared>>
        tpu.enqueue_indirect_dma source(%dma_start3A_128 : memref<112x128xf32, #tpu.memory_space<vmem>>) target(%dma_start3A_134 : memref<10112x128xf32, #tpu.memory_space<vmem_shared>>) offsets(%dma_start3A_131 : memref<112xi32, #tpu.memory_space<vmem>>) semaphore(%run_scoped3A_124 : memref<!tpu.dma_semaphore, #tpu.memory_space<semaphore_mem>>) {add = true}
        %dma_wait3A_135 = arith.constant 0 : i32
        %dma_wait3A_136 = arith.constant 0 : i32
        %dma_wait3A_137 = tpu.memref_slice %arg9[%run_scoped3A, %dma_wait3A_135, %dma_wait3A_136] : memref<3x112x128xf32, #tpu.memory_space<vmem>> -> memref<1x112x128xf32, #tpu.memory_space<vmem>>
        %dma_wait3A_138 = tpu.memref_squeeze %dma_wait3A_137 : memref<1x112x128xf32, #tpu.memory_space<vmem>> -> memref<112x128xf32, #tpu.memory_space<vmem>>
        %dma_wait3A_139 = arith.constant 0 : i32
        %dma_wait3A_140 = tpu.memref_slice %arg8[%run_scoped3A_84, %run_scoped3A_85, %dma_wait3A_139] : memref<18x1x112xi32, #tpu.memory_space<vmem>> -> memref<1x1x112xi32, #tpu.memory_space<vmem>>
        %dma_wait3A_141 = tpu.memref_squeeze %dma_wait3A_140 : memref<1x1x112xi32, #tpu.memory_space<vmem>> -> memref<112xi32, #tpu.memory_space<vmem>>
        %dma_wait3A_142 = arith.constant 0 : i32
        %dma_wait3A_143 = arith.constant 0 : i32
        %dma_wait3A_144 = tpu.memref_slice %arg10[%dma_wait3A_142, %dma_wait3A_143] : memref<10112x128xf32, #tpu.memory_space<vmem_shared>> -> memref<10112x128xf32, #tpu.memory_space<vmem_shared>>
        tpu.wait_indirect_dma semaphore(%run_scoped3A_124 : memref<!tpu.dma_semaphore, #tpu.memory_space<semaphore_mem>>) src(%dma_wait3A_138 : memref<112x128xf32, #tpu.memory_space<vmem>>) dst(%dma_wait3A_144 : memref<10112x128xf32, #tpu.memory_space<vmem_shared>>)
        tpu.yield
      }) : () -> ()
      %dma_wait3A_86 = arith.constant 16 : i32
      %dma_wait3A_87 = arith.constant 0 : i32
      %dma_wait3A_88 = arith.constant 1 : i32
      %dma_wait3A_89 = arith.constant 1 : i32
      %dma_wait3A_90 = arith.constant 0 : i32
      %dma_wait3A_91 = arith.constant 0 : i32
      %dma_wait3A_92 = tpu.memref_slice %arg9[%dma_wait3A_88, %dma_wait3A_90, %dma_wait3A_91] : memref<3x112x128xf32, #tpu.memory_space<vmem>> -> memref<1x112x128xf32, #tpu.memory_space<vmem>>
      %dma_wait3A_93 = tpu.memref_squeeze %dma_wait3A_92 : memref<1x112x128xf32, #tpu.memory_space<vmem>> -> memref<112x128xf32, #tpu.memory_space<vmem>>
      %dma_wait3A_94 = arith.constant 0 : i32
      %dma_wait3A_95 = tpu.memref_slice %arg7[%dma_wait3A_86, %dma_wait3A_87, %dma_wait3A_94] : memref<18x1x112xi32, #tpu.memory_space<vmem>> -> memref<1x1x112xi32, #tpu.memory_space<vmem>>
      %dma_wait3A_96 = tpu.memref_squeeze %dma_wait3A_95 : memref<1x1x112xi32, #tpu.memory_space<vmem>> -> memref<112xi32, #tpu.memory_space<vmem>>
      %dma_wait3A_97 = arith.constant 0 : i32
      %dma_wait3A_98 = arith.constant 0 : i32
      %dma_wait3A_99 = tpu.memref_slice %arg2[%dma_wait3A_97, %dma_wait3A_98] : memref<10000x128xf32, #tpu.memory_space<hbm>> -> memref<10000x128xf32, #tpu.memory_space<hbm>>
      %dma_wait3A_100 = tpu.memref_slice %arg11[%dma_wait3A_89] : memref<3x!tpu.dma_semaphore, #tpu.memory_space<semaphore_mem>> -> memref<1x!tpu.dma_semaphore, #tpu.memory_space<semaphore_mem>>
      %dma_wait3A_101 = tpu.memref_squeeze %dma_wait3A_100 : memref<1x!tpu.dma_semaphore, #tpu.memory_space<semaphore_mem>> -> memref<!tpu.dma_semaphore, #tpu.memory_space<semaphore_mem>>
      tpu.wait_indirect_dma semaphore(%dma_wait3A_101 : memref<!tpu.dma_semaphore, #tpu.memory_space<semaphore_mem>>) src(%dma_wait3A_99 : memref<10000x128xf32, #tpu.memory_space<hbm>>) dst(%dma_wait3A_93 : memref<112x128xf32, #tpu.memory_space<vmem>>)
      %run_scoped3A_102 = arith.constant 1 : i32
      %run_scoped3A_103 = arith.constant 16 : i32
      %run_scoped3A_104 = arith.constant 0 : i32
      "tpu.region"() ({
        %run_scoped3A_124 = tpu.sem_alloc : memref<!tpu.dma_semaphore, #tpu.memory_space<semaphore_mem>>
        %dma_start3A_125 = arith.constant 0 : i32
        %dma_start3A_126 = arith.constant 0 : i32
        %dma_start3A_127 = tpu.memref_slice %arg9[%run_scoped3A_102, %dma_start3A_125, %dma_start3A_126] : memref<3x112x128xf32, #tpu.memory_space<vmem>> -> memref<1x112x128xf32, #tpu.memory_space<vmem>>
        %dma_start3A_128 = tpu.memref_squeeze %dma_start3A_127 : memref<1x112x128xf32, #tpu.memory_space<vmem>> -> memref<112x128xf32, #tpu.memory_space<vmem>>
        %dma_start3A_129 = arith.constant 0 : i32
        %dma_start3A_130 = tpu.memref_slice %arg8[%run_scoped3A_103, %run_scoped3A_104, %dma_start3A_129] : memref<18x1x112xi32, #tpu.memory_space<vmem>> -> memref<1x1x112xi32, #tpu.memory_space<vmem>>
        %dma_start3A_131 = tpu.memref_squeeze %dma_start3A_130 : memref<1x1x112xi32, #tpu.memory_space<vmem>> -> memref<112xi32, #tpu.memory_space<vmem>>
        %dma_start3A_132 = arith.constant 0 : i32
        %dma_start3A_133 = arith.constant 0 : i32
        %dma_start3A_134 = tpu.memref_slice %arg10[%dma_start3A_132, %dma_start3A_133] : memref<10112x128xf32, #tpu.memory_space<vmem_shared>> -> memref<10112x128xf32, #tpu.memory_space<vmem_shared>>
        tpu.enqueue_indirect_dma source(%dma_start3A_128 : memref<112x128xf32, #tpu.memory_space<vmem>>) target(%dma_start3A_134 : memref<10112x128xf32, #tpu.memory_space<vmem_shared>>) offsets(%dma_start3A_131 : memref<112xi32, #tpu.memory_space<vmem>>) semaphore(%run_scoped3A_124 : memref<!tpu.dma_semaphore, #tpu.memory_space<semaphore_mem>>) {add = true}
        %dma_wait3A_135 = arith.constant 0 : i32
        %dma_wait3A_136 = arith.constant 0 : i32
        %dma_wait3A_137 = tpu.memref_slice %arg9[%run_scoped3A_102, %dma_wait3A_135, %dma_wait3A_136] : memref<3x112x128xf32, #tpu.memory_space<vmem>> -> memref<1x112x128xf32, #tpu.memory_space<vmem>>
        %dma_wait3A_138 = tpu.memref_squeeze %dma_wait3A_137 : memref<1x112x128xf32, #tpu.memory_space<vmem>> -> memref<112x128xf32, #tpu.memory_space<vmem>>
        %dma_wait3A_139 = arith.constant 0 : i32
        %dma_wait3A_140 = tpu.memref_slice %arg8[%run_scoped3A_103, %run_scoped3A_104, %dma_wait3A_139] : memref<18x1x112xi32, #tpu.memory_space<vmem>> -> memref<1x1x112xi32, #tpu.memory_space<vmem>>
        %dma_wait3A_141 = tpu.memref_squeeze %dma_wait3A_140 : memref<1x1x112xi32, #tpu.memory_space<vmem>> -> memref<112xi32, #tpu.memory_space<vmem>>
        %dma_wait3A_142 = arith.constant 0 : i32
        %dma_wait3A_143 = arith.constant 0 : i32
        %dma_wait3A_144 = tpu.memref_slice %arg10[%dma_wait3A_142, %dma_wait3A_143] : memref<10112x128xf32, #tpu.memory_space<vmem_shared>> -> memref<10112x128xf32, #tpu.memory_space<vmem_shared>>
        tpu.wait_indirect_dma semaphore(%run_scoped3A_124 : memref<!tpu.dma_semaphore, #tpu.memory_space<semaphore_mem>>) src(%dma_wait3A_138 : memref<112x128xf32, #tpu.memory_space<vmem>>) dst(%dma_wait3A_144 : memref<10112x128xf32, #tpu.memory_space<vmem_shared>>)
        tpu.yield
      }) : () -> ()
      %dma_wait3A_105 = arith.constant 17 : i32
      %dma_wait3A_106 = arith.constant 0 : i32
      %dma_wait3A_107 = arith.constant 2 : i32
      %dma_wait3A_108 = arith.constant 2 : i32
      %dma_wait3A_109 = arith.constant 0 : i32
      %dma_wait3A_110 = arith.constant 0 : i32
      %dma_wait3A_111 = tpu.memref_slice %arg9[%dma_wait3A_107, %dma_wait3A_109, %dma_wait3A_110] : memref<3x112x128xf32, #tpu.memory_space<vmem>> -> memref<1x112x128xf32, #tpu.memory_space<vmem>>
      %dma_wait3A_112 = tpu.memref_squeeze %dma_wait3A_111 : memref<1x112x128xf32, #tpu.memory_space<vmem>> -> memref<112x128xf32, #tpu.memory_space<vmem>>
      %dma_wait3A_113 = arith.constant 0 : i32
      %dma_wait3A_114 = tpu.memref_slice %arg7[%dma_wait3A_105, %dma_wait3A_106, %dma_wait3A_113] : memref<18x1x112xi32, #tpu.memory_space<vmem>> -> memref<1x1x112xi32, #tpu.memory_space<vmem>>
      %dma_wait3A_115 = tpu.memref_squeeze %dma_wait3A_114 : memref<1x1x112xi32, #tpu.memory_space<vmem>> -> memref<112xi32, #tpu.memory_space<vmem>>
      %dma_wait3A_116 = arith.constant 0 : i32
      %dma_wait3A_117 = arith.constant 0 : i32
      %dma_wait3A_118 = tpu.memref_slice %arg2[%dma_wait3A_116, %dma_wait3A_117] : memref<10000x128xf32, #tpu.memory_space<hbm>> -> memref<10000x128xf32, #tpu.memory_space<hbm>>
      %dma_wait3A_119 = tpu.memref_slice %arg11[%dma_wait3A_108] : memref<3x!tpu.dma_semaphore, #tpu.memory_space<semaphore_mem>> -> memref<1x!tpu.dma_semaphore, #tpu.memory_space<semaphore_mem>>
      %dma_wait3A_120 = tpu.memref_squeeze %dma_wait3A_119 : memref<1x!tpu.dma_semaphore, #tpu.memory_space<semaphore_mem>> -> memref<!tpu.dma_semaphore, #tpu.memory_space<semaphore_mem>>
      tpu.wait_indirect_dma semaphore(%dma_wait3A_120 : memref<!tpu.dma_semaphore, #tpu.memory_space<semaphore_mem>>) src(%dma_wait3A_118 : memref<10000x128xf32, #tpu.memory_space<hbm>>) dst(%dma_wait3A_112 : memref<112x128xf32, #tpu.memory_space<vmem>>)
      %run_scoped3A_121 = arith.constant 2 : i32
      %run_scoped3A_122 = arith.constant 17 : i32
      %run_scoped3A_123 = arith.constant 0 : i32
      "tpu.region"() ({
        %run_scoped3A_124 = tpu.sem_alloc : memref<!tpu.dma_semaphore, #tpu.memory_space<semaphore_mem>>
        %dma_start3A_125 = arith.constant 0 : i32
        %dma_start3A_126 = arith.constant 0 : i32
        %dma_start3A_127 = tpu.memref_slice %arg9[%run_scoped3A_121, %dma_start3A_125, %dma_start3A_126] : memref<3x112x128xf32, #tpu.memory_space<vmem>> -> memref<1x112x128xf32, #tpu.memory_space<vmem>>
        %dma_start3A_128 = tpu.memref_squeeze %dma_start3A_127 : memref<1x112x128xf32, #tpu.memory_space<vmem>> -> memref<112x128xf32, #tpu.memory_space<vmem>>
        %dma_start3A_129 = arith.constant 0 : i32
        %dma_start3A_130 = tpu.memref_slice %arg8[%run_scoped3A_122, %run_scoped3A_123, %dma_start3A_129] : memref<18x1x112xi32, #tpu.memory_space<vmem>> -> memref<1x1x112xi32, #tpu.memory_space<vmem>>
        %dma_start3A_131 = tpu.memref_squeeze %dma_start3A_130 : memref<1x1x112xi32, #tpu.memory_space<vmem>> -> memref<112xi32, #tpu.memory_space<vmem>>
        %dma_start3A_132 = arith.constant 0 : i32
        %dma_start3A_133 = arith.constant 0 : i32
        %dma_start3A_134 = tpu.memref_slice %arg10[%dma_start3A_132, %dma_start3A_133] : memref<10112x128xf32, #tpu.memory_space<vmem_shared>> -> memref<10112x128xf32, #tpu.memory_space<vmem_shared>>
        tpu.enqueue_indirect_dma source(%dma_start3A_128 : memref<112x128xf32, #tpu.memory_space<vmem>>) target(%dma_start3A_134 : memref<10112x128xf32, #tpu.memory_space<vmem_shared>>) offsets(%dma_start3A_131 : memref<112xi32, #tpu.memory_space<vmem>>) semaphore(%run_scoped3A_124 : memref<!tpu.dma_semaphore, #tpu.memory_space<semaphore_mem>>) {add = true}
        %dma_wait3A_135 = arith.constant 0 : i32
        %dma_wait3A_136 = arith.constant 0 : i32
        %dma_wait3A_137 = tpu.memref_slice %arg9[%run_scoped3A_121, %dma_wait3A_135, %dma_wait3A_136] : memref<3x112x128xf32, #tpu.memory_space<vmem>> -> memref<1x112x128xf32, #tpu.memory_space<vmem>>
        %dma_wait3A_138 = tpu.memref_squeeze %dma_wait3A_137 : memref<1x112x128xf32, #tpu.memory_space<vmem>> -> memref<112x128xf32, #tpu.memory_space<vmem>>
        %dma_wait3A_139 = arith.constant 0 : i32
        %dma_wait3A_140 = tpu.memref_slice %arg8[%run_scoped3A_122, %run_scoped3A_123, %dma_wait3A_139] : memref<18x1x112xi32, #tpu.memory_space<vmem>> -> memref<1x1x112xi32, #tpu.memory_space<vmem>>
        %dma_wait3A_141 = tpu.memref_squeeze %dma_wait3A_140 : memref<1x1x112xi32, #tpu.memory_space<vmem>> -> memref<112xi32, #tpu.memory_space<vmem>>
        %dma_wait3A_142 = arith.constant 0 : i32
        %dma_wait3A_143 = arith.constant 0 : i32
        %dma_wait3A_144 = tpu.memref_slice %arg10[%dma_wait3A_142, %dma_wait3A_143] : memref<10112x128xf32, #tpu.memory_space<vmem_shared>> -> memref<10112x128xf32, #tpu.memory_space<vmem_shared>>
        tpu.wait_indirect_dma semaphore(%run_scoped3A_124 : memref<!tpu.dma_semaphore, #tpu.memory_space<semaphore_mem>>) src(%dma_wait3A_138 : memref<112x128xf32, #tpu.memory_space<vmem>>) dst(%dma_wait3A_144 : memref<10112x128xf32, #tpu.memory_space<vmem_shared>>)
        tpu.yield
      }) : () -> ()
    }
    %scan3A_58 = arith.constant 5 : i32
    %barrier3A_59 = arith.constant 0 : index
    tpu.barrier barrier_id(%barrier3A_59)
    "tpu.region"() ({
      %run_scoped3A = tpu.sem_alloc : memref<!tpu.dma_semaphore, #tpu.memory_space<semaphore_mem>>
      %dma_start3A_60 = arith.constant 0 : i32
      %dma_start3A_61 = tpu.memref_slice %arg6[%arg0, %mul3A_2, %dma_start3A_60] : memref<2x10112x128xf32, #tpu.memory_space<hbm>> -> memref<1x632x128xf32, #tpu.memory_space<hbm>>
      %dma_start3A_62 = tpu.memref_squeeze %dma_start3A_61 : memref<1x632x128xf32, #tpu.memory_space<hbm>> -> memref<632x128xf32, #tpu.memory_space<hbm>>
      %dma_start3A_63 = arith.constant 0 : i32
      %dma_start3A_64 = tpu.memref_slice %arg10[%mul3A_2, %dma_start3A_63] : memref<10112x128xf32, #tpu.memory_space<vmem_shared>> -> memref<632x128xf32, #tpu.memory_space<vmem_shared>>
      tpu.enqueue_dma source(%dma_start3A_64 : memref<632x128xf32, #tpu.memory_space<vmem_shared>>) target(%dma_start3A_62 : memref<632x128xf32, #tpu.memory_space<hbm>>) target_semaphore(%run_scoped3A : memref<!tpu.dma_semaphore, #tpu.memory_space<semaphore_mem>>)
      %dma_wait3A = arith.constant 0 : i32
      %dma_wait3A_65 = tpu.memref_slice %arg6[%arg0, %mul3A_2, %dma_wait3A] : memref<2x10112x128xf32, #tpu.memory_space<hbm>> -> memref<1x632x128xf32, #tpu.memory_space<hbm>>
      %dma_wait3A_66 = tpu.memref_squeeze %dma_wait3A_65 : memref<1x632x128xf32, #tpu.memory_space<hbm>> -> memref<632x128xf32, #tpu.memory_space<hbm>>
      %dma_wait3A_67 = arith.constant 0 : i32
      %dma_wait3A_68 = tpu.memref_slice %arg10[%mul3A_2, %dma_wait3A_67] : memref<10112x128xf32, #tpu.memory_space<vmem_shared>> -> memref<632x128xf32, #tpu.memory_space<vmem_shared>>
      tpu.wait_dma2 semaphore(%run_scoped3A : memref<!tpu.dma_semaphore, #tpu.memory_space<semaphore_mem>>) src(%dma_wait3A_68 : memref<632x128xf32, #tpu.memory_space<vmem_shared>>) dst(%dma_wait3A_66 : memref<632x128xf32, #tpu.memory_space<hbm>>)
      tpu.yield
    }) : () -> ()
    return
  }
}

module attributes {stable_mosaic.version = 14 : i64} {
  func.func @_mlp_body(%arg0: i32, %arg1: memref<1x1xf32, #tpu.memory_space<vmem>>, %arg2: memref<1000x128xf32, #tpu.memory_space<vmem>>, %arg3: memref<2x1000x128xf32, #tpu.memory_space<vmem>>, %arg4: memref<128x128xf32, #tpu.memory_space<vmem>>, %arg5: memref<1x128xf32, #tpu.memory_space<vmem>>, %arg6: memref<128x128xf32, #tpu.memory_space<vmem>>, %arg7: memref<1x128xf32, #tpu.memory_space<vmem>>, %arg8: memref<1x128xf32, #tpu.memory_space<vmem>>, %arg9: memref<1x128xf32, #tpu.memory_space<vmem>>, %arg10: memref<1000x128xf32, #tpu.memory_space<vmem>>) attributes {dimension_semantics = [#tpu.dimension_semantics<arbitrary>], iteration_bounds = array<i64: 10>, scalar_prefetch = 0 : i64, scratch_operands = 0 : i64, tpu.core_type = #tpu.core_type<tc>, window_params = [{pipeline_mode = #tpu.pipeline_mode<synchronous>, transform_indices = @transform_0, window_bounds = array<i64: 1, 1>}, {transform_indices = @transform_1, window_bounds = array<i64: 1000, 128>}, {transform_indices = @transform_2, window_bounds = array<i64: 2, 1000, 128>}, {pipeline_mode = #tpu.pipeline_mode<synchronous>, transform_indices = @transform_3, window_bounds = array<i64: 128, 128>}, {pipeline_mode = #tpu.pipeline_mode<synchronous>, transform_indices = @transform_4, window_bounds = array<i64: 1, 128>}, {pipeline_mode = #tpu.pipeline_mode<synchronous>, transform_indices = @transform_5, window_bounds = array<i64: 128, 128>}, {pipeline_mode = #tpu.pipeline_mode<synchronous>, transform_indices = @transform_6, window_bounds = array<i64: 1, 128>}, {pipeline_mode = #tpu.pipeline_mode<synchronous>, transform_indices = @transform_7, window_bounds = array<i64: 1, 128>}, {pipeline_mode = #tpu.pipeline_mode<synchronous>, transform_indices = @transform_8, window_bounds = array<i64: 1, 128>}, {transform_indices = @transform_9, window_bounds = array<i64: 1000, 128>}]} {
    %get3A = arith.constant 0 : index
    %get3A_0 = arith.constant 0 : index
    %get3A_1 = vector.load %arg1[%get3A, %get3A_0] : memref<1x1xf32, #tpu.memory_space<vmem>>, vector<1x1xf32>
    %get3A_2 = vector.extract %get3A_1[0, 0] : f32 from vector<1x1xf32>
    %add3A = arith.constant 1.000000e+00 : f32
    %add3A_3 = arith.addf %add3A, %get3A_2 : f32
    %get3A_4 = arith.constant 0 : index
    %get3A_5 = arith.constant 0 : index
    %get3A_6 = vector.load %arg2[%get3A_4, %get3A_5] : memref<1000x128xf32, #tpu.memory_space<vmem>>, vector<1000x128xf32>
    %mul3A = vector.broadcast %add3A_3 : f32 to vector<1000x128xf32>
    %mul3A_7 = arith.mulf %mul3A, %get3A_6 : vector<1000x128xf32>
    %get3A_8 = arith.constant 0 : index
    %get3A_9 = arith.constant 0 : index
    %get3A_10 = arith.constant 0 : index
    %get3A_11 = vector.load %arg3[%get3A_8, %get3A_9, %get3A_10] : memref<2x1000x128xf32, #tpu.memory_space<vmem>>, vector<1x1000x128xf32>
    %get3A_12 = vector.shape_cast %get3A_11 : vector<1x1000x128xf32> to vector<1000x128xf32>
    %add3A_13 = arith.addf %mul3A_7, %get3A_12 : vector<1000x128xf32>
    %get3A_14 = arith.constant 1 : index
    %get3A_15 = arith.constant 0 : index
    %get3A_16 = arith.constant 0 : index
    %get3A_17 = vector.load %arg3[%get3A_14, %get3A_15, %get3A_16] : memref<2x1000x128xf32, #tpu.memory_space<vmem>>, vector<1x1000x128xf32>
    %get3A_18 = vector.shape_cast %get3A_17 : vector<1x1000x128xf32> to vector<1000x128xf32>
    %add3A_19 = arith.addf %add3A_13, %get3A_18 : vector<1000x128xf32>
    %get3A_20 = arith.constant 0 : index
    %get3A_21 = arith.constant 0 : index
    %get3A_22 = vector.load %arg4[%get3A_20, %get3A_21] : memref<128x128xf32, #tpu.memory_space<vmem>>, vector<128x128xf32>
    %dot_general3A = arith.constant dense<0.000000e+00> : vector<1000x128xf32>
    %dot_general3A_23 = tpu.matmul %add3A_19, %get3A_22, %dot_general3A {dimension_numbers = #tpu.dot_dimension_numbers<[1], [0], [0], [1], [0, 0, 1, 1], [], []>, transpose_lhs_hint = false} : vector<1000x128xf32>, vector<128x128xf32>, vector<1000x128xf32> -> vector<1000x128xf32>
    %get3A_24 = arith.constant 0 : index
    %get3A_25 = arith.constant 0 : index
    %get3A_26 = vector.load %arg5[%get3A_24, %get3A_25] : memref<1x128xf32, #tpu.memory_space<vmem>>, vector<1x128xf32>
    %add3A_27 = vector.broadcast %get3A_26 : vector<1x128xf32> to vector<1000x128xf32>
    %add3A_28 = arith.addf %dot_general3A_23, %add3A_27 : vector<1000x128xf32>
    %max3A = arith.constant 0.000000e+00 : f32
    %max3A_29 = vector.broadcast %max3A : f32 to vector<1000x128xf32>
    %max3A_30 = arith.maximumf %add3A_28, %max3A_29 : vector<1000x128xf32>
    %get3A_31 = arith.constant 0 : index
    %get3A_32 = arith.constant 0 : index
    %get3A_33 = vector.load %arg6[%get3A_31, %get3A_32] : memref<128x128xf32, #tpu.memory_space<vmem>>, vector<128x128xf32>
    %dot_general3A_34 = arith.constant dense<0.000000e+00> : vector<1000x128xf32>
    %dot_general3A_35 = tpu.matmul %max3A_30, %get3A_33, %dot_general3A_34 {dimension_numbers = #tpu.dot_dimension_numbers<[1], [0], [0], [1], [0, 0, 1, 1], [], []>, transpose_lhs_hint = false} : vector<1000x128xf32>, vector<128x128xf32>, vector<1000x128xf32> -> vector<1000x128xf32>
    %get3A_36 = arith.constant 0 : index
    %get3A_37 = arith.constant 0 : index
    %get3A_38 = vector.load %arg7[%get3A_36, %get3A_37] : memref<1x128xf32, #tpu.memory_space<vmem>>, vector<1x128xf32>
    %add3A_39 = vector.broadcast %get3A_38 : vector<1x128xf32> to vector<1000x128xf32>
    %add3A_40 = arith.addf %dot_general3A_35, %add3A_39 : vector<1000x128xf32>
    %max3A_41 = arith.constant 0.000000e+00 : f32
    %max3A_42 = vector.broadcast %max3A_41 : f32 to vector<1000x128xf32>
    %max3A_43 = arith.maximumf %add3A_40, %max3A_42 : vector<1000x128xf32>
    %get3A_44 = arith.constant 0 : index
    %get3A_45 = arith.constant 0 : index
    %get3A_46 = vector.load %arg8[%get3A_44, %get3A_45] : memref<1x128xf32, #tpu.memory_space<vmem>>, vector<1x128xf32>
    %mul3A_47 = arith.constant 0.999994993 : f32
    %mul3A_48 = vector.broadcast %mul3A_47 : f32 to vector<1x128xf32>
    %mul3A_49 = arith.mulf %get3A_46, %mul3A_48 : vector<1x128xf32>
    %mul3A_50 = vector.broadcast %mul3A_49 : vector<1x128xf32> to vector<1000x128xf32>
    %mul3A_51 = arith.mulf %max3A_43, %mul3A_50 : vector<1000x128xf32>
    %get3A_52 = arith.constant 0 : index
    %get3A_53 = arith.constant 0 : index
    %get3A_54 = vector.load %arg9[%get3A_52, %get3A_53] : memref<1x128xf32, #tpu.memory_space<vmem>>, vector<1x128xf32>
    %add3A_55 = vector.broadcast %get3A_54 : vector<1x128xf32> to vector<1000x128xf32>
    %add3A_56 = arith.addf %mul3A_51, %add3A_55 : vector<1000x128xf32>
    %swap3A = arith.constant 0 : index
    %swap3A_57 = arith.constant 0 : index
    %swap3A_58 = vector.load %arg10[%swap3A, %swap3A_57] : memref<1000x128xf32, #tpu.memory_space<vmem>>, vector<1000x128xf32>
    tpu.vector_store %arg10[%swap3A, %swap3A_57], %add3A_56 {strides = array<i32>} : memref<1000x128xf32, #tpu.memory_space<vmem>>, vector<1000x128xf32>,
    return
  }
  func.func @transform_0(%arg0: i32) -> (i32, i32) {
    %c0_i32 = arith.constant 0 : i32
    %c0_i32_0 = arith.constant 0 : i32
    %c0_i32_1 = arith.constant 0 : i32
    return %c0_i32, %c0_i32_0 : i32, i32
  }
  func.func @transform_1(%arg0: i32) -> (i32, i32) {
    %c0_i32 = arith.constant 0 : i32
    %c0_i32_0 = arith.constant 0 : i32
    return %arg0, %c0_i32 : i32, i32
  }
  func.func @transform_2(%arg0: i32) -> (i32, i32, i32) {
    %c0_i32 = arith.constant 0 : i32
    %c0_i32_0 = arith.constant 0 : i32
    %c0_i32_1 = arith.constant 0 : i32
    return %c0_i32, %arg0, %c0_i32_0 : i32, i32, i32
  }
  func.func @transform_3(%arg0: i32) -> (i32, i32) {
    %c0_i32 = arith.constant 0 : i32
    %c0_i32_0 = arith.constant 0 : i32
    %c0_i32_1 = arith.constant 0 : i32
    return %c0_i32, %c0_i32_0 : i32, i32
  }
  func.func @transform_4(%arg0: i32) -> (i32, i32) {
    %c0_i32 = arith.constant 0 : i32
    %c0_i32_0 = arith.constant 0 : i32
    %c0_i32_1 = arith.constant 0 : i32
    return %c0_i32, %c0_i32_0 : i32, i32
  }
  func.func @transform_5(%arg0: i32) -> (i32, i32) {
    %c0_i32 = arith.constant 0 : i32
    %c0_i32_0 = arith.constant 0 : i32
    %c0_i32_1 = arith.constant 0 : i32
    return %c0_i32, %c0_i32_0 : i32, i32
  }
  func.func @transform_6(%arg0: i32) -> (i32, i32) {
    %c0_i32 = arith.constant 0 : i32
    %c0_i32_0 = arith.constant 0 : i32
    %c0_i32_1 = arith.constant 0 : i32
    return %c0_i32, %c0_i32_0 : i32, i32
  }
  func.func @transform_7(%arg0: i32) -> (i32, i32) {
    %c0_i32 = arith.constant 0 : i32
    %c0_i32_0 = arith.constant 0 : i32
    %c0_i32_1 = arith.constant 0 : i32
    return %c0_i32, %c0_i32_0 : i32, i32
  }
  func.func @transform_8(%arg0: i32) -> (i32, i32) {
    %c0_i32 = arith.constant 0 : i32
    %c0_i32_0 = arith.constant 0 : i32
    %c0_i32_1 = arith.constant 0 : i32
    return %c0_i32, %c0_i32_0 : i32, i32
  }
  func.func @transform_9(%arg0: i32) -> (i32, i32) {
    %c0_i32 = arith.constant 0 : i32
    %c0_i32_0 = arith.constant 0 : i32
    return %arg0, %c0_i32 : i32, i32
  }
}

module attributes {stable_mosaic.version = 14 : i64} {
  func.func @_head_body(%arg0: i32, %arg1: memref<1x1xf32, #tpu.memory_space<vmem>>, %arg2: memref<1000x128xf32, #tpu.memory_space<vmem>>, %arg3: memref<2x1000x128xf32, #tpu.memory_space<vmem>>, %arg4: memref<128x128xf32, #tpu.memory_space<vmem>>, %arg5: memref<1x128xf32, #tpu.memory_space<vmem>>, %arg6: memref<128x128xf32, #tpu.memory_space<vmem>>, %arg7: memref<1x128xf32, #tpu.memory_space<vmem>>, %arg8: memref<1x128xf32, #tpu.memory_space<vmem>>, %arg9: memref<1x128xf32, #tpu.memory_space<vmem>>, %arg10: memref<128x128xf32, #tpu.memory_space<vmem>>, %arg11: memref<1x128xf32, #tpu.memory_space<vmem>>, %arg12: memref<128x64xf32, #tpu.memory_space<vmem>>, %arg13: memref<1x64xf32, #tpu.memory_space<vmem>>, %arg14: memref<1000x64xf32, #tpu.memory_space<vmem>>, %arg15: memref<1000x64xf32, #tpu.memory_space<vmem>>) attributes {dimension_semantics = [#tpu.dimension_semantics<arbitrary>], iteration_bounds = array<i64: 10>, scalar_prefetch = 0 : i64, scratch_operands = 0 : i64, tpu.core_type = #tpu.core_type<tc>, window_params = [{pipeline_mode = #tpu.pipeline_mode<synchronous>, transform_indices = @transform_0, window_bounds = array<i64: 1, 1>}, {transform_indices = @transform_1, window_bounds = array<i64: 1000, 128>}, {transform_indices = @transform_2, window_bounds = array<i64: 2, 1000, 128>}, {pipeline_mode = #tpu.pipeline_mode<synchronous>, transform_indices = @transform_3, window_bounds = array<i64: 128, 128>}, {pipeline_mode = #tpu.pipeline_mode<synchronous>, transform_indices = @transform_4, window_bounds = array<i64: 1, 128>}, {pipeline_mode = #tpu.pipeline_mode<synchronous>, transform_indices = @transform_5, window_bounds = array<i64: 128, 128>}, {pipeline_mode = #tpu.pipeline_mode<synchronous>, transform_indices = @transform_6, window_bounds = array<i64: 1, 128>}, {pipeline_mode = #tpu.pipeline_mode<synchronous>, transform_indices = @transform_7, window_bounds = array<i64: 1, 128>}, {pipeline_mode = #tpu.pipeline_mode<synchronous>, transform_indices = @transform_8, window_bounds = array<i64: 1, 128>}, {pipeline_mode = #tpu.pipeline_mode<synchronous>, transform_indices = @transform_9, window_bounds = array<i64: 128, 128>}, {pipeline_mode = #tpu.pipeline_mode<synchronous>, transform_indices = @transform_10, window_bounds = array<i64: 1, 128>}, {pipeline_mode = #tpu.pipeline_mode<synchronous>, transform_indices = @transform_11, window_bounds = array<i64: 128, 64>}, {pipeline_mode = #tpu.pipeline_mode<synchronous>, transform_indices = @transform_12, window_bounds = array<i64: 1, 64>}, {transform_indices = @transform_13, window_bounds = array<i64: 1000, 64>}, {transform_indices = @transform_14, window_bounds = array<i64: 1000, 64>}]} {
    %get3A = arith.constant 0 : index
    %get3A_0 = arith.constant 0 : index
    %get3A_1 = vector.load %arg1[%get3A, %get3A_0] : memref<1x1xf32, #tpu.memory_space<vmem>>, vector<1x1xf32>
    %get3A_2 = vector.extract %get3A_1[0, 0] : f32 from vector<1x1xf32>
    %add3A = arith.constant 1.000000e+00 : f32
    %add3A_3 = arith.addf %add3A, %get3A_2 : f32
    %get3A_4 = arith.constant 0 : index
    %get3A_5 = arith.constant 0 : index
    %get3A_6 = vector.load %arg2[%get3A_4, %get3A_5] : memref<1000x128xf32, #tpu.memory_space<vmem>>, vector<1000x128xf32>
    %mul3A = vector.broadcast %add3A_3 : f32 to vector<1000x128xf32>
    %mul3A_7 = arith.mulf %mul3A, %get3A_6 : vector<1000x128xf32>
    %get3A_8 = arith.constant 0 : index
    %get3A_9 = arith.constant 0 : index
    %get3A_10 = arith.constant 0 : index
    %get3A_11 = vector.load %arg3[%get3A_8, %get3A_9, %get3A_10] : memref<2x1000x128xf32, #tpu.memory_space<vmem>>, vector<1x1000x128xf32>
    %get3A_12 = vector.shape_cast %get3A_11 : vector<1x1000x128xf32> to vector<1000x128xf32>
    %add3A_13 = arith.addf %mul3A_7, %get3A_12 : vector<1000x128xf32>
    %get3A_14 = arith.constant 1 : index
    %get3A_15 = arith.constant 0 : index
    %get3A_16 = arith.constant 0 : index
    %get3A_17 = vector.load %arg3[%get3A_14, %get3A_15, %get3A_16] : memref<2x1000x128xf32, #tpu.memory_space<vmem>>, vector<1x1000x128xf32>
    %get3A_18 = vector.shape_cast %get3A_17 : vector<1x1000x128xf32> to vector<1000x128xf32>
    %add3A_19 = arith.addf %add3A_13, %get3A_18 : vector<1000x128xf32>
    %get3A_20 = arith.constant 0 : index
    %get3A_21 = arith.constant 0 : index
    %get3A_22 = vector.load %arg4[%get3A_20, %get3A_21] : memref<128x128xf32, #tpu.memory_space<vmem>>, vector<128x128xf32>
    %dot_general3A = arith.constant dense<0.000000e+00> : vector<1000x128xf32>
    %dot_general3A_23 = tpu.matmul %add3A_19, %get3A_22, %dot_general3A {dimension_numbers = #tpu.dot_dimension_numbers<[1], [0], [0], [1], [0, 0, 1, 1], [], []>, transpose_lhs_hint = false} : vector<1000x128xf32>, vector<128x128xf32>, vector<1000x128xf32> -> vector<1000x128xf32>
    %get3A_24 = arith.constant 0 : index
    %get3A_25 = arith.constant 0 : index
    %get3A_26 = vector.load %arg5[%get3A_24, %get3A_25] : memref<1x128xf32, #tpu.memory_space<vmem>>, vector<1x128xf32>
    %add3A_27 = vector.broadcast %get3A_26 : vector<1x128xf32> to vector<1000x128xf32>
    %add3A_28 = arith.addf %dot_general3A_23, %add3A_27 : vector<1000x128xf32>
    %max3A = arith.constant 0.000000e+00 : f32
    %max3A_29 = vector.broadcast %max3A : f32 to vector<1000x128xf32>
    %max3A_30 = arith.maximumf %add3A_28, %max3A_29 : vector<1000x128xf32>
    %get3A_31 = arith.constant 0 : index
    %get3A_32 = arith.constant 0 : index
    %get3A_33 = vector.load %arg6[%get3A_31, %get3A_32] : memref<128x128xf32, #tpu.memory_space<vmem>>, vector<128x128xf32>
    %dot_general3A_34 = arith.constant dense<0.000000e+00> : vector<1000x128xf32>
    %dot_general3A_35 = tpu.matmul %max3A_30, %get3A_33, %dot_general3A_34 {dimension_numbers = #tpu.dot_dimension_numbers<[1], [0], [0], [1], [0, 0, 1, 1], [], []>, transpose_lhs_hint = false} : vector<1000x128xf32>, vector<128x128xf32>, vector<1000x128xf32> -> vector<1000x128xf32>
    %get3A_36 = arith.constant 0 : index
    %get3A_37 = arith.constant 0 : index
    %get3A_38 = vector.load %arg7[%get3A_36, %get3A_37] : memref<1x128xf32, #tpu.memory_space<vmem>>, vector<1x128xf32>
    %add3A_39 = vector.broadcast %get3A_38 : vector<1x128xf32> to vector<1000x128xf32>
    %add3A_40 = arith.addf %dot_general3A_35, %add3A_39 : vector<1000x128xf32>
    %max3A_41 = arith.constant 0.000000e+00 : f32
    %max3A_42 = vector.broadcast %max3A_41 : f32 to vector<1000x128xf32>
    %max3A_43 = arith.maximumf %add3A_40, %max3A_42 : vector<1000x128xf32>
    %get3A_44 = arith.constant 0 : index
    %get3A_45 = arith.constant 0 : index
    %get3A_46 = vector.load %arg8[%get3A_44, %get3A_45] : memref<1x128xf32, #tpu.memory_space<vmem>>, vector<1x128xf32>
    %mul3A_47 = arith.constant 0.999994993 : f32
    %mul3A_48 = vector.broadcast %mul3A_47 : f32 to vector<1x128xf32>
    %mul3A_49 = arith.mulf %get3A_46, %mul3A_48 : vector<1x128xf32>
    %mul3A_50 = vector.broadcast %mul3A_49 : vector<1x128xf32> to vector<1000x128xf32>
    %mul3A_51 = arith.mulf %max3A_43, %mul3A_50 : vector<1000x128xf32>
    %get3A_52 = arith.constant 0 : index
    %get3A_53 = arith.constant 0 : index
    %get3A_54 = vector.load %arg9[%get3A_52, %get3A_53] : memref<1x128xf32, #tpu.memory_space<vmem>>, vector<1x128xf32>
    %add3A_55 = vector.broadcast %get3A_54 : vector<1x128xf32> to vector<1000x128xf32>
    %add3A_56 = arith.addf %mul3A_51, %add3A_55 : vector<1000x128xf32>
    %get3A_57 = arith.constant 0 : index
    %get3A_58 = arith.constant 0 : index
    %get3A_59 = vector.load %arg10[%get3A_57, %get3A_58] : memref<128x128xf32, #tpu.memory_space<vmem>>, vector<128x128xf32>
    %dot_general3A_60 = arith.constant dense<0.000000e+00> : vector<1000x128xf32>
    %dot_general3A_61 = tpu.matmul %add3A_56, %get3A_59, %dot_general3A_60 {dimension_numbers = #tpu.dot_dimension_numbers<[1], [0], [0], [1], [0, 0, 1, 1], [], []>, transpose_lhs_hint = false} : vector<1000x128xf32>, vector<128x128xf32>, vector<1000x128xf32> -> vector<1000x128xf32>
    %get3A_62 = arith.constant 0 : index
    %get3A_63 = arith.constant 0 : index
    %get3A_64 = vector.load %arg11[%get3A_62, %get3A_63] : memref<1x128xf32, #tpu.memory_space<vmem>>, vector<1x128xf32>
    %add3A_65 = vector.broadcast %get3A_64 : vector<1x128xf32> to vector<1000x128xf32>
    %add3A_66 = arith.addf %dot_general3A_61, %add3A_65 : vector<1000x128xf32>
    %max3A_67 = arith.constant 0.000000e+00 : f32
    %max3A_68 = vector.broadcast %max3A_67 : f32 to vector<1000x128xf32>
    %max3A_69 = arith.maximumf %add3A_66, %max3A_68 : vector<1000x128xf32>
    %get3A_70 = arith.constant 0 : index
    %get3A_71 = arith.constant 0 : index
    %get3A_72 = vector.load %arg12[%get3A_70, %get3A_71] : memref<128x64xf32, #tpu.memory_space<vmem>>, vector<128x64xf32>
    %dot_general3A_73 = arith.constant dense<0.000000e+00> : vector<1000x64xf32>
    %dot_general3A_74 = tpu.matmul %max3A_69, %get3A_72, %dot_general3A_73 {dimension_numbers = #tpu.dot_dimension_numbers<[1], [0], [0], [1], [0, 0, 1, 1], [], []>, transpose_lhs_hint = false} : vector<1000x128xf32>, vector<128x64xf32>, vector<1000x64xf32> -> vector<1000x64xf32>
    %get3A_75 = arith.constant 0 : index
    %get3A_76 = arith.constant 0 : index
    %get3A_77 = vector.load %arg13[%get3A_75, %get3A_76] : memref<1x64xf32, #tpu.memory_space<vmem>>, vector<1x64xf32>
    %add3A_78 = vector.broadcast %get3A_77 : vector<1x64xf32> to vector<1000x64xf32>
    %add3A_79 = arith.addf %dot_general3A_74, %add3A_78 : vector<1000x64xf32>
    %reduce_max3A = arith.constant dense<0xFF800000> : vector<1000xf32>
    %reduce_max3A_80 = vector.multi_reduction <maximumf>, %add3A_79, %reduce_max3A [1] : vector<1000x64xf32> to vector<1000xf32>
    %broadcast_in_dim3A = vector.shape_cast %reduce_max3A_80 : vector<1000xf32> to vector<1000x1xf32>
    %sub3A = vector.broadcast %broadcast_in_dim3A : vector<1000x1xf32> to vector<1000x64xf32>
    %sub3A_81 = arith.subf %add3A_79, %sub3A : vector<1000x64xf32>
    %exp3A = math.exp %sub3A_81 : vector<1000x64xf32>
    %reduce_sum3A = arith.constant dense<0.000000e+00> : vector<1000xf32>
    %reduce_sum3A_82 = vector.multi_reduction <add>, %exp3A, %reduce_sum3A [1] : vector<1000x64xf32> to vector<1000xf32>
    %broadcast_in_dim3A_83 = vector.shape_cast %reduce_sum3A_82 : vector<1000xf32> to vector<1000x1xf32>
    %log3A = math.log %broadcast_in_dim3A_83 : vector<1000x1xf32>
    %sub3A_84 = vector.broadcast %log3A : vector<1000x1xf32> to vector<1000x64xf32>
    %sub3A_85 = arith.subf %sub3A_81, %sub3A_84 : vector<1000x64xf32>
    %swap3A = arith.constant 0 : index
    %swap3A_86 = arith.constant 0 : index
    %swap3A_87 = vector.load %arg14[%swap3A, %swap3A_86] : memref<1000x64xf32, #tpu.memory_space<vmem>>, vector<1000x64xf32>
    tpu.vector_store %arg14[%swap3A, %swap3A_86], %sub3A_85 {strides = array<i32>} : memref<1000x64xf32, #tpu.memory_space<vmem>>, vector<1000x64xf32>,
    %swap3A_88 = arith.constant 0 : index
    %swap3A_89 = arith.constant 0 : index
    %swap3A_90 = vector.load %arg15[%swap3A_88, %swap3A_89] : memref<1000x64xf32, #tpu.memory_space<vmem>>, vector<1000x64xf32>
    tpu.vector_store %arg15[%swap3A_88, %swap3A_89], %add3A_79 {strides = array<i32>} : memref<1000x64xf32, #tpu.memory_space<vmem>>, vector<1000x64xf32>,
    return
  }
  func.func @transform_0(%arg0: i32) -> (i32, i32) {
    %c0_i32 = arith.constant 0 : i32
    %c0_i32_0 = arith.constant 0 : i32
    %c0_i32_1 = arith.constant 0 : i32
    return %c0_i32, %c0_i32_0 : i32, i32
  }
  func.func @transform_1(%arg0: i32) -> (i32, i32) {
    %c0_i32 = arith.constant 0 : i32
    %c0_i32_0 = arith.constant 0 : i32
    return %arg0, %c0_i32 : i32, i32
  }
  func.func @transform_2(%arg0: i32) -> (i32, i32, i32) {
    %c0_i32 = arith.constant 0 : i32
    %c0_i32_0 = arith.constant 0 : i32
    %c0_i32_1 = arith.constant 0 : i32
    return %c0_i32, %arg0, %c0_i32_0 : i32, i32, i32
  }
  func.func @transform_3(%arg0: i32) -> (i32, i32) {
    %c0_i32 = arith.constant 0 : i32
    %c0_i32_0 = arith.constant 0 : i32
    %c0_i32_1 = arith.constant 0 : i32
    return %c0_i32, %c0_i32_0 : i32, i32
  }
  func.func @transform_4(%arg0: i32) -> (i32, i32) {
    %c0_i32 = arith.constant 0 : i32
    %c0_i32_0 = arith.constant 0 : i32
    %c0_i32_1 = arith.constant 0 : i32
    return %c0_i32, %c0_i32_0 : i32, i32
  }
  func.func @transform_5(%arg0: i32) -> (i32, i32) {
    %c0_i32 = arith.constant 0 : i32
    %c0_i32_0 = arith.constant 0 : i32
    %c0_i32_1 = arith.constant 0 : i32
    return %c0_i32, %c0_i32_0 : i32, i32
  }
  func.func @transform_6(%arg0: i32) -> (i32, i32) {
    %c0_i32 = arith.constant 0 : i32
    %c0_i32_0 = arith.constant 0 : i32
    %c0_i32_1 = arith.constant 0 : i32
    return %c0_i32, %c0_i32_0 : i32, i32
  }
  func.func @transform_7(%arg0: i32) -> (i32, i32) {
    %c0_i32 = arith.constant 0 : i32
    %c0_i32_0 = arith.constant 0 : i32
    %c0_i32_1 = arith.constant 0 : i32
    return %c0_i32, %c0_i32_0 : i32, i32
  }
  func.func @transform_8(%arg0: i32) -> (i32, i32) {
    %c0_i32 = arith.constant 0 : i32
    %c0_i32_0 = arith.constant 0 : i32
    %c0_i32_1 = arith.constant 0 : i32
    return %c0_i32, %c0_i32_0 : i32, i32
  }
  func.func @transform_9(%arg0: i32) -> (i32, i32) {
    %c0_i32 = arith.constant 0 : i32
    %c0_i32_0 = arith.constant 0 : i32
    %c0_i32_1 = arith.constant 0 : i32
    return %c0_i32, %c0_i32_0 : i32, i32
  }
  func.func @transform_10(%arg0: i32) -> (i32, i32) {
    %c0_i32 = arith.constant 0 : i32
    %c0_i32_0 = arith.constant 0 : i32
    %c0_i32_1 = arith.constant 0 : i32
    return %c0_i32, %c0_i32_0 : i32, i32
  }
  func.func @transform_11(%arg0: i32) -> (i32, i32) {
    %c0_i32 = arith.constant 0 : i32
    %c0_i32_0 = arith.constant 0 : i32
    %c0_i32_1 = arith.constant 0 : i32
    return %c0_i32, %c0_i32_0 : i32, i32
  }
  func.func @transform_12(%arg0: i32) -> (i32, i32) {
    %c0_i32 = arith.constant 0 : i32
    %c0_i32_0 = arith.constant 0 : i32
    %c0_i32_1 = arith.constant 0 : i32
    return %c0_i32, %c0_i32_0 : i32, i32
  }
  func.func @transform_13(%arg0: i32) -> (i32, i32) {
    %c0_i32 = arith.constant 0 : i32
    %c0_i32_0 = arith.constant 0 : i32
    return %arg0, %c0_i32 : i32, i32
  }
  func.func @transform_14(%arg0: i32) -> (i32, i32) {
    %c0_i32 = arith.constant 0 : i32
    %c0_i32_0 = arith.constant 0 : i32
    return %arg0, %c0_i32 : i32, i32
  }
}

</mosaic_0001>

<sc_bundles>
// kernel: kernel.6.cloned.1.call-start
scs
__scs_entry_jumppad:
0x0: {  	(pc) =	sbr.rel $0x88, $3  }
0x1: {  	(tag) =	ssettag $0x0;
	lr =	simm.s32 $0x1  }
0x2: {  	[smem:$0x3F8D] =	sst lr;
	_ =	strace $0xD0000000  }
0x3: {  	_ = 	snop  }
0x4: {  	_ = 	snop  }
0x5: {  	_ = 	snop  }
0x6: {  	_ = 	snop  }
0x7: {  	_ = 	snop  }
__scs_overlays_trampoline_lowered:
0x8: {  	[smem:$0x3F9C] =	sst s0  }
0x9: {  	[smem:$0x3F9D] =	sst s1  }
0xa: {  	[smem:$0x3F9E] =	sst s2  }
0xb: {  	[smem:$0x3F9F] =	sst s3  }
0xc: {  	[smem:$0x3FA0] =	sst s4  }
0xd: {  	[smem:$0x3FA1] =	sst s5  }
0xe: {  	[smem:$0x3FA2] =	sst s6  }
0xf: {  	[smem:$0x3FA3] =	sst s7  }
0x10: {  	[smem:$0x3FA4] =	sst s8  }
0x11: {  	[smem:$0x3FA5] =	sst s9;
	s0 =	simm.s32 @!p0 $0x0  }
0x12: {  	s1 =	sld [smem:$0x3F8B];
	s0 =	simm.s32 @p0 $0x1  }
0x13: {  	[smem:$0x3FA6] =	sst s0;
	s0 =	simm.s32 @!p1 $0x0  }
0x14: {  	s2 =	sld [smem:$0x3F8A];
	s0 =	simm.s32 @p1 $0x1  }
0x15: {  	[smem:$0x3FA7] =	sst s0;
	s0 =	simm.s32 @!p2 $0x0  }
0x16: {  	s3 =	sld [smem:$0x3FDB];
	s0 =	simm.s32 @p2 $0x1  }
0x17: {  	s4 =	simm.s32 $0x1BF5;
	[smem:$0x3FA9] =	sst s0  }
0x18: {  	s0 =	sld [smem:$0x3F8C];
	_ =	swait.ge [sflag:s4], $0x0  }
0x19: {  	s7 =	sld [smem:$0x3F8D]  }
0x1a: {  	s8 =	sadd.s32 $0xFFFFE003, lr  }
0x1b: {  	s9 =	sadd.s32 $0xFFFFFEF7, lr;
	s5 =	simm.s32 $0xFFFFFFFF;
	p2 =	slt.u32 s8, $0xFFFFF086  }
0x1c: {  	p1 =	slt.u32 s9, $0xF7A;
	s5 =	simm.s32 @!p2 $0x0  }
0x1d: {  	s5 =	simm.s32 @p1 $0x1;
	p0 =	seq.s32 s7, s2  }
0x1e: {  	s7 =	smul.u32 @!p0 $0xF7A, s2;
	p2 =	seq.s32 @!p0 s5, $0x0  }
0x1f: {  	s9 =	smul.u32 $0xF7A, s1;
	s8 =	simm.s32 @!p0 $0x1BF5;
	p2 =	por !p2, p0  }
0x20: {  	[sflag:s8] =	ssyncset.s32 @!p0 $0xFFFFF086;
	s6 =	sadd.s32 @!p0 s3, s7;
	s7 =	simm.s32 @!p0 $0x108  }
0x21: {  	s3 =	sadd.s32 s3, s9;
	s6 =	sadd.s32 @!p0 $0x88, s6;
	s7 =	simm.s32 @p2 $0x1082  }
0x22: {  	[simem:s7], [sflag:s8] =	dma.local @!p0 [hbm:s6], $0xF7A  }
0x23: {  	s9 =	sor.u32 $0xD0000000, s2;
	s6 =	simm.s32 $0x108;
	_ =	swait.ge @!p0 [sflag:s8], $0x0  }
0x24: {  	s3 =	sadd.s32 $0x88, s3;
	s6 =	simm.s32 @!p1 $0x1082;
	[sflag:s4] =	ssyncset.s32 $0xFFFFF086  }
0x25: {  	[simem:s6], [sflag:s4] =	dma.local [hbm:s3], $0xF7A  }
0x26: {  	[smem:$0x3F8D] =	sst s1;
	(tag) =	ssettag s2;
	_ =	strace s9  }
0x27: {  	s1 =	sld [smem:$0x3F9D]  }
0x28: {  	s2 =	sld [smem:$0x3F9E]  }
0x29: {  	s4 =	sld [smem:$0x3FA0]  }
0x2a: {  	p0 =	seq.s32 s5, $0x0;
	s5 =	sld [smem:$0x3FA1]  }
0x2b: {  	s6 =	sld [smem:$0x3FA2]  }
0x2c: {  	s7 =	sld [smem:$0x3FA3]  }
0x2d: {  	s3 =	simm.s32 $0x108;
	s8 =	sld [smem:$0x3FA4]  }
0x2e: {  	s3 =	simm.s32 @!p0 $0x1082;
	s9 =	sld [smem:$0x3FA5]  }
0x2f: {  	lr =	sadd.s32 s0, s3;
	s0 =	sld [smem:$0x3F9C]  }
0x30: {  	s3 =	sld [smem:$0x3F9F]  }
0x31: {  	[smem:$0x3FA8] =	sst s10  }
0x32: {  	s10 =	sld [smem:$0x3FA6];
	_ =	sdelay $0x3  }
0x33: {  	p0 =	seq.s32 s10, $0x1;
	s10 =	sld [smem:$0x3FA8];
	_ =	sdelay $0x3  }
0x34: {  	[smem:$0x3FA8] =	sst s10  }
0x35: {  	s10 =	sld [smem:$0x3FA7];
	_ =	sdelay $0x3  }
0x36: {  	p1 =	seq.s32 s10, $0x1;
	s10 =	sld [smem:$0x3FA8];
	_ =	sdelay $0x3  }
0x37: {  	[smem:$0x3FA8] =	sst s10  }
0x38: {  	s10 =	sld [smem:$0x3FA9]  }
0x39: {  	_ = 	snop;
	(pc) =	sbr.ind lr, $3  }
0x3a: {  	_ = 	snop  }
0x3b: {  	_ = 	snop  }
0x3c: {  	p2 =	seq.s32 s10, $0x1;
	s10 =	sld [smem:$0x3FA8]  }
0x3d: {  	_ =	shalt  }
0x3e: {  	_ =	shalt  }
0x3f: {  	_ =	shalt  }
0x40: {  	_ =	shalt  }
0x41: {  	_ =	shalt  }
0x42: {  	_ =	shalt  }
0x43: {  	_ =	shalt  }
0x44: {  	_ =	shalt  }
0x45: {  	_ =	shalt  }
0x46: {  	_ =	shalt  }
0x47: {  	_ =	shalt  }
0x48: {  	_ =	shalt  }
0x49: {  	_ =	shalt  }
0x4a: {  	_ =	shalt  }
0x4b: {  	_ =	shalt  }
0x4c: {  	_ =	shalt  }
0x4d: {  	_ =	shalt  }
0x4e: {  	_ =	shalt  }
0x4f: {  	_ =	shalt  }
0x50: {  	_ =	shalt  }
0x51: {  	_ =	shalt  }
0x52: {  	_ =	shalt  }
0x53: {  	_ =	shalt  }
0x54: {  	_ =	shalt  }
0x55: {  	_ =	shalt  }
0x56: {  	_ =	shalt  }
0x57: {  	_ =	shalt  }
0x58: {  	_ =	shalt  }
0x59: {  	_ =	shalt  }
0x5a: {  	_ =	shalt  }
0x5b: {  	_ =	shalt  }
0x5c: {  	_ =	shalt  }
0x5d: {  	_ =	shalt  }
0x5e: {  	_ =	shalt  }
0x5f: {  	_ =	shalt  }
0x60: {  	_ =	shalt  }
0x61: {  	_ =	shalt  }
0x62: {  	_ =	shalt  }
0x63: {  	_ =	shalt  }
0x64: {  	_ =	shalt  }
0x65: {  	_ =	shalt  }
0x66: {  	_ =	shalt  }
0x67: {  	_ =	shalt  }
0x68: {  	_ =	shalt  }
0x69: {  	_ =	shalt  }
0x6a: {  	_ =	shalt  }
0x6b: {  	_ =	shalt  }
0x6c: {  	_ =	shalt  }
0x6d: {  	_ =	shalt  }
0x6e: {  	_ =	shalt  }
0x6f: {  	_ =	shalt  }
0x70: {  	_ =	shalt  }
0x71: {  	_ =	shalt  }
0x72: {  	_ =	shalt  }
0x73: {  	_ =	shalt  }
0x74: {  	_ =	shalt  }
0x75: {  	_ =	shalt  }
0x76: {  	_ =	shalt  }
0x77: {  	_ =	shalt  }
0x78: {  	_ =	shalt  }
0x79: {  	_ =	shalt  }
0x7a: {  	_ =	shalt  }
0x7b: {  	_ =	shalt  }
0x7c: {  	_ =	shalt  }
0x7d: {  	_ =	shalt  }
0x7e: {  	_ =	shalt  }
0x7f: {  	_ =	shalt  }
0x80: {  	_ =	shalt  }
0x81: {  	_ =	shalt  }
0x82: {  	_ =	shalt  }
0x83: {  	_ =	shalt  }
0x84: {  	_ =	shalt  }
0x85: {  	_ =	shalt  }
0x86: {  	_ =	shalt  }
0x87: {  	_ =	shalt  }
.Lfunc_end0:
.L_simem_size_0:
called_computation_lowered:
.L_overlay_start_0:
0x88: {  	s2 =	sld [smem:$0x3FD9]  }
0x89: {  	s3 =	sld [smem:$0x3FFE];
	_ =	sdelay $0x1  }
0x8a: {  	s1 =	srdreg.scid  }
0x8b: {  	s0 =	sand.u32 $0x1, s1  }
0x8c: {  	s14 =	sshll.u32 s0, $0xA;
	s2 =	sadd.s32 s3, s2  }
0x8d: {  	s2 =	sadd.s32 s2, s14  }
0x8e: {  	[smem:$0x3FB4] =	sst s2  }
0x8f: {  	_ = 	snop  }
0x90: {  	s2 =	sld [smem:$0x3FD0];
	_ =	sdelay $0x2  }
0x91: {  	s4 =	simm.s32 $0xA;
	s5 =	simm.s32 $0x10;
	s15 =	sld [smem:$0x3FC9]  }
0x92: {  	[smem:s5], [sflag:s4] =	dma.local [hbm:s2], $0x1  }
0x93: {  	_ =	swait.eq [sflag:s4], $0x1  }
0x94: {  	[sflag:s4] =	ssyncset.done $0x0  }
0x95: {  	s16 =	sld [smem:$0x10];
	[sflag:s4] =	ssyncadd.s32 $0xFFFFFFFF  }
0x96: {  	s17 =	sld [smem:$0x11];
	(tm) =	ssettm $0x1  }
0x97: {  	s18 =	sld [smem:$0x3FFB];
	_ =	sdelay $0x3  }
0x98: {  	_ =	strace s18  }
0x99: {  	s5 =	sld [smem:$0x3FFC];
	_ =	sdelay $0x3  }
0x9a: {  	_ =	strace s5  }
0x9b: {  	s5 =	sld [smem:$0x3FFD];
	_ =	sdelay $0x3  }
0x9c: {  	_ =	strace s5  }
0x9d: {  	_ =	strace $0x8FFFFFFF  }
0x9e: {  	s19 =	sld [smem:$0x3FDB];
	_ =	sdelay $0x1  }
0x9f: {  	s6 =	simm.s32 $_scs_section_size  }
0xa0: {  	s7 =	simm.s32 $_size__tile_overlayer_lowered;
	s8 =	simm.s32 $_tile_overlayer_lowered  }
0xa1: {  	s22 =	simm.s32 $0x1BFF;
	s21 =	sshll.u32 s8, $0x1;
	s5 =	sadd.s32 s6, s19  }
0xa2: {  	s9 =	simm.s32 $0x0;
	s20 =	sshll.u32 s7, $0x1;
	s7 =	sadd.s32 s21, s5  }
0xa3: {  	[timem:s9], [sflag:s22] =	dma.local [hbm:s7], s20  }
0xa4: {  	_ =	swait.ge [sflag:s22], s20  }
0xa5: {  	s6 =	ssub.s32 $0x0, s20;
	[sflag:s22] =	ssyncset.done $0x0  }
0xa6: {  	[sflag:s22] =	ssyncadd.s32 s6;
	_ =	sdelay $0x1  }
0xa7: {  	s23 =	simm.s32 $0x1B8B  }
0xa8: {  	_ =	swait.ge [sflag:s23], $0x1  }
0xa9: {  	[sflag:s23] =	ssyncset.done $0x0  }
0xaa: {  	s25 =	simm.s32 $0x1B8E;
	s24 =	sld [smem:$0x3FFE];
	[sflag:s23] =	ssyncadd.s32 $0xFFFFFFFF  }
0xab: {  	s26 =	simm.s32 $execute0_lowered;
	[smem:$0x3FD2] =	sst s25  }
0xac: {  	s7 =	sshll.u32 s26, $0x1;
	_ =	strace $0x80000046;
	[dreg:$0x1] =	wrdreg $0xFFFFFFFF  }
0xad: {  	s28 =	simm.s32 $_size_execute0_lowered;
	s5 =	sadd.s32 s5, s7;
	[dreg:$0x0] =	wrdreg $0x0  }
0xae: {  	s7 =	sshll.u32 s28, $0x1;
	[dreg:$0x2] =	wrdreg s5  }
0xaf: {  	[dreg:$0x3] =	wrdreg s7  }
0xb0: {  	[dreg:$0x4] =	wrdreg $0xC0  }
0xb1: {  	_ =	task [dreg:s9], $0x5FFFF  }
0xb2: {  	[dreg:$0x1] =	wrdreg $0xFFFFFFFF  }
0xb3: {  	[dreg:$0x0] =	wrdreg $0x60  }
0xb4: {  	[dreg:$0x2] =	wrdreg s15  }
0xb5: {  	[dreg:$0x3] =	wrdreg s17  }
0xb6: {  	[dreg:$0x4] =	wrdreg s16  }
0xb7: {  	[dreg:$0x5] =	wrdreg s24  }
0xb8: {  	[dreg:$0x6] =	wrdreg $0xBA000  }
0xb9: {  	[dreg:$0x7] =	wrdreg $0x9  }
0xba: {  	_ =	task.clear_ibuf [dreg:s9], $0x8FFFF;
	_ =	strace $0x90000046  }
0xbb: {  	s29 =	simm.s32 $0x9;
	_ =	strace $0x80000048  }
0xbc: {  	_ =	swait.ge [sflag:s29], $0x1  }
0xbd: {  	[sflag:s29] =	ssyncadd.s32 $0xFFFFFFFF  }
0xbe: {  	_ =	strace $0x90000048  }
0xbf: {  	_ =	sfence  }
0xc0: {  	s30 =	sld [smem:$0x0];
	_ =	sdelay $0x2  }
0xc1: {  	s31 =	sshll.u32 s1, $0xD;
	s1 =	sshrl.u32 s1, $0x2  }
0xc2: {  	s3 =	sand.u32 $0x4000, s31;
	s1 =	sadd.s32 s1, s30  }
0xc3: {  	s0 =	sor.u32 s3, s0;
	s1 =	sshll.u32 s1, $0x11  }
0xc4: {  	s0 =	sor.u32 s1, s0  }
0xc5: {  	s0 =	sadd.s32 $0x8F2B, s0  }
0xc6: {  	[sflag:s0] =	ssyncadd.remote.s32 $0x1  }
0xc7: {  	_ =	sfence.sel $0xFFFF  }
0xc8: {  	[dreg:$0x0] =	wrdreg $0xFFFFFFFF;
	(pc) =	sbr.abs _section_cstart, $3  }
0xc9: {  	[dreg:$0x1] =	wrdreg $0xFFFFFFFF  }
0xca: {  	_ =	task.clear_ibuf [dreg:s9], $0x2FFFF;
	_ =	strace $0x9FFFFFFF  }
0xcb: {  	(tm) =	ssettm $0x7FFFFFFF  }
tec
execute0_lowered:
.L_overlay_start_1:
0x0: {  	(tag) =	ssettag $0x1  }
0x1: {  	s1 =	rddreg [dreg:$0x0]  }
0x2: {  	s0 =	rddreg [dreg:$0x1]  }
0x3: {  	s2 =	rddreg [dreg:$0x2]  }
0x4: {  	s5 =	rddreg [dreg:$0x3]  }
0x5: {  	s3 =	rddreg [dreg:$0x4]  }
0x6: {  	s15 =	stileid.u32;
	s6 =	srdreg.scid  }
0x7: {  	s4 =	simm.s32 $0x0;
	s17 =	simm.s32 $0x180;
	s18 =	simm.s32 $0x980  }
0x8: {  	s20 =	simm.s32 $0x200;
	s21 =	simm.s32 $0xA00;
	s23 =	simm.s32 $0x280  }
0x9: {  	s24 =	simm.s32 $0xA80;
	s26 =	simm.s32 $0x300;
	[smem:$0x7FF] =	sst s4  }
0xa: {  	s28 =	simm.s32 $0x1000;
	_ =	strace $0x80000047;
	[dreg:$0x8] =	wrdreg s17  }
0xb: {  	s29 =	simm.s32 $0x880;
	s7 =	smul.u32 $0x13C00, s15;
	[dreg:$0x9] =	wrdreg s18  }
0xc: {  	s30 =	simm.s32 $0x1080;
	s14 =	smul.u32 $0xB40, s15;
	[dreg:$0xa] =	wrdreg s20  }
0xd: {  	s6 =	sand.u32 $0x1, s6;
	s22 =	smul.u32 $0x4F000, s15;
	[dreg:$0xb] =	wrdreg s21  }
0xe: {  	s31 =	simm.s32 $0x1100;
	s8 =	smul.u32 $0x13C000, s6;
	[dreg:$0xc] =	wrdreg s23  }
0xf: {  	s13 =	sshll.u32 s15, $0x1;
	s10 =	smul.u32 $0x5A0, s6;
	[dreg:$0xd] =	wrdreg s24  }
0x10: {  	s16 =	ssub.s32 $0x2, s6;
	s6 =	sor.u32 s6, s13;
	[dreg:$0xe] =	wrdreg s26  }
0x11: {  	s13 =	simm.s32 $0xC00;
	s17 =	simm.s32 $0x500;
	s18 =	simm.s32 $0xD00  }
0x12: {  	s20 =	simm.s32 $0xD80;
	s21 =	simm.s32 $0x600;
	[dreg:$0x13] =	wrdreg s13  }
0x13: {  	s23 =	simm.s32 $0xE00;
	s24 =	simm.s32 $0x680;
	[dreg:$0x16] =	wrdreg s17  }
0x14: {  	s26 =	simm.s32 $0x700;
	s9 =	sshrl.u32 s7, $0x3;
	[dreg:$0x17] =	wrdreg s18  }
0x15: {  	s11 =	sadd.s32 s14, s2;
	s12 =	sshrl.u32 s16, $0x1;
	[dreg:$0x19] =	wrdreg s20  }
0x16: {  	s6 =	smul.u32 $0x5A0, s6;
	s25 =	sshrl.u32 s22, $0x2;
	[dreg:$0x1a] =	wrdreg s21  }
0x17: {  	s13 =	simm.s32 $0x70;
	s18 =	simm.s32 $0x8200;
	[dreg:$0x1b] =	wrdreg s23  }
0x18: {  	s22 =	sshll.u32 s15, $0x6;
	s20 =	simm.s32 $0x1;
	[dreg:$0x1c] =	wrdreg s24  }
0x19: {  	s21 =	simm.s32 $0x2;
	[dreg:$0x1e] =	wrdreg s26;
	s23 =	simm.s32 $0xF00  }
0x1a: {  	s24 =	simm.s32 $0x780;
	s7 =	sadd.s32 s7, s8;
	s11 =	sadd.s32 s10, s11  }
0x1b: {  	s19 =	ssub.s32 s16, s12;
	s12 =	simm.s32 $0x400;
	[dreg:$0x6] =	wrdreg s11  }
0x1c: {  	s8 =	sadd.s32 s14, s0;
	s14 =	simm.s32 $0x480;
	[dreg:$0x12] =	wrdreg s12  }
0x1d: {  	s26 =	simm.s32 $0x800;
	s16 =	simm.s32 $0xC80;
	[dreg:$0x14] =	wrdreg s14  }
0x1e: {  	s9 =	sadd.s32 s9, s5;
	s8 =	sadd.s32 s10, s8;
	[dreg:$0x15] =	wrdreg s16  }
0x1f: {  	s7 =	sshrl.u32 s7, $0x3;
	s0 =	sadd.s32 s0, s6;
	[dreg:$0x7] =	wrdreg s8  }
0x20: {  	s2 =	sadd.s32 s2, s6;
	s6 =	simm.s32 $0xB00;
	[dreg:$0x1f] =	wrdreg s0  }
0x21: {  	s11 =	simm.s32 $0xB80;
	s10 =	smax.u32 s19, $0x1;
	[smem:$0x7FA] =	sst s2  }
0x22: {  	s12 =	simm.s32 $0x900;
	s14 =	simm.s32 $0x1200;
	[dreg:$0xf] =	wrdreg s6  }
0x23: {  	s16 =	simm.s32 $0x4A00;
	s19 =	simm.s32 $0x580;
	[dreg:$0x11] =	wrdreg s11  }
0x24: {  	s5 =	sadd.s32 s7, s5;
	s2 =	sadd.s32 s25, s3;
	[dreg:$0x18] =	wrdreg s19  }
0x25: {  	s7 =	sadd.s32 $0x3200, s9;
	s8 =	simm.s32 $0x380;
	[smem:$0x7FB] =	sst s2  }
0x26: {  	s11 =	simm.s32 $0x4;
	s19 =	sor.u32 $0x1C04, s22;
	[smem:$0x7FC] =	sst s7  }
0x27: {  	s25 =	simm.s32 $0xE80;
	s22 =	simm.s32 $0x3;
	[dreg:$0x10] =	wrdreg s8  }
0x28: {  	s0 =	simm.s32 $0x1180;
	s9 =	sadd.s32 $0x2AA00, s5;
	[dreg:$0x1d] =	wrdreg s25  }
0x29: {  	s25 =	simm.s32 $0xF80;
	s2 =	simm.s32 $0x0;
	[smem:$0x7FD] =	sst s9  }
.LBB2_1:
0x2a: {  	s5 =	rddreg [dreg:$0x1f]  }
0x2b: {  	[tilespmem:s4], [sflag:$0x4] =	stream.linear.gather [hbm4b:s5+s4], $0x900, $0x38;
	[tilespmem:$0x1F600] =	vst v63  }
0x2c: {  	_ =	swait.ge [sflag:s11], $0x900  }
0x2d: {  	s9 =	sld [smem:$0x7FA]  }
0x2e: {  	[sflag:s11] =	ssyncset.done $0x0  }
0x2f: {  	[sflag:s11] =	ssyncadd.s32 $0xFFFFF700  }
0x30: {  	[tilespmem:s12], [sflag:$0x4] =	stream.linear.gather [hbm4b:s9+s4], $0x900, $0x38;
	[tilespmem:$0x1F600] =	vst v63  }
0x31: {  	_ =	swait.ge [sflag:s11], $0x900  }
0x32: {  	[sflag:s11] =	ssyncset.done $0x0  }
0x33: {  	s6 =	sld [smem:$0x7FB];
	[sflag:s11] =	ssyncadd.s32 $0xFFFFF700  }
0x34: {  	[tilespmem:s14], [sflag:$0x1] =	stream.indirect.gather [hbm4b:s1+s13], $0x80, s4, s13, $0xb8;
	[tilespmem:$0x1F600] =	vst v63  }
0x35: {  	s15 =	simm.s32 $0x80;
	s7 =	sld [smem:$0x7FC]  }
0x36: {  	[tilespmem:s16], [sflag:$0x2] =	stream.indirect.gather [hbm4b:s1+s13], $0x80, s15, s13, $0xb8;
	[tilespmem:$0x1F600] =	vst v63  }
0x37: {  	s17 =	simm.s32 $0x100;
	s15 =	sshrl.u32 s6, $0x3  }
0x38: {  	[tilespmem:s18], [sflag:$0x3] =	stream.indirect.gather [hbm4b:s1+s13], $0x80, s17, s13, $0xb8;
	[tilespmem:$0x1F600] =	vst v63  }
0x39: {  	[spmem:s15], [sflag:s19] =	dma.local [hbm:s7], $0x2780  }
0x3a: {  	_ =	swait.ge [sflag:s11], $0x2780  }
0x3b: {  	[sflag:s11] =	ssyncset.done $0x0  }
0x3c: {  	[sflag:s11] =	ssyncadd.s32 $0xFFFFD880  }
0x3d: {  	[bflag:$0x0] =	sbarrier.arrive $0xFFFF  }
0x3e: {  	p0 =	por $0x1, $0x1;
	s5 =	rddreg [dreg:$0x7]  }
0x3f: {  	s6 =	simm.s32 @!p0 $0x0;
	s17 =	simm.s32 @!p0 $0x4;
	s5 =	sadd.s32 @!p0 $0x0, s5  }
0x40: {  	[tilespmem:s6], [sflag:$0x4] =	stream.linear.gather @!p0 [hbm4b:s5+s6], $0x900, $0x38;
	[tilespmem:$0x1F600] =	vst v63  }
0x41: {  	_ =	swait.ge @!p0 [sflag:s17], $0x900  }
0x42: {  	s5 =	rddreg [dreg:$0x6];
	[sflag:s17] =	ssyncset.done @!p0 $0x0  }
0x43: {  	s7 =	simm.s32 @!p0 $0x900;
	[sflag:s17] =	ssyncadd.s32 @!p0 $0xFFFFF700;
	s5 =	sadd.s32 @!p0 $0x0, s5  }
0x44: {  	[tilespmem:s7], [sflag:$0x4] =	stream.linear.gather @!p0 [hbm4b:s5+s6], $0x900, $0x38;
	[tilespmem:$0x1F600] =	vst v63  }
0x45: {  	_ =	swait.ge @!p0 [sflag:s17], $0x900  }
0x46: {  	[sflag:s17] =	ssyncset.done @!p0 $0x0  }
0x47: {  	s5 =	simm.s32 @!p0 $0x70;
	s7 =	simm.s32 @!p0 $0x1200;
	[sflag:s17] =	ssyncadd.s32 @!p0 $0xFFFFF700  }
0x48: {  	[tilespmem:s7], [sflag:$0x1] =	stream.indirect.gather @!p0 [hbm4b:s1+s5], $0x80, s6, s5, $0xb8;
	[tilespmem:$0x1F600] =	vst v63  }
0x49: {  	s6 =	simm.s32 @!p0 $0x80;
	s7 =	simm.s32 @!p0 $0x4A00  }
0x4a: {  	[tilespmem:s7], [sflag:$0x2] =	stream.indirect.gather @!p0 [hbm4b:s1+s5], $0x80, s6, s5, $0xb8;
	[tilespmem:$0x1F600] =	vst v63  }
0x4b: {  	s6 =	simm.s32 @!p0 $0x100;
	s7 =	simm.s32 @!p0 $0x8200  }
0x4c: {  	[tilespmem:s7], [sflag:$0x3] =	stream.indirect.gather @!p0 [hbm4b:s1+s5], $0x80, s6, s5, $0xb8;
	[tilespmem:$0x1F600] =	vst v63  }
0x4d: {  	_ =	swait.ge [sflag:s20], $0x3800  }
0x4e: {  	[sflag:s20] =	ssyncset.done $0x0  }
0x4f: {  	[sflag:s20] =	ssyncadd.s32 $0xFFFFC800  }
0x50: {  	[spmem:s3] =	stream.indirect.scatter.add.f32 [tilespmem:s14], [sflag:$0x4], $0x80, s12, s13, $0xb8;
	[tilespmem:$0x1F600] =	vst v63  }
0x51: {  	_ =	swait.ge [sflag:s11], $0x3800  }
0x52: {  	[sflag:s11] =	ssyncset.done $0x0  }
0x53: {  	s8 =	rddreg [dreg:$0x8];
	[sflag:s11] =	ssyncadd.s32 $0xFFFFC800  }
0x54: {  	[tilespmem:s14], [sflag:$0x1] =	stream.indirect.gather [hbm4b:s1+s13], $0x80, s8, s13, $0xb8;
	[tilespmem:$0x1F600] =	vst v63  }
0x55: {  	_ =	swait.ge [sflag:s21], $0x3800  }
0x56: {  	[sflag:s21] =	ssyncset.done $0x0  }
0x57: {  	s9 =	rddreg [dreg:$0x9];
	[sflag:s21] =	ssyncadd.s32 $0xFFFFC800  }
0x58: {  	[spmem:s3] =	stream.indirect.scatter.add.f32 [tilespmem:s16], [sflag:$0x4], $0x80, s9, s13, $0xb8;
	[tilespmem:$0x1F600] =	vst v63  }
0x59: {  	_ =	swait.ge [sflag:s11], $0x3800  }
0x5a: {  	[sflag:s11] =	ssyncset.done $0x0  }
0x5b: {  	s17 =	rddreg [dreg:$0xa];
	[sflag:s11] =	ssyncadd.s32 $0xFFFFC800  }
0x5c: {  	[tilespmem:s16], [sflag:$0x2] =	stream.indirect.gather [hbm4b:s1+s13], $0x80, s17, s13, $0xb8;
	[tilespmem:$0x1F600] =	vst v63  }
0x5d: {  	_ =	swait.ge [sflag:s22], $0x3800  }
0x5e: {  	[sflag:s22] =	ssyncset.done $0x0  }
0x5f: {  	s6 =	rddreg [dreg:$0xb];
	[sflag:s22] =	ssyncadd.s32 $0xFFFFC800  }
0x60: {  	[spmem:s3] =	stream.indirect.scatter.add.f32 [tilespmem:s18], [sflag:$0x4], $0x80, s6, s13, $0xb8;
	[tilespmem:$0x1F600] =	vst v63  }
0x61: {  	_ =	swait.ge [sflag:s11], $0x3800  }
0x62: {  	[sflag:s11] =	ssyncset.done $0x0  }
0x63: {  	s7 =	rddreg [dreg:$0xc];
	[sflag:s11] =	ssyncadd.s32 $0xFFFFC800  }
0x64: {  	[tilespmem:s18], [sflag:$0x3] =	stream.indirect.gather [hbm4b:s1+s13], $0x80, s7, s13, $0xb8;
	[tilespmem:$0x1F600] =	vst v63  }
0x65: {  	_ =	swait.ge [sflag:s20], $0x3800  }
0x66: {  	[sflag:s20] =	ssyncset.done $0x0  }
0x67: {  	s8 =	rddreg [dreg:$0xd];
	[sflag:s20] =	ssyncadd.s32 $0xFFFFC800  }
0x68: {  	[spmem:s3] =	stream.indirect.scatter.add.f32 [tilespmem:s14], [sflag:$0x4], $0x80, s8, s13, $0xb8;
	[tilespmem:$0x1F600] =	vst v63  }
0x69: {  	_ =	swait.ge [sflag:s11], $0x3800  }
0x6a: {  	[sflag:s11] =	ssyncset.done $0x0  }
0x6b: {  	s9 =	rddreg [dreg:$0xe];
	[sflag:s11] =	ssyncadd.s32 $0xFFFFC800  }
0x6c: {  	[tilespmem:s14], [sflag:$0x1] =	stream.indirect.gather [hbm4b:s1+s13], $0x80, s9, s13, $0xb8;
	[tilespmem:$0x1F600] =	vst v63  }
0x6d: {  	_ =	swait.ge [sflag:s21], $0x3800  }
0x6e: {  	[sflag:s21] =	ssyncset.done $0x0  }
0x6f: {  	s17 =	rddreg [dreg:$0xf];
	[sflag:s21] =	ssyncadd.s32 $0xFFFFC800  }
0x70: {  	[spmem:s3] =	stream.indirect.scatter.add.f32 [tilespmem:s16], [sflag:$0x4], $0x80, s17, s13, $0xb8;
	[tilespmem:$0x1F600] =	vst v63  }
0x71: {  	_ =	swait.ge [sflag:s11], $0x3800  }
0x72: {  	[sflag:s11] =	ssyncset.done $0x0  }
0x73: {  	s6 =	rddreg [dreg:$0x10];
	[sflag:s11] =	ssyncadd.s32 $0xFFFFC800  }
0x74: {  	[tilespmem:s16], [sflag:$0x2] =	stream.indirect.gather [hbm4b:s1+s13], $0x80, s6, s13, $0xb8;
	[tilespmem:$0x1F600] =	vst v63  }
0x75: {  	_ =	swait.ge [sflag:s22], $0x3800  }
0x76: {  	[sflag:s22] =	ssyncset.done $0x0  }
0x77: {  	s7 =	rddreg [dreg:$0x11];
	[sflag:s22] =	ssyncadd.s32 $0xFFFFC800  }
0x78: {  	[spmem:s3] =	stream.indirect.scatter.add.f32 [tilespmem:s18], [sflag:$0x4], $0x80, s7, s13, $0xb8;
	[tilespmem:$0x1F600] =	vst v63  }
0x79: {  	_ =	swait.ge [sflag:s11], $0x3800  }
0x7a: {  	[sflag:s11] =	ssyncset.done $0x0  }
0x7b: {  	s8 =	rddreg [dreg:$0x12];
	[sflag:s11] =	ssyncadd.s32 $0xFFFFC800  }
0x7c: {  	[tilespmem:s18], [sflag:$0x3] =	stream.indirect.gather [hbm4b:s1+s13], $0x80, s8, s13, $0xb8;
	[tilespmem:$0x1F600] =	vst v63  }
0x7d: {  	_ =	swait.ge [sflag:s20], $0x3800  }
0x7e: {  	[sflag:s20] =	ssyncset.done $0x0  }
0x7f: {  	s9 =	rddreg [dreg:$0x13];
	[sflag:s20] =	ssyncadd.s32 $0xFFFFC800  }
0x80: {  	[spmem:s3] =	stream.indirect.scatter.add.f32 [tilespmem:s14], [sflag:$0x4], $0x80, s9, s13, $0xb8;
	[tilespmem:$0x1F600] =	vst v63  }
0x81: {  	_ =	swait.ge [sflag:s11], $0x3800  }
0x82: {  	[sflag:s11] =	ssyncset.done $0x0  }
0x83: {  	s17 =	rddreg [dreg:$0x14];
	[sflag:s11] =	ssyncadd.s32 $0xFFFFC800  }
0x84: {  	[tilespmem:s14], [sflag:$0x1] =	stream.indirect.gather [hbm4b:s1+s13], $0x80, s17, s13, $0xb8;
	[tilespmem:$0x1F600] =	vst v63  }
0x85: {  	_ =	swait.ge [sflag:s21], $0x3800  }
0x86: {  	[sflag:s21] =	ssyncset.done $0x0  }
0x87: {  	s6 =	rddreg [dreg:$0x15];
	[sflag:s21] =	ssyncadd.s32 $0xFFFFC800  }
0x88: {  	[spmem:s3] =	stream.indirect.scatter.add.f32 [tilespmem:s16], [sflag:$0x4], $0x80, s6, s13, $0xb8;
	[tilespmem:$0x1F600] =	vst v63  }
0x89: {  	_ =	swait.ge [sflag:s11], $0x3800  }
0x8a: {  	[sflag:s11] =	ssyncset.done $0x0  }
0x8b: {  	s7 =	rddreg [dreg:$0x16];
	[sflag:s11] =	ssyncadd.s32 $0xFFFFC800  }
0x8c: {  	[tilespmem:s16], [sflag:$0x2] =	stream.indirect.gather [hbm4b:s1+s13], $0x80, s7, s13, $0xb8;
	[tilespmem:$0x1F600] =	vst v63  }
0x8d: {  	_ =	swait.ge [sflag:s22], $0x3800  }
0x8e: {  	[sflag:s22] =	ssyncset.done $0x0  }
0x8f: {  	s8 =	rddreg [dreg:$0x17];
	[sflag:s22] =	ssyncadd.s32 $0xFFFFC800  }
0x90: {  	[spmem:s3] =	stream.indirect.scatter.add.f32 [tilespmem:s18], [sflag:$0x4], $0x80, s8, s13, $0xb8;
	[tilespmem:$0x1F600] =	vst v63  }
0x91: {  	_ =	swait.ge [sflag:s11], $0x3800  }
0x92: {  	[sflag:s11] =	ssyncset.done $0x0  }
0x93: {  	s9 =	rddreg [dreg:$0x18];
	[sflag:s11] =	ssyncadd.s32 $0xFFFFC800  }
0x94: {  	[tilespmem:s18], [sflag:$0x3] =	stream.indirect.gather [hbm4b:s1+s13], $0x80, s9, s13, $0xb8;
	[tilespmem:$0x1F600] =	vst v63  }
0x95: {  	_ =	swait.ge [sflag:s20], $0x3800  }
0x96: {  	[sflag:s20] =	ssyncset.done $0x0  }
0x97: {  	s17 =	rddreg [dreg:$0x19];
	[sflag:s20] =	ssyncadd.s32 $0xFFFFC800  }
0x98: {  	[spmem:s3] =	stream.indirect.scatter.add.f32 [tilespmem:s14], [sflag:$0x4], $0x80, s17, s13, $0xb8;
	[tilespmem:$0x1F600] =	vst v63  }
0x99: {  	_ =	swait.ge [sflag:s11], $0x3800  }
0x9a: {  	[sflag:s11] =	ssyncset.done $0x0  }
0x9b: {  	s6 =	rddreg [dreg:$0x1a];
	[sflag:s11] =	ssyncadd.s32 $0xFFFFC800  }
0x9c: {  	[tilespmem:s14], [sflag:$0x1] =	stream.indirect.gather [hbm4b:s1+s13], $0x80, s6, s13, $0xb8;
	[tilespmem:$0x1F600] =	vst v63  }
0x9d: {  	_ =	swait.ge [sflag:s21], $0x3800  }
0x9e: {  	[sflag:s21] =	ssyncset.done $0x0  }
0x9f: {  	s7 =	rddreg [dreg:$0x1b];
	[sflag:s21] =	ssyncadd.s32 $0xFFFFC800  }
0xa0: {  	[spmem:s3] =	stream.indirect.scatter.add.f32 [tilespmem:s16], [sflag:$0x4], $0x80, s7, s13, $0xb8;
	[tilespmem:$0x1F600] =	vst v63  }
0xa1: {  	_ =	swait.ge [sflag:s11], $0x3800  }
0xa2: {  	[sflag:s11] =	ssyncset.done $0x0  }
0xa3: {  	s8 =	rddreg [dreg:$0x1c];
	[sflag:s11] =	ssyncadd.s32 $0xFFFFC800  }
0xa4: {  	[tilespmem:s16], [sflag:$0x2] =	stream.indirect.gather [hbm4b:s1+s13], $0x80, s8, s13, $0xb8;
	[tilespmem:$0x1F600] =	vst v63  }
0xa5: {  	_ =	swait.ge [sflag:s22], $0x3800  }
0xa6: {  	[sflag:s22] =	ssyncset.done $0x0  }
0xa7: {  	s9 =	rddreg [dreg:$0x1d];
	[sflag:s22] =	ssyncadd.s32 $0xFFFFC800  }
0xa8: {  	[spmem:s3] =	stream.indirect.scatter.add.f32 [tilespmem:s18], [sflag:$0x4], $0x80, s9, s13, $0xb8;
	[tilespmem:$0x1F600] =	vst v63  }
0xa9: {  	_ =	swait.ge [sflag:s11], $0x3800  }
0xaa: {  	[sflag:s11] =	ssyncset.done $0x0  }
0xab: {  	s17 =	rddreg [dreg:$0x1e];
	[sflag:s11] =	ssyncadd.s32 $0xFFFFC800  }
0xac: {  	[tilespmem:s18], [sflag:$0x3] =	stream.indirect.gather [hbm4b:s1+s13], $0x80, s17, s13, $0xb8;
	[tilespmem:$0x1F600] =	vst v63  }
0xad: {  	_ =	swait.ge [sflag:s20], $0x3800  }
0xae: {  	[sflag:s20] =	ssyncset.done $0x0  }
0xaf: {  	[sflag:s20] =	ssyncadd.s32 $0xFFFFC800  }
0xb0: {  	[spmem:s3] =	stream.indirect.scatter.add.f32 [tilespmem:s14], [sflag:$0x4], $0x80, s23, s13, $0xb8;
	[tilespmem:$0x1F600] =	vst v63  }
0xb1: {  	_ =	swait.ge [sflag:s11], $0x3800  }
0xb2: {  	[sflag:s11] =	ssyncset.done $0x0  }
0xb3: {  	[sflag:s11] =	ssyncadd.s32 $0xFFFFC800  }
0xb4: {  	[tilespmem:s14], [sflag:$0x1] =	stream.indirect.gather [hbm4b:s1+s13], $0x80, s24, s13, $0xb8;
	[tilespmem:$0x1F600] =	vst v63  }
0xb5: {  	_ =	swait.ge [sflag:s21], $0x3800  }
0xb6: {  	[sflag:s21] =	ssyncset.done $0x0  }
0xb7: {  	[sflag:s21] =	ssyncadd.s32 $0xFFFFC800  }
0xb8: {  	[spmem:s3] =	stream.indirect.scatter.add.f32 [tilespmem:s16], [sflag:$0x4], $0x80, s25, s13, $0xb8;
	[tilespmem:$0x1F600] =	vst v63  }
0xb9: {  	_ =	swait.ge [sflag:s11], $0x3800  }
0xba: {  	[sflag:s11] =	ssyncset.done $0x0  }
0xbb: {  	[sflag:s11] =	ssyncadd.s32 $0xFFFFC800  }
0xbc: {  	[tilespmem:s16], [sflag:$0x2] =	stream.indirect.gather [hbm4b:s1+s13], $0x80, s26, s13, $0xb8;
	[tilespmem:$0x1F600] =	vst v63  }
0xbd: {  	_ =	swait.ge [sflag:s22], $0x3800  }
0xbe: {  	[sflag:s22] =	ssyncset.done $0x0  }
0xbf: {  	[sflag:s22] =	ssyncadd.s32 $0xFFFFC800  }
0xc0: {  	[spmem:s3] =	stream.indirect.scatter.add.f32 [tilespmem:s18], [sflag:$0x4], $0x80, s28, s13, $0xb8;
	[tilespmem:$0x1F600] =	vst v63  }
0xc1: {  	_ =	swait.ge [sflag:s11], $0x3800  }
0xc2: {  	[sflag:s11] =	ssyncset.done $0x0  }
0xc3: {  	[sflag:s11] =	ssyncadd.s32 $0xFFFFC800  }
0xc4: {  	[tilespmem:s18], [sflag:$0x3] =	stream.indirect.gather [hbm4b:s1+s13], $0x80, s29, s13, $0xb8;
	[tilespmem:$0x1F600] =	vst v63  }
0xc5: {  	_ =	swait.ge [sflag:s20], $0x3800  }
0xc6: {  	[sflag:s20] =	ssyncset.done $0x0  }
0xc7: {  	[sflag:s20] =	ssyncadd.s32 $0xFFFFC800  }
0xc8: {  	[spmem:s3] =	stream.indirect.scatter.add.f32 [tilespmem:s14], [sflag:$0x4], $0x80, s30, s13, $0xb8;
	[tilespmem:$0x1F600] =	vst v63  }
0xc9: {  	_ =	swait.ge [sflag:s11], $0x3800  }
0xca: {  	[sflag:s11] =	ssyncset.done $0x0  }
0xcb: {  	[sflag:s11] =	ssyncadd.s32 $0xFFFFC800  }
0xcc: {  	_ =	swait.ge [sflag:s21], $0x3800  }
0xcd: {  	[sflag:s21] =	ssyncset.done $0x0  }
0xce: {  	[sflag:s21] =	ssyncadd.s32 $0xFFFFC800  }
0xcf: {  	[spmem:s3] =	stream.indirect.scatter.add.f32 [tilespmem:s16], [sflag:$0x4], $0x80, s31, s13, $0xb8;
	[tilespmem:$0x1F600] =	vst v63  }
0xd0: {  	_ =	swait.ge [sflag:s11], $0x3800  }
0xd1: {  	[sflag:s11] =	ssyncset.done $0x0  }
0xd2: {  	[sflag:s11] =	ssyncadd.s32 $0xFFFFC800  }
0xd3: {  	_ =	swait.ge [sflag:s22], $0x3800  }
0xd4: {  	[sflag:s22] =	ssyncset.done $0x0  }
0xd5: {  	[sflag:s22] =	ssyncadd.s32 $0xFFFFC800  }
0xd6: {  	[spmem:s3] =	stream.indirect.scatter.add.f32 [tilespmem:s18], [sflag:$0x4], $0x80, s0, s13, $0xb8;
	[tilespmem:$0x1F600] =	vst v63  }
0xd7: {  	s5 =	simm.s32 $0x240;
	_ =	swait.ge [sflag:s11], $0x3800  }
0xd8: {  	s17 =	simm.s32 $0x120;
	s6 =	rddreg [dreg:$0x7];
	[sflag:s11] =	ssyncset.done $0x0  }
.LBB2_2:
0xd9: {  	[sflag:s11] =	ssyncadd.s32 $0xFFFFC800;
	p1 =	seq.s32 s17, $0x0  }
0xda: {  	s6 =	sadd.s32 @!p1 s17, s6;
	s8 =	simm.s32 @!p1 $0x0;
	s9 =	simm.s32 @!p1 $0x4  }
0xdb: {  	[tilespmem:s8], [sflag:$0x4] =	stream.linear.gather @!p1 [hbm4b:s6+s8], $0x900, $0x38;
	[tilespmem:$0x1F600] =	vst v63  }
0xdc: {  	_ =	swait.ge @!p1 [sflag:s9], $0x900  }
0xdd: {  	s6 =	rddreg [dreg:$0x6];
	[sflag:s9] =	ssyncset.done @!p1 $0x0  }
0xde: {  	[sflag:s9] =	ssyncadd.s32 @!p1 $0xFFFFF700;
	s6 =	sadd.s32 @!p1 s17, s6;
	s17 =	simm.s32 @!p1 $0x900  }
0xdf: {  	[tilespmem:s17], [sflag:$0x4] =	stream.linear.gather @!p1 [hbm4b:s6+s8], $0x900, $0x38;
	[tilespmem:$0x1F600] =	vst v63  }
0xe0: {  	s7 =	smov.u32 s5;
	_ =	swait.ge @!p1 [sflag:s9], $0x900  }
0xe1: {  	s17 =	smov.u32 s7;
	[sflag:s9] =	ssyncset.done @!p1 $0x0  }
0xe2: {  	s6 =	simm.s32 @!p1 $0x70;
	s7 =	simm.s32 @!p1 $0x1200;
	[sflag:s9] =	ssyncadd.s32 @!p1 $0xFFFFF700  }
0xe3: {  	[tilespmem:s7], [sflag:$0x1] =	stream.indirect.gather @!p1 [hbm4b:s1+s6], $0x80, s8, s6, $0xb8;
	[tilespmem:$0x1F600] =	vst v63  }
0xe4: {  	s7 =	simm.s32 @!p1 $0x80;
	s8 =	simm.s32 @!p1 $0x4A00  }
0xe5: {  	[tilespmem:s8], [sflag:$0x2] =	stream.indirect.gather @!p1 [hbm4b:s1+s6], $0x80, s7, s6, $0xb8;
	[tilespmem:$0x1F600] =	vst v63  }
0xe6: {  	s7 =	simm.s32 @!p1 $0x100;
	s8 =	simm.s32 @!p1 $0x8200  }
0xe7: {  	[tilespmem:s8], [sflag:$0x3] =	stream.indirect.gather @!p1 [hbm4b:s1+s6], $0x80, s7, s6, $0xb8;
	[tilespmem:$0x1F600] =	vst v63  }
0xe8: {  	_ =	swait.ge [sflag:s20], $0x3800  }
0xe9: {  	[sflag:s20] =	ssyncset.done $0x0  }
0xea: {  	[sflag:s20] =	ssyncadd.s32 $0xFFFFC800  }
0xeb: {  	[spmem:s3] =	stream.indirect.scatter.add.f32 [tilespmem:s14], [sflag:$0x4], $0x80, s12, s13, $0xb8;
	[tilespmem:$0x1F600] =	vst v63  }
0xec: {  	_ =	swait.ge [sflag:s11], $0x3800  }
0xed: {  	[sflag:s11] =	ssyncset.done $0x0  }
0xee: {  	s8 =	rddreg [dreg:$0x8];
	[sflag:s11] =	ssyncadd.s32 $0xFFFFC800  }
0xef: {  	[tilespmem:s14], [sflag:$0x1] =	stream.indirect.gather [hbm4b:s1+s13], $0x80, s8, s13, $0xb8;
	[tilespmem:$0x1F600] =	vst v63  }
0xf0: {  	_ =	swait.ge [sflag:s21], $0x3800  }
0xf1: {  	[sflag:s21] =	ssyncset.done $0x0  }
0xf2: {  	s9 =	rddreg [dreg:$0x9];
	[sflag:s21] =	ssyncadd.s32 $0xFFFFC800  }
0xf3: {  	[spmem:s3] =	stream.indirect.scatter.add.f32 [tilespmem:s16], [sflag:$0x4], $0x80, s9, s13, $0xb8;
	[tilespmem:$0x1F600] =	vst v63  }
0xf4: {  	_ =	swait.ge [sflag:s11], $0x3800  }
0xf5: {  	[sflag:s11] =	ssyncset.done $0x0  }
0xf6: {  	s7 =	rddreg [dreg:$0xa];
	[sflag:s11] =	ssyncadd.s32 $0xFFFFC800  }
0xf7: {  	[tilespmem:s16], [sflag:$0x2] =	stream.indirect.gather [hbm4b:s1+s13], $0x80, s7, s13, $0xb8;
	[tilespmem:$0x1F600] =	vst v63  }
0xf8: {  	_ =	swait.ge [sflag:s22], $0x3800  }
0xf9: {  	[sflag:s22] =	ssyncset.done $0x0  }
0xfa: {  	s8 =	rddreg [dreg:$0xb];
	[sflag:s22] =	ssyncadd.s32 $0xFFFFC800  }
0xfb: {  	[spmem:s3] =	stream.indirect.scatter.add.f32 [tilespmem:s18], [sflag:$0x4], $0x80, s8, s13, $0xb8;
	[tilespmem:$0x1F600] =	vst v63  }
0xfc: {  	_ =	swait.ge [sflag:s11], $0x3800  }
0xfd: {  	[sflag:s11] =	ssyncset.done $0x0  }
0xfe: {  	s9 =	rddreg [dreg:$0xc];
	[sflag:s11] =	ssyncadd.s32 $0xFFFFC800  }
0xff: {  	[tilespmem:s18], [sflag:$0x3] =	stream.indirect.gather [hbm4b:s1+s13], $0x80, s9, s13, $0xb8;
	[tilespmem:$0x1F600] =	vst v63  }
0x100: {  	_ =	swait.ge [sflag:s20], $0x3800  }
0x101: {  	[sflag:s20] =	ssyncset.done $0x0  }
0x102: {  	s7 =	rddreg [dreg:$0xd];
	[sflag:s20] =	ssyncadd.s32 $0xFFFFC800  }
0x103: {  	[spmem:s3] =	stream.indirect.scatter.add.f32 [tilespmem:s14], [sflag:$0x4], $0x80, s7, s13, $0xb8;
	[tilespmem:$0x1F600] =	vst v63  }
0x104: {  	_ =	swait.ge [sflag:s11], $0x3800  }
0x105: {  	[sflag:s11] =	ssyncset.done $0x0  }
0x106: {  	s8 =	rddreg [dreg:$0xe];
	[sflag:s11] =	ssyncadd.s32 $0xFFFFC800  }
0x107: {  	[tilespmem:s14], [sflag:$0x1] =	stream.indirect.gather [hbm4b:s1+s13], $0x80, s8, s13, $0xb8;
	[tilespmem:$0x1F600] =	vst v63  }
0x108: {  	_ =	swait.ge [sflag:s21], $0x3800  }
0x109: {  	[sflag:s21] =	ssyncset.done $0x0  }
0x10a: {  	s9 =	rddreg [dreg:$0xf];
	[sflag:s21] =	ssyncadd.s32 $0xFFFFC800  }
0x10b: {  	[spmem:s3] =	stream.indirect.scatter.add.f32 [tilespmem:s16], [sflag:$0x4], $0x80, s9, s13, $0xb8;
	[tilespmem:$0x1F600] =	vst v63  }
0x10c: {  	_ =	swait.ge [sflag:s11], $0x3800  }
0x10d: {  	[sflag:s11] =	ssyncset.done $0x0  }
0x10e: {  	s7 =	rddreg [dreg:$0x10];
	[sflag:s11] =	ssyncadd.s32 $0xFFFFC800  }
0x10f: {  	[tilespmem:s16], [sflag:$0x2] =	stream.indirect.gather [hbm4b:s1+s13], $0x80, s7, s13, $0xb8;
	[tilespmem:$0x1F600] =	vst v63  }
0x110: {  	_ =	swait.ge [sflag:s22], $0x3800  }
0x111: {  	[sflag:s22] =	ssyncset.done $0x0  }
0x112: {  	s8 =	rddreg [dreg:$0x11];
	[sflag:s22] =	ssyncadd.s32 $0xFFFFC800  }
0x113: {  	[spmem:s3] =	stream.indirect.scatter.add.f32 [tilespmem:s18], [sflag:$0x4], $0x80, s8, s13, $0xb8;
	[tilespmem:$0x1F600] =	vst v63  }
0x114: {  	_ =	swait.ge [sflag:s11], $0x3800  }
0x115: {  	[sflag:s11] =	ssyncset.done $0x0  }
0x116: {  	s9 =	rddreg [dreg:$0x12];
	[sflag:s11] =	ssyncadd.s32 $0xFFFFC800  }
0x117: {  	[tilespmem:s18], [sflag:$0x3] =	stream.indirect.gather [hbm4b:s1+s13], $0x80, s9, s13, $0xb8;
	[tilespmem:$0x1F600] =	vst v63  }
0x118: {  	_ =	swait.ge [sflag:s20], $0x3800  }
0x119: {  	[sflag:s20] =	ssyncset.done $0x0  }
0x11a: {  	s7 =	rddreg [dreg:$0x13];
	[sflag:s20] =	ssyncadd.s32 $0xFFFFC800  }
0x11b: {  	[spmem:s3] =	stream.indirect.scatter.add.f32 [tilespmem:s14], [sflag:$0x4], $0x80, s7, s13, $0xb8;
	[tilespmem:$0x1F600] =	vst v63  }
0x11c: {  	_ =	swait.ge [sflag:s11], $0x3800  }
0x11d: {  	[sflag:s11] =	ssyncset.done $0x0  }
0x11e: {  	s8 =	rddreg [dreg:$0x14];
	[sflag:s11] =	ssyncadd.s32 $0xFFFFC800  }
0x11f: {  	[tilespmem:s14], [sflag:$0x1] =	stream.indirect.gather [hbm4b:s1+s13], $0x80, s8, s13, $0xb8;
	[tilespmem:$0x1F600] =	vst v63  }
0x120: {  	_ =	swait.ge [sflag:s21], $0x3800  }
0x121: {  	[sflag:s21] =	ssyncset.done $0x0  }
0x122: {  	s9 =	rddreg [dreg:$0x15];
	[sflag:s21] =	ssyncadd.s32 $0xFFFFC800  }
0x123: {  	[spmem:s3] =	stream.indirect.scatter.add.f32 [tilespmem:s16], [sflag:$0x4], $0x80, s9, s13, $0xb8;
	[tilespmem:$0x1F600] =	vst v63  }
0x124: {  	_ =	swait.ge [sflag:s11], $0x3800  }
0x125: {  	[sflag:s11] =	ssyncset.done $0x0  }
0x126: {  	s7 =	rddreg [dreg:$0x16];
	[sflag:s11] =	ssyncadd.s32 $0xFFFFC800  }
0x127: {  	[tilespmem:s16], [sflag:$0x2] =	stream.indirect.gather [hbm4b:s1+s13], $0x80, s7, s13, $0xb8;
	[tilespmem:$0x1F600] =	vst v63  }
0x128: {  	_ =	swait.ge [sflag:s22], $0x3800  }
0x129: {  	[sflag:s22] =	ssyncset.done $0x0  }
0x12a: {  	s8 =	rddreg [dreg:$0x17];
	[sflag:s22] =	ssyncadd.s32 $0xFFFFC800  }
0x12b: {  	[spmem:s3] =	stream.indirect.scatter.add.f32 [tilespmem:s18], [sflag:$0x4], $0x80, s8, s13, $0xb8;
	[tilespmem:$0x1F600] =	vst v63  }
0x12c: {  	_ =	swait.ge [sflag:s11], $0x3800  }
0x12d: {  	[sflag:s11] =	ssyncset.done $0x0  }
0x12e: {  	s9 =	rddreg [dreg:$0x18];
	[sflag:s11] =	ssyncadd.s32 $0xFFFFC800  }
0x12f: {  	[tilespmem:s18], [sflag:$0x3] =	stream.indirect.gather [hbm4b:s1+s13], $0x80, s9, s13, $0xb8;
	[tilespmem:$0x1F600] =	vst v63  }
0x130: {  	_ =	swait.ge [sflag:s20], $0x3800  }
0x131: {  	[sflag:s20] =	ssyncset.done $0x0  }
0x132: {  	s7 =	rddreg [dreg:$0x19];
	[sflag:s20] =	ssyncadd.s32 $0xFFFFC800  }
0x133: {  	[spmem:s3] =	stream.indirect.scatter.add.f32 [tilespmem:s14], [sflag:$0x4], $0x80, s7, s13, $0xb8;
	[tilespmem:$0x1F600] =	vst v63  }
0x134: {  	_ =	swait.ge [sflag:s11], $0x3800  }
0x135: {  	[sflag:s11] =	ssyncset.done $0x0  }
0x136: {  	s8 =	rddreg [dreg:$0x1a];
	[sflag:s11] =	ssyncadd.s32 $0xFFFFC800  }
0x137: {  	[tilespmem:s14], [sflag:$0x1] =	stream.indirect.gather [hbm4b:s1+s13], $0x80, s8, s13, $0xb8;
	[tilespmem:$0x1F600] =	vst v63  }
0x138: {  	_ =	swait.ge [sflag:s21], $0x3800  }
0x139: {  	[sflag:s21] =	ssyncset.done $0x0  }
0x13a: {  	s9 =	rddreg [dreg:$0x1b];
	[sflag:s21] =	ssyncadd.s32 $0xFFFFC800  }
0x13b: {  	[spmem:s3] =	stream.indirect.scatter.add.f32 [tilespmem:s16], [sflag:$0x4], $0x80, s9, s13, $0xb8;
	[tilespmem:$0x1F600] =	vst v63  }
0x13c: {  	_ =	swait.ge [sflag:s11], $0x3800  }
0x13d: {  	[sflag:s11] =	ssyncset.done $0x0  }
0x13e: {  	s7 =	rddreg [dreg:$0x1c];
	[sflag:s11] =	ssyncadd.s32 $0xFFFFC800  }
0x13f: {  	[tilespmem:s16], [sflag:$0x2] =	stream.indirect.gather [hbm4b:s1+s13], $0x80, s7, s13, $0xb8;
	[tilespmem:$0x1F600] =	vst v63  }
0x140: {  	_ =	swait.ge [sflag:s22], $0x3800  }
0x141: {  	[sflag:s22] =	ssyncset.done $0x0  }
0x142: {  	s8 =	rddreg [dreg:$0x1d];
	[sflag:s22] =	ssyncadd.s32 $0xFFFFC800  }
0x143: {  	[spmem:s3] =	stream.indirect.scatter.add.f32 [tilespmem:s18], [sflag:$0x4], $0x80, s8, s13, $0xb8;
	[tilespmem:$0x1F600] =	vst v63  }
0x144: {  	_ =	swait.ge [sflag:s11], $0x3800  }
0x145: {  	[sflag:s11] =	ssyncset.done $0x0  }
0x146: {  	s9 =	rddreg [dreg:$0x1e];
	[sflag:s11] =	ssyncadd.s32 $0xFFFFC800  }
0x147: {  	[tilespmem:s18], [sflag:$0x3] =	stream.indirect.gather [hbm4b:s1+s13], $0x80, s9, s13, $0xb8;
	[tilespmem:$0x1F600] =	vst v63  }
0x148: {  	_ =	swait.ge [sflag:s20], $0x3800  }
0x149: {  	[sflag:s20] =	ssyncset.done $0x0  }
0x14a: {  	[sflag:s20] =	ssyncadd.s32 $0xFFFFC800  }
0x14b: {  	[spmem:s3] =	stream.indirect.scatter.add.f32 [tilespmem:s14], [sflag:$0x4], $0x80, s23, s13, $0xb8;
	[tilespmem:$0x1F600] =	vst v63  }
0x14c: {  	_ =	swait.ge [sflag:s11], $0x3800  }
0x14d: {  	[sflag:s11] =	ssyncset.done $0x0  }
0x14e: {  	[sflag:s11] =	ssyncadd.s32 $0xFFFFC800  }
0x14f: {  	[tilespmem:s14], [sflag:$0x1] =	stream.indirect.gather [hbm4b:s1+s13], $0x80, s24, s13, $0xb8;
	[tilespmem:$0x1F600] =	vst v63  }
0x150: {  	_ =	swait.ge [sflag:s21], $0x3800  }
0x151: {  	[sflag:s21] =	ssyncset.done $0x0  }
0x152: {  	[sflag:s21] =	ssyncadd.s32 $0xFFFFC800  }
0x153: {  	[spmem:s3] =	stream.indirect.scatter.add.f32 [tilespmem:s16], [sflag:$0x4], $0x80, s25, s13, $0xb8;
	[tilespmem:$0x1F600] =	vst v63  }
0x154: {  	_ =	swait.ge [sflag:s11], $0x3800  }
0x155: {  	[sflag:s11] =	ssyncset.done $0x0  }
0x156: {  	[sflag:s11] =	ssyncadd.s32 $0xFFFFC800  }
0x157: {  	[tilespmem:s16], [sflag:$0x2] =	stream.indirect.gather [hbm4b:s1+s13], $0x80, s26, s13, $0xb8;
	[tilespmem:$0x1F600] =	vst v63  }
0x158: {  	_ =	swait.ge [sflag:s22], $0x3800  }
0x159: {  	[sflag:s22] =	ssyncset.done $0x0  }
0x15a: {  	[sflag:s22] =	ssyncadd.s32 $0xFFFFC800  }
0x15b: {  	[spmem:s3] =	stream.indirect.scatter.add.f32 [tilespmem:s18], [sflag:$0x4], $0x80, s28, s13, $0xb8;
	[tilespmem:$0x1F600] =	vst v63  }
0x15c: {  	_ =	swait.ge [sflag:s11], $0x3800  }
0x15d: {  	[sflag:s11] =	ssyncset.done $0x0  }
0x15e: {  	[sflag:s11] =	ssyncadd.s32 $0xFFFFC800  }
0x15f: {  	[tilespmem:s18], [sflag:$0x3] =	stream.indirect.gather [hbm4b:s1+s13], $0x80, s29, s13, $0xb8;
	[tilespmem:$0x1F600] =	vst v63  }
0x160: {  	_ =	swait.ge [sflag:s20], $0x3800  }
0x161: {  	[sflag:s20] =	ssyncset.done $0x0  }
0x162: {  	[sflag:s20] =	ssyncadd.s32 $0xFFFFC800  }
0x163: {  	[spmem:s3] =	stream.indirect.scatter.add.f32 [tilespmem:s14], [sflag:$0x4], $0x80, s30, s13, $0xb8;
	[tilespmem:$0x1F600] =	vst v63  }
0x164: {  	_ =	swait.ge [sflag:s11], $0x3800  }
0x165: {  	[sflag:s11] =	ssyncset.done $0x0  }
0x166: {  	[sflag:s11] =	ssyncadd.s32 $0xFFFFC800  }
0x167: {  	_ =	swait.ge [sflag:s21], $0x3800  }
0x168: {  	[sflag:s21] =	ssyncset.done $0x0  }
0x169: {  	[sflag:s21] =	ssyncadd.s32 $0xFFFFC800  }
0x16a: {  	[spmem:s3] =	stream.indirect.scatter.add.f32 [tilespmem:s16], [sflag:$0x4], $0x80, s31, s13, $0xb8;
	[tilespmem:$0x1F600] =	vst v63  }
0x16b: {  	_ =	swait.ge [sflag:s11], $0x3800  }
0x16c: {  	[sflag:s11] =	ssyncset.done $0x0  }
0x16d: {  	s5 =	sadd.s32 $0x120, s5;
	[sflag:s11] =	ssyncadd.s32 $0xFFFFC800  }
0x16e: {  	p0 =	sne.s32 s5, $0x5A0;
	_ =	swait.ge [sflag:s22], $0x3800  }
.Ltmp0:
0x16f: {  	[sflag:s22] =	ssyncset.done $0x0;
	(pc) =	sbr.rel @p0 .LBB2_2-.Ltmp0, $4  }
0x170: {  	[sflag:s22] =	ssyncadd.s32 $0xFFFFC800  }
0x171: {  	[spmem:s3] =	stream.indirect.scatter.add.f32 [tilespmem:s18], [sflag:$0x4], $0x80, s0, s13, $0xb8;
	[tilespmem:$0x1F600] =	vst v63  }
0x172: {  	_ =	swait.ge [sflag:s11], $0x3800  }
0x173: {  	s6 =	rddreg [dreg:$0x7];
	[sflag:s11] =	ssyncset.done $0x0  }
0x174: {  	[sflag:s11] =	ssyncadd.s32 $0xFFFFC800;
	p0 =	seq.s32 s17, $0x0  }
0x175: {  	s5 =	sadd.s32 @!p0 s17, s6;
	s6 =	simm.s32 @!p0 $0x0;
	s7 =	simm.s32 @!p0 $0x4  }
0x176: {  	[tilespmem:s6], [sflag:$0x4] =	stream.linear.gather @!p0 [hbm4b:s5+s6], $0x900, $0x38;
	[tilespmem:$0x1F600] =	vst v63  }
0x177: {  	_ =	swait.ge @!p0 [sflag:s7], $0x900  }
0x178: {  	s5 =	rddreg [dreg:$0x6];
	[sflag:s7] =	ssyncset.done @!p0 $0x0  }
0x179: {  	s8 =	simm.s32 @!p0 $0x900;
	[sflag:s7] =	ssyncadd.s32 @!p0 $0xFFFFF700;
	s5 =	sadd.s32 @!p0 s17, s5  }
0x17a: {  	[tilespmem:s8], [sflag:$0x4] =	stream.linear.gather @!p0 [hbm4b:s5+s6], $0x900, $0x38;
	[tilespmem:$0x1F600] =	vst v63  }
0x17b: {  	_ =	swait.ge @!p0 [sflag:s7], $0x900  }
0x17c: {  	[sflag:s7] =	ssyncset.done @!p0 $0x0  }
0x17d: {  	s5 =	simm.s32 @!p0 $0x70;
	[sflag:s7] =	ssyncadd.s32 @!p0 $0xFFFFF700;
	s7 =	simm.s32 @!p0 $0x1200  }
0x17e: {  	[tilespmem:s7], [sflag:$0x1] =	stream.indirect.gather @!p0 [hbm4b:s1+s5], $0x80, s6, s5, $0xb8;
	[tilespmem:$0x1F600] =	vst v63  }
0x17f: {  	s6 =	simm.s32 @!p0 $0x80;
	s7 =	simm.s32 @!p0 $0x4A00  }
0x180: {  	[tilespmem:s7], [sflag:$0x2] =	stream.indirect.gather @!p0 [hbm4b:s1+s5], $0x80, s6, s5, $0xb8;
	[tilespmem:$0x1F600] =	vst v63  }
0x181: {  	s6 =	simm.s32 @!p0 $0x100;
	s7 =	simm.s32 @!p0 $0x8200  }
0x182: {  	[tilespmem:s7], [sflag:$0x3] =	stream.indirect.gather @!p0 [hbm4b:s1+s5], $0x80, s6, s5, $0xb8;
	[tilespmem:$0x1F600] =	vst v63  }
0x183: {  	_ =	swait.ge [sflag:s20], $0x3800  }
0x184: {  	[sflag:s20] =	ssyncset.done $0x0  }
0x185: {  	[sflag:s20] =	ssyncadd.s32 $0xFFFFC800  }
0x186: {  	[spmem:s3] =	stream.indirect.scatter.add.f32 [tilespmem:s14], [sflag:$0x4], $0x80, s12, s13, $0xb8;
	[tilespmem:$0x1F600] =	vst v63  }
0x187: {  	_ =	swait.ge [sflag:s11], $0x3800  }
0x188: {  	[sflag:s11] =	ssyncset.done $0x0  }
0x189: {  	s7 =	rddreg [dreg:$0x8];
	[sflag:s11] =	ssyncadd.s32 $0xFFFFC800  }
0x18a: {  	[tilespmem:s14], [sflag:$0x1] =	stream.indirect.gather [hbm4b:s1+s13], $0x80, s7, s13, $0xb8;
	[tilespmem:$0x1F600] =	vst v63  }
0x18b: {  	_ =	swait.ge [sflag:s21], $0x3800  }
0x18c: {  	[sflag:s21] =	ssyncset.done $0x0  }
0x18d: {  	s8 =	rddreg [dreg:$0x9];
	[sflag:s21] =	ssyncadd.s32 $0xFFFFC800  }
0x18e: {  	[spmem:s3] =	stream.indirect.scatter.add.f32 [tilespmem:s16], [sflag:$0x4], $0x80, s8, s13, $0xb8;
	[tilespmem:$0x1F600] =	vst v63  }
0x18f: {  	_ =	swait.ge [sflag:s11], $0x3800  }
0x190: {  	[sflag:s11] =	ssyncset.done $0x0  }
0x191: {  	s9 =	rddreg [dreg:$0xa];
	[sflag:s11] =	ssyncadd.s32 $0xFFFFC800  }
0x192: {  	[tilespmem:s16], [sflag:$0x2] =	stream.indirect.gather [hbm4b:s1+s13], $0x80, s9, s13, $0xb8;
	[tilespmem:$0x1F600] =	vst v63  }
0x193: {  	_ =	swait.ge [sflag:s22], $0x3800  }
0x194: {  	[sflag:s22] =	ssyncset.done $0x0  }
0x195: {  	s17 =	rddreg [dreg:$0xb];
	[sflag:s22] =	ssyncadd.s32 $0xFFFFC800  }
0x196: {  	[spmem:s3] =	stream.indirect.scatter.add.f32 [tilespmem:s18], [sflag:$0x4], $0x80, s17, s13, $0xb8;
	[tilespmem:$0x1F600] =	vst v63  }
0x197: {  	_ =	swait.ge [sflag:s11], $0x3800  }
0x198: {  	[sflag:s11] =	ssyncset.done $0x0  }
0x199: {  	s6 =	rddreg [dreg:$0xc];
	[sflag:s11] =	ssyncadd.s32 $0xFFFFC800  }
0x19a: {  	[tilespmem:s18], [sflag:$0x3] =	stream.indirect.gather [hbm4b:s1+s13], $0x80, s6, s13, $0xb8;
	[tilespmem:$0x1F600] =	vst v63  }
0x19b: {  	_ =	swait.ge [sflag:s20], $0x3800  }
0x19c: {  	[sflag:s20] =	ssyncset.done $0x0  }
0x19d: {  	s7 =	rddreg [dreg:$0xd];
	[sflag:s20] =	ssyncadd.s32 $0xFFFFC800  }
0x19e: {  	[spmem:s3] =	stream.indirect.scatter.add.f32 [tilespmem:s14], [sflag:$0x4], $0x80, s7, s13, $0xb8;
	[tilespmem:$0x1F600] =	vst v63  }
0x19f: {  	_ =	swait.ge [sflag:s11], $0x3800  }
0x1a0: {  	[sflag:s11] =	ssyncset.done $0x0  }
0x1a1: {  	s8 =	rddreg [dreg:$0xe];
	[sflag:s11] =	ssyncadd.s32 $0xFFFFC800  }
0x1a2: {  	[tilespmem:s14], [sflag:$0x1] =	stream.indirect.gather [hbm4b:s1+s13], $0x80, s8, s13, $0xb8;
	[tilespmem:$0x1F600] =	vst v63  }
0x1a3: {  	_ =	swait.ge [sflag:s21], $0x3800  }
0x1a4: {  	[sflag:s21] =	ssyncset.done $0x0  }
0x1a5: {  	s9 =	rddreg [dreg:$0xf];
	[sflag:s21] =	ssyncadd.s32 $0xFFFFC800  }
0x1a6: {  	[spmem:s3] =	stream.indirect.scatter.add.f32 [tilespmem:s16], [sflag:$0x4], $0x80, s9, s13, $0xb8;
	[tilespmem:$0x1F600] =	vst v63  }
0x1a7: {  	_ =	swait.ge [sflag:s11], $0x3800  }
0x1a8: {  	[sflag:s11] =	ssyncset.done $0x0  }
0x1a9: {  	s17 =	rddreg [dreg:$0x10];
	[sflag:s11] =	ssyncadd.s32 $0xFFFFC800  }
0x1aa: {  	[tilespmem:s16], [sflag:$0x2] =	stream.indirect.gather [hbm4b:s1+s13], $0x80, s17, s13, $0xb8;
	[tilespmem:$0x1F600] =	vst v63  }
0x1ab: {  	_ =	swait.ge [sflag:s22], $0x3800  }
0x1ac: {  	[sflag:s22] =	ssyncset.done $0x0  }
0x1ad: {  	s6 =	rddreg [dreg:$0x11];
	[sflag:s22] =	ssyncadd.s32 $0xFFFFC800  }
0x1ae: {  	[spmem:s3] =	stream.indirect.scatter.add.f32 [tilespmem:s18], [sflag:$0x4], $0x80, s6, s13, $0xb8;
	[tilespmem:$0x1F600] =	vst v63  }
0x1af: {  	_ =	swait.ge [sflag:s11], $0x3800  }
0x1b0: {  	[sflag:s11] =	ssyncset.done $0x0  }
0x1b1: {  	s7 =	rddreg [dreg:$0x12];
	[sflag:s11] =	ssyncadd.s32 $0xFFFFC800  }
0x1b2: {  	[tilespmem:s18], [sflag:$0x3] =	stream.indirect.gather [hbm4b:s1+s13], $0x80, s7, s13, $0xb8;
	[tilespmem:$0x1F600] =	vst v63  }
0x1b3: {  	_ =	swait.ge [sflag:s20], $0x3800  }
0x1b4: {  	[sflag:s20] =	ssyncset.done $0x0  }
0x1b5: {  	s8 =	rddreg [dreg:$0x13];
	[sflag:s20] =	ssyncadd.s32 $0xFFFFC800  }
0x1b6: {  	[spmem:s3] =	stream.indirect.scatter.add.f32 [tilespmem:s14], [sflag:$0x4], $0x80, s8, s13, $0xb8;
	[tilespmem:$0x1F600] =	vst v63  }
0x1b7: {  	_ =	swait.ge [sflag:s11], $0x3800  }
0x1b8: {  	[sflag:s11] =	ssyncset.done $0x0  }
0x1b9: {  	s9 =	rddreg [dreg:$0x14];
	[sflag:s11] =	ssyncadd.s32 $0xFFFFC800  }
0x1ba: {  	[tilespmem:s14], [sflag:$0x1] =	stream.indirect.gather [hbm4b:s1+s13], $0x80, s9, s13, $0xb8;
	[tilespmem:$0x1F600] =	vst v63  }
0x1bb: {  	_ =	swait.ge [sflag:s21], $0x3800  }
0x1bc: {  	[sflag:s21] =	ssyncset.done $0x0  }
0x1bd: {  	s17 =	rddreg [dreg:$0x15];
	[sflag:s21] =	ssyncadd.s32 $0xFFFFC800  }
0x1be: {  	[spmem:s3] =	stream.indirect.scatter.add.f32 [tilespmem:s16], [sflag:$0x4], $0x80, s17, s13, $0xb8;
	[tilespmem:$0x1F600] =	vst v63  }
0x1bf: {  	_ =	swait.ge [sflag:s11], $0x3800  }
0x1c0: {  	[sflag:s11] =	ssyncset.done $0x0  }
0x1c1: {  	s6 =	rddreg [dreg:$0x16];
	[sflag:s11] =	ssyncadd.s32 $0xFFFFC800  }
0x1c2: {  	[tilespmem:s16], [sflag:$0x2] =	stream.indirect.gather [hbm4b:s1+s13], $0x80, s6, s13, $0xb8;
	[tilespmem:$0x1F600] =	vst v63  }
0x1c3: {  	_ =	swait.ge [sflag:s22], $0x3800  }
0x1c4: {  	[sflag:s22] =	ssyncset.done $0x0  }
0x1c5: {  	s7 =	rddreg [dreg:$0x17];
	[sflag:s22] =	ssyncadd.s32 $0xFFFFC800  }
0x1c6: {  	[spmem:s3] =	stream.indirect.scatter.add.f32 [tilespmem:s18], [sflag:$0x4], $0x80, s7, s13, $0xb8;
	[tilespmem:$0x1F600] =	vst v63  }
0x1c7: {  	_ =	swait.ge [sflag:s11], $0x3800  }
0x1c8: {  	[sflag:s11] =	ssyncset.done $0x0  }
0x1c9: {  	s8 =	rddreg [dreg:$0x18];
	[sflag:s11] =	ssyncadd.s32 $0xFFFFC800  }
0x1ca: {  	[tilespmem:s18], [sflag:$0x3] =	stream.indirect.gather [hbm4b:s1+s13], $0x80, s8, s13, $0xb8;
	[tilespmem:$0x1F600] =	vst v63  }
0x1cb: {  	_ =	swait.ge [sflag:s20], $0x3800  }
0x1cc: {  	[sflag:s20] =	ssyncset.done $0x0  }
0x1cd: {  	s9 =	rddreg [dreg:$0x19];
	[sflag:s20] =	ssyncadd.s32 $0xFFFFC800  }
0x1ce: {  	[spmem:s3] =	stream.indirect.scatter.add.f32 [tilespmem:s14], [sflag:$0x4], $0x80, s9, s13, $0xb8;
	[tilespmem:$0x1F600] =	vst v63  }
0x1cf: {  	_ =	swait.ge [sflag:s11], $0x3800  }
0x1d0: {  	[sflag:s11] =	ssyncset.done $0x0  }
0x1d1: {  	s17 =	rddreg [dreg:$0x1a];
	[sflag:s11] =	ssyncadd.s32 $0xFFFFC800  }
0x1d2: {  	[tilespmem:s14], [sflag:$0x1] =	stream.indirect.gather [hbm4b:s1+s13], $0x80, s17, s13, $0xb8;
	[tilespmem:$0x1F600] =	vst v63  }
0x1d3: {  	_ =	swait.ge [sflag:s21], $0x3800  }
0x1d4: {  	[sflag:s21] =	ssyncset.done $0x0  }
0x1d5: {  	s6 =	rddreg [dreg:$0x1b];
	[sflag:s21] =	ssyncadd.s32 $0xFFFFC800  }
0x1d6: {  	[spmem:s3] =	stream.indirect.scatter.add.f32 [tilespmem:s16], [sflag:$0x4], $0x80, s6, s13, $0xb8;
	[tilespmem:$0x1F600] =	vst v63  }
0x1d7: {  	_ =	swait.ge [sflag:s11], $0x3800  }
0x1d8: {  	[sflag:s11] =	ssyncset.done $0x0  }
0x1d9: {  	s7 =	rddreg [dreg:$0x1c];
	[sflag:s11] =	ssyncadd.s32 $0xFFFFC800  }
0x1da: {  	[tilespmem:s16], [sflag:$0x2] =	stream.indirect.gather [hbm4b:s1+s13], $0x80, s7, s13, $0xb8;
	[tilespmem:$0x1F600] =	vst v63  }
0x1db: {  	_ =	swait.ge [sflag:s22], $0x3800  }
0x1dc: {  	[sflag:s22] =	ssyncset.done $0x0  }
0x1dd: {  	s8 =	rddreg [dreg:$0x1d];
	[sflag:s22] =	ssyncadd.s32 $0xFFFFC800  }
0x1de: {  	[spmem:s3] =	stream.indirect.scatter.add.f32 [tilespmem:s18], [sflag:$0x4], $0x80, s8, s13, $0xb8;
	[tilespmem:$0x1F600] =	vst v63  }
0x1df: {  	_ =	swait.ge [sflag:s11], $0x3800  }
0x1e0: {  	[sflag:s11] =	ssyncset.done $0x0  }
0x1e1: {  	s9 =	rddreg [dreg:$0x1e];
	[sflag:s11] =	ssyncadd.s32 $0xFFFFC800  }
0x1e2: {  	[tilespmem:s18], [sflag:$0x3] =	stream.indirect.gather [hbm4b:s1+s13], $0x80, s9, s13, $0xb8;
	[tilespmem:$0x1F600] =	vst v63  }
0x1e3: {  	_ =	swait.ge [sflag:s20], $0x3800  }
0x1e4: {  	[sflag:s20] =	ssyncset.done $0x0  }
0x1e5: {  	[sflag:s20] =	ssyncadd.s32 $0xFFFFC800  }
0x1e6: {  	[spmem:s3] =	stream.indirect.scatter.add.f32 [tilespmem:s14], [sflag:$0x4], $0x80, s23, s13, $0xb8;
	[tilespmem:$0x1F600] =	vst v63  }
0x1e7: {  	_ =	swait.ge [sflag:s11], $0x3800  }
0x1e8: {  	[sflag:s11] =	ssyncset.done $0x0  }
0x1e9: {  	[sflag:s11] =	ssyncadd.s32 $0xFFFFC800  }
0x1ea: {  	[tilespmem:s14], [sflag:$0x1] =	stream.indirect.gather [hbm4b:s1+s13], $0x80, s24, s13, $0xb8;
	[tilespmem:$0x1F600] =	vst v63  }
0x1eb: {  	_ =	swait.ge [sflag:s21], $0x3800  }
0x1ec: {  	[sflag:s21] =	ssyncset.done $0x0  }
0x1ed: {  	[sflag:s21] =	ssyncadd.s32 $0xFFFFC800  }
0x1ee: {  	[spmem:s3] =	stream.indirect.scatter.add.f32 [tilespmem:s16], [sflag:$0x4], $0x80, s25, s13, $0xb8;
	[tilespmem:$0x1F600] =	vst v63  }
0x1ef: {  	_ =	swait.ge [sflag:s11], $0x3800  }
0x1f0: {  	[sflag:s11] =	ssyncset.done $0x0  }
0x1f1: {  	[sflag:s11] =	ssyncadd.s32 $0xFFFFC800  }
0x1f2: {  	[tilespmem:s16], [sflag:$0x2] =	stream.indirect.gather [hbm4b:s1+s13], $0x80, s26, s13, $0xb8;
	[tilespmem:$0x1F600] =	vst v63  }
0x1f3: {  	_ =	swait.ge [sflag:s22], $0x3800  }
0x1f4: {  	[sflag:s22] =	ssyncset.done $0x0  }
0x1f5: {  	[sflag:s22] =	ssyncadd.s32 $0xFFFFC800  }
0x1f6: {  	[spmem:s3] =	stream.indirect.scatter.add.f32 [tilespmem:s18], [sflag:$0x4], $0x80, s28, s13, $0xb8;
	[tilespmem:$0x1F600] =	vst v63  }
0x1f7: {  	_ =	swait.ge [sflag:s11], $0x3800  }
0x1f8: {  	[sflag:s11] =	ssyncset.done $0x0  }
0x1f9: {  	[sflag:s11] =	ssyncadd.s32 $0xFFFFC800  }
0x1fa: {  	[tilespmem:s18], [sflag:$0x3] =	stream.indirect.gather [hbm4b:s1+s13], $0x80, s29, s13, $0xb8;
	[tilespmem:$0x1F600] =	vst v63  }
0x1fb: {  	_ =	swait.ge [sflag:s20], $0x3800  }
0x1fc: {  	[sflag:s20] =	ssyncset.done $0x0  }
0x1fd: {  	[sflag:s20] =	ssyncadd.s32 $0xFFFFC800  }
0x1fe: {  	[spmem:s3] =	stream.indirect.scatter.add.f32 [tilespmem:s14], [sflag:$0x4], $0x80, s30, s13, $0xb8;
	[tilespmem:$0x1F600] =	vst v63  }
0x1ff: {  	_ =	swait.ge [sflag:s11], $0x3800  }
0x200: {  	[sflag:s11] =	ssyncset.done $0x0  }
0x201: {  	[sflag:s11] =	ssyncadd.s32 $0xFFFFC800  }
0x202: {  	_ =	swait.ge [sflag:s21], $0x3800  }
0x203: {  	[sflag:s21] =	ssyncset.done $0x0  }
0x204: {  	[sflag:s21] =	ssyncadd.s32 $0xFFFFC800  }
0x205: {  	[spmem:s3] =	stream.indirect.scatter.add.f32 [tilespmem:s16], [sflag:$0x4], $0x80, s31, s13, $0xb8;
	[tilespmem:$0x1F600] =	vst v63  }
0x206: {  	_ =	swait.ge [sflag:s11], $0x3800  }
0x207: {  	[sflag:s11] =	ssyncset.done $0x0  }
0x208: {  	[sflag:s11] =	ssyncadd.s32 $0xFFFFC800  }
0x209: {  	_ =	swait.ge [sflag:s22], $0x3800  }
0x20a: {  	[sflag:s22] =	ssyncset.done $0x0  }
0x20b: {  	[sflag:s22] =	ssyncadd.s32 $0xFFFFC800  }
0x20c: {  	[spmem:s3] =	stream.indirect.scatter.add.f32 [tilespmem:s18], [sflag:$0x4], $0x80, s0, s13, $0xb8;
	[tilespmem:$0x1F600] =	vst v63  }
0x20d: {  	_ =	swait.ge [sflag:s11], $0x3800  }
0x20e: {  	[sflag:s11] =	ssyncset.done $0x0  }
0x20f: {  	[sflag:s11] =	ssyncadd.s32 $0xFFFFC800  }
0x210: {  	[bflag:$0x0] =	sbarrier.arrive $0xFFFF  }
0x211: {  	s2 =	sadd.s32 $0x1, s2;
	s17 =	sld [smem:$0x7FD]  }
0x212: {  	p0 =	sne.s32 s2, s10  }
.Ltmp1:
0x213: {  	_ = 	snop;
	(pc) =	sbr.rel @p0 .LBB2_1-.Ltmp1, $4  }
0x214: {  	[hbm:s17], [sflag:s19] =	dma.local [spmem:s15], $0x2780  }
0x215: {  	_ =	swait.ge [sflag:s11], $0x2780  }
0x216: {  	[sflag:s11] =	ssyncset.done $0x0  }
0x217: {  	[sflag:s11] =	ssyncadd.s32 $0xFFFFD880  }
0x218: {  	_ =	sfence.sel $0x180000  }
0x219: {  	[bflag:$0x0] =	sbarrier.arrive $0xFFFF  }
0x21a: {  	_ =	strace $0x90000047  }
0x21b: {  	s0 =	stileid.u32;
	[bflag:$0x2] =	sbarrier.arrive $0xFFFF  }
0x21c: {  	p0 =	sne.s32 s0, $0x0;
	s0 =	rddreg [dreg:$0x5]  }
0x21d: {  	s0 =	sadd.s32 @!p0 $0x100000, s0  }
0x21e: {  	[sflag:s0] =	ssyncadd.tile.s32 @!p0 $0x1;
	_ =	shalt  }
.Lfunc_end2:
_tile_overlayer_lowered:
.L_overlay_start_2:
0x21f: {  	(tag) =	ssettag $0x2  }
0x220: {  	s0 =	rddreg [dreg:$0x0];
	s2 =	stileid.u32  }
0x221: {  	s1 =	rddreg [dreg:$0x1];
	p0 =	sne.s32 s2, $0x0  }
0x222: {  	s3 =	rddreg [dreg:$0x2];
	[bflag:$0x3] =	sbarrier.arrive $0xFFFF;
	s2 =	simm.s32 @!p0 $0x1C04  }
0x223: {  	[timem:s3], [sflag:s2] =	dma.local @!p0 [hbm:s0], s1  }
0x224: {  	s0 =	simm.s32 @!p0 $0x4  }
0x225: {  	_ =	swait.ge @!p0 [sflag:s0], s1  }
0x226: {  	s1 =	ssub.s32 @!p0 $0x0, s1;
	[sflag:s0] =	ssyncset.done @!p0 $0x0  }
0x227: {  	[sflag:s0] =	ssyncadd.s32 @!p0 s1  }
0x228: {  	[bflag:$0x3] =	sbarrier.arrive $0xFFFF  }
0x229: {  	_ =	shalt  }

// kernel: kernel.9.cloned.1.call-start
scs
__scs_entry_jumppad:
0x0: {  	(pc) =	sbr.rel $0x88, $3  }
0x1: {  	(tag) =	ssettag $0x0;
	lr =	simm.s32 $0x1  }
0x2: {  	[smem:$0x3F8D] =	sst lr;
	_ =	strace $0xD0000000  }
0x3: {  	_ = 	snop  }
0x4: {  	_ = 	snop  }
0x5: {  	_ = 	snop  }
0x6: {  	_ = 	snop  }
0x7: {  	_ = 	snop  }
__scs_overlays_trampoline_lowered:
0x8: {  	[smem:$0x3F9C] =	sst s0  }
0x9: {  	[smem:$0x3F9D] =	sst s1  }
0xa: {  	[smem:$0x3F9E] =	sst s2  }
0xb: {  	[smem:$0x3F9F] =	sst s3  }
0xc: {  	[smem:$0x3FA0] =	sst s4  }
0xd: {  	[smem:$0x3FA1] =	sst s5  }
0xe: {  	[smem:$0x3FA2] =	sst s6  }
0xf: {  	[smem:$0x3FA3] =	sst s7  }
0x10: {  	[smem:$0x3FA4] =	sst s8  }
0x11: {  	[smem:$0x3FA5] =	sst s9;
	s0 =	simm.s32 @!p0 $0x0  }
0x12: {  	s1 =	sld [smem:$0x3F8B];
	s0 =	simm.s32 @p0 $0x1  }
0x13: {  	[smem:$0x3FA6] =	sst s0;
	s0 =	simm.s32 @!p1 $0x0  }
0x14: {  	s2 =	sld [smem:$0x3F8A];
	s0 =	simm.s32 @p1 $0x1  }
0x15: {  	[smem:$0x3FA7] =	sst s0;
	s0 =	simm.s32 @!p2 $0x0  }
0x16: {  	s3 =	sld [smem:$0x3FDB];
	s0 =	simm.s32 @p2 $0x1  }
0x17: {  	s4 =	simm.s32 $0x1BF5;
	[smem:$0x3FA9] =	sst s0  }
0x18: {  	s0 =	sld [smem:$0x3F8C];
	_ =	swait.ge [sflag:s4], $0x0  }
0x19: {  	s7 =	sld [smem:$0x3F8D]  }
0x1a: {  	s8 =	sadd.s32 $0xFFFFE003, lr  }
0x1b: {  	s9 =	sadd.s32 $0xFFFFFEF7, lr;
	s5 =	simm.s32 $0xFFFFFFFF;
	p2 =	slt.u32 s8, $0xFFFFF086  }
0x1c: {  	p1 =	slt.u32 s9, $0xF7A;
	s5 =	simm.s32 @!p2 $0x0  }
0x1d: {  	s5 =	simm.s32 @p1 $0x1;
	p0 =	seq.s32 s7, s2  }
0x1e: {  	s7 =	smul.u32 @!p0 $0xF7A, s2;
	p2 =	seq.s32 @!p0 s5, $0x0  }
0x1f: {  	s9 =	smul.u32 $0xF7A, s1;
	s8 =	simm.s32 @!p0 $0x1BF5;
	p2 =	por !p2, p0  }
0x20: {  	[sflag:s8] =	ssyncset.s32 @!p0 $0xFFFFF086;
	s6 =	sadd.s32 @!p0 s3, s7;
	s7 =	simm.s32 @!p0 $0x108  }
0x21: {  	s3 =	sadd.s32 s3, s9;
	s6 =	sadd.s32 @!p0 $0x88, s6;
	s7 =	simm.s32 @p2 $0x1082  }
0x22: {  	[simem:s7], [sflag:s8] =	dma.local @!p0 [hbm:s6], $0xF7A  }
0x23: {  	s9 =	sor.u32 $0xD0000000, s2;
	s6 =	simm.s32 $0x108;
	_ =	swait.ge @!p0 [sflag:s8], $0x0  }
0x24: {  	s3 =	sadd.s32 $0x88, s3;
	s6 =	simm.s32 @!p1 $0x1082;
	[sflag:s4] =	ssyncset.s32 $0xFFFFF086  }
0x25: {  	[simem:s6], [sflag:s4] =	dma.local [hbm:s3], $0xF7A  }
0x26: {  	[smem:$0x3F8D] =	sst s1;
	(tag) =	ssettag s2;
	_ =	strace s9  }
0x27: {  	s1 =	sld [smem:$0x3F9D]  }
0x28: {  	s2 =	sld [smem:$0x3F9E]  }
0x29: {  	s4 =	sld [smem:$0x3FA0]  }
0x2a: {  	p0 =	seq.s32 s5, $0x0;
	s5 =	sld [smem:$0x3FA1]  }
0x2b: {  	s6 =	sld [smem:$0x3FA2]  }
0x2c: {  	s7 =	sld [smem:$0x3FA3]  }
0x2d: {  	s3 =	simm.s32 $0x108;
	s8 =	sld [smem:$0x3FA4]  }
0x2e: {  	s3 =	simm.s32 @!p0 $0x1082;
	s9 =	sld [smem:$0x3FA5]  }
0x2f: {  	lr =	sadd.s32 s0, s3;
	s0 =	sld [smem:$0x3F9C]  }
0x30: {  	s3 =	sld [smem:$0x3F9F]  }
0x31: {  	[smem:$0x3FA8] =	sst s10  }
0x32: {  	s10 =	sld [smem:$0x3FA6];
	_ =	sdelay $0x3  }
0x33: {  	p0 =	seq.s32 s10, $0x1;
	s10 =	sld [smem:$0x3FA8];
	_ =	sdelay $0x3  }
0x34: {  	[smem:$0x3FA8] =	sst s10  }
0x35: {  	s10 =	sld [smem:$0x3FA7];
	_ =	sdelay $0x3  }
0x36: {  	p1 =	seq.s32 s10, $0x1;
	s10 =	sld [smem:$0x3FA8];
	_ =	sdelay $0x3  }
0x37: {  	[smem:$0x3FA8] =	sst s10  }
0x38: {  	s10 =	sld [smem:$0x3FA9]  }
0x39: {  	_ = 	snop;
	(pc) =	sbr.ind lr, $3  }
0x3a: {  	_ = 	snop  }
0x3b: {  	_ = 	snop  }
0x3c: {  	p2 =	seq.s32 s10, $0x1;
	s10 =	sld [smem:$0x3FA8]  }
0x3d: {  	_ =	shalt  }
0x3e: {  	_ =	shalt  }
0x3f: {  	_ =	shalt  }
0x40: {  	_ =	shalt  }
0x41: {  	_ =	shalt  }
0x42: {  	_ =	shalt  }
0x43: {  	_ =	shalt  }
0x44: {  	_ =	shalt  }
0x45: {  	_ =	shalt  }
0x46: {  	_ =	shalt  }
0x47: {  	_ =	shalt  }
0x48: {  	_ =	shalt  }
0x49: {  	_ =	shalt  }
0x4a: {  	_ =	shalt  }
0x4b: {  	_ =	shalt  }
0x4c: {  	_ =	shalt  }
0x4d: {  	_ =	shalt  }
0x4e: {  	_ =	shalt  }
0x4f: {  	_ =	shalt  }
0x50: {  	_ =	shalt  }
0x51: {  	_ =	shalt  }
0x52: {  	_ =	shalt  }
0x53: {  	_ =	shalt  }
0x54: {  	_ =	shalt  }
0x55: {  	_ =	shalt  }
0x56: {  	_ =	shalt  }
0x57: {  	_ =	shalt  }
0x58: {  	_ =	shalt  }
0x59: {  	_ =	shalt  }
0x5a: {  	_ =	shalt  }
0x5b: {  	_ =	shalt  }
0x5c: {  	_ =	shalt  }
0x5d: {  	_ =	shalt  }
0x5e: {  	_ =	shalt  }
0x5f: {  	_ =	shalt  }
0x60: {  	_ =	shalt  }
0x61: {  	_ =	shalt  }
0x62: {  	_ =	shalt  }
0x63: {  	_ =	shalt  }
0x64: {  	_ =	shalt  }
0x65: {  	_ =	shalt  }
0x66: {  	_ =	shalt  }
0x67: {  	_ =	shalt  }
0x68: {  	_ =	shalt  }
0x69: {  	_ =	shalt  }
0x6a: {  	_ =	shalt  }
0x6b: {  	_ =	shalt  }
0x6c: {  	_ =	shalt  }
0x6d: {  	_ =	shalt  }
0x6e: {  	_ =	shalt  }
0x6f: {  	_ =	shalt  }
0x70: {  	_ =	shalt  }
0x71: {  	_ =	shalt  }
0x72: {  	_ =	shalt  }
0x73: {  	_ =	shalt  }
0x74: {  	_ =	shalt  }
0x75: {  	_ =	shalt  }
0x76: {  	_ =	shalt  }
0x77: {  	_ =	shalt  }
0x78: {  	_ =	shalt  }
0x79: {  	_ =	shalt  }
0x7a: {  	_ =	shalt  }
0x7b: {  	_ =	shalt  }
0x7c: {  	_ =	shalt  }
0x7d: {  	_ =	shalt  }
0x7e: {  	_ =	shalt  }
0x7f: {  	_ =	shalt  }
0x80: {  	_ =	shalt  }
0x81: {  	_ =	shalt  }
0x82: {  	_ =	shalt  }
0x83: {  	_ =	shalt  }
0x84: {  	_ =	shalt  }
0x85: {  	_ =	shalt  }
0x86: {  	_ =	shalt  }
0x87: {  	_ =	shalt  }
.Lfunc_end0:
.L_simem_size_0:
called_computation.1_lowered:
.L_overlay_start_0:
0x88: {  	s2 =	sld [smem:$0x3FD9]  }
0x89: {  	s3 =	sld [smem:$0x3FFE];
	_ =	sdelay $0x1  }
0x8a: {  	s1 =	srdreg.scid  }
0x8b: {  	s0 =	sand.u32 $0x1, s1  }
0x8c: {  	s14 =	sshll.u32 s0, $0xA;
	s2 =	sadd.s32 s3, s2  }
0x8d: {  	s2 =	sadd.s32 s2, s14  }
0x8e: {  	[smem:$0x3FB4] =	sst s2  }
0x8f: {  	_ = 	snop  }
0x90: {  	s2 =	sld [smem:$0x3FD0];
	_ =	sdelay $0x2  }
0x91: {  	s15 =	simm.s32 $0xA;
	s4 =	simm.s32 $0x10  }
0x92: {  	[smem:s4], [sflag:s15] =	dma.local [hbm:s2], $0x1  }
0x93: {  	_ =	swait.eq [sflag:s15], $0x1  }
0x94: {  	[sflag:s15] =	ssyncset.done $0x0  }
0x95: {  	s16 =	sld [smem:$0x10];
	[sflag:s15] =	ssyncadd.s32 $0xFFFFFFFF  }
0x96: {  	s17 =	sld [smem:$0x11];
	(tm) =	ssettm $0x1  }
0x97: {  	s18 =	sld [smem:$0x3FFB];
	_ =	sdelay $0x3  }
0x98: {  	_ =	strace s18  }
0x99: {  	s4 =	sld [smem:$0x3FFC];
	_ =	sdelay $0x3  }
0x9a: {  	_ =	strace s4  }
0x9b: {  	s4 =	sld [smem:$0x3FFD];
	_ =	sdelay $0x3  }
0x9c: {  	_ =	strace s4  }
0x9d: {  	_ =	strace $0x8FFFFFFF  }
0x9e: {  	s19 =	sld [smem:$0x3FDB];
	_ =	sdelay $0x1  }
0x9f: {  	s5 =	simm.s32 $_scs_section_size  }
0xa0: {  	s6 =	simm.s32 $_size__tile_overlayer_lowered;
	s7 =	simm.s32 $_tile_overlayer_lowered  }
0xa1: {  	s22 =	simm.s32 $0x1BFF;
	s21 =	sshll.u32 s7, $0x1;
	s4 =	sadd.s32 s5, s19  }
0xa2: {  	s8 =	simm.s32 $0x0;
	s20 =	sshll.u32 s6, $0x1;
	s6 =	sadd.s32 s21, s4  }
0xa3: {  	[timem:s8], [sflag:s22] =	dma.local [hbm:s6], s20  }
0xa4: {  	_ =	swait.ge [sflag:s22], s20  }
0xa5: {  	s5 =	ssub.s32 $0x0, s20;
	[sflag:s22] =	ssyncset.done $0x0  }
0xa6: {  	[sflag:s22] =	ssyncadd.s32 s5;
	_ =	sdelay $0x1  }
0xa7: {  	s23 =	simm.s32 $0x1B8B  }
0xa8: {  	_ =	swait.ge [sflag:s23], $0x1  }
0xa9: {  	[sflag:s23] =	ssyncset.done $0x0  }
0xaa: {  	s25 =	simm.s32 $0x1B8E;
	s24 =	sld [smem:$0x3FFE];
	[sflag:s23] =	ssyncadd.s32 $0xFFFFFFFF  }
0xab: {  	s26 =	simm.s32 $execute0_lowered;
	[smem:$0x3FD2] =	sst s25  }
0xac: {  	s6 =	sshll.u32 s26, $0x1;
	_ =	strace $0x80000049;
	[dreg:$0x1] =	wrdreg $0xFFFFFFFF  }
0xad: {  	s28 =	simm.s32 $_size_execute0_lowered;
	s4 =	sadd.s32 s4, s6;
	[dreg:$0x0] =	wrdreg $0x0  }
0xae: {  	s6 =	sshll.u32 s28, $0x1;
	[dreg:$0x2] =	wrdreg s4  }
0xaf: {  	[dreg:$0x3] =	wrdreg s6  }
0xb0: {  	[dreg:$0x4] =	wrdreg $0xC0  }
0xb1: {  	_ =	task [dreg:s8], $0x5FFFF  }
0xb2: {  	[dreg:$0x1] =	wrdreg $0xFFFFFFFF  }
0xb3: {  	[dreg:$0x0] =	wrdreg $0x60  }
0xb4: {  	[dreg:$0x2] =	wrdreg s24  }
0xb5: {  	[dreg:$0x3] =	wrdreg s17  }
0xb6: {  	[dreg:$0x4] =	wrdreg s16  }
0xb7: {  	[dreg:$0x5] =	wrdreg $0xBA000  }
0xb8: {  	[dreg:$0x6] =	wrdreg $0x9  }
0xb9: {  	_ =	task.clear_ibuf [dreg:s8], $0x7FFFF;
	_ =	strace $0x90000049  }
0xba: {  	s29 =	simm.s32 $0x9;
	_ =	strace $0x8000004B  }
0xbb: {  	_ =	swait.ge [sflag:s29], $0x1  }
0xbc: {  	[sflag:s29] =	ssyncadd.s32 $0xFFFFFFFF  }
0xbd: {  	_ =	strace $0x9000004B  }
0xbe: {  	_ =	sfence  }
0xbf: {  	s30 =	sld [smem:$0x0];
	_ =	sdelay $0x2  }
0xc0: {  	s31 =	sshll.u32 s1, $0xD;
	s1 =	sshrl.u32 s1, $0x2  }
0xc1: {  	s3 =	sand.u32 $0x4000, s31;
	s1 =	sadd.s32 s1, s30  }
0xc2: {  	s0 =	sor.u32 s3, s0;
	s1 =	sshll.u32 s1, $0x11  }
0xc3: {  	s0 =	sor.u32 s1, s0  }
0xc4: {  	s0 =	sadd.s32 $0x8F2B, s0  }
0xc5: {  	[sflag:s0] =	ssyncadd.remote.s32 $0x1  }
0xc6: {  	_ =	sfence.sel $0xFFFF  }
0xc7: {  	[dreg:$0x0] =	wrdreg $0xFFFFFFFF;
	(pc) =	sbr.abs _section_cstart, $3  }
0xc8: {  	[dreg:$0x1] =	wrdreg $0xFFFFFFFF  }
0xc9: {  	_ =	task.clear_ibuf [dreg:s8], $0x2FFFF;
	_ =	strace $0x9FFFFFFF  }
0xca: {  	(tm) =	ssettm $0x7FFFFFFF  }
0xcb: {  	_ =	shalt  }
tec
execute0_lowered:
.L_overlay_start_1:
0x0: {  	(tag) =	ssettag $0x1  }
0x1: {  	s0 =	rddreg [dreg:$0x0]  }
0x2: {  	s1 =	rddreg [dreg:$0x1]  }
0x3: {  	s5 =	rddreg [dreg:$0x2]  }
0x4: {  	s2 =	rddreg [dreg:$0x3]  }
0x5: {  	s15 =	stileid.u32;
	s4 =	srdreg.scid;
	s3 =	simm.s32 $0x0  }
0x6: {  	s19 =	simm.s32 $0x180;
	s20 =	simm.s32 $0x980;
	s21 =	simm.s32 $0x200  }
0x7: {  	s22 =	simm.s32 $0xA00;
	s24 =	simm.s32 $0x280;
	s25 =	simm.s32 $0xA80  }
0x8: {  	s14 =	simm.s32 $0x480;
	s16 =	simm.s32 $0xC80;
	s28 =	simm.s32 $0x1000  }
0x9: {  	s29 =	simm.s32 $0x880;
	s30 =	simm.s32 $0x1080;
	[smem:$0x7FF] =	sst s3  }
0xa: {  	s6 =	smul.u32 $0x13C00, s15;
	_ =	strace $0x8000004A;
	[dreg:$0x7] =	wrdreg s19  }
0xb: {  	s31 =	simm.s32 $0x1100;
	s17 =	smul.u32 $0xB40, s15;
	[dreg:$0x8] =	wrdreg s20  }
0xc: {  	s7 =	sand.u32 $0x1, s4;
	s23 =	smul.u32 $0x4F000, s15;
	[dreg:$0x9] =	wrdreg s21  }
0xd: {  	s4 =	sadd.s32 $0x2AA00, s0;
	s8 =	smul.u32 $0x13C000, s7;
	[dreg:$0xa] =	wrdreg s22  }
0xe: {  	s13 =	sshll.u32 s15, $0x1;
	s10 =	smul.u32 $0x5A0, s7;
	[dreg:$0xb] =	wrdreg s24  }
0xf: {  	s18 =	ssub.s32 $0x2, s7;
	s7 =	sor.u32 s7, s13;
	[dreg:$0xc] =	wrdreg s25  }
0x10: {  	s13 =	simm.s32 $0xC00;
	[dreg:$0x13] =	wrdreg s14;
	s14 =	simm.s32 $0x1200  }
0x11: {  	[dreg:$0x14] =	wrdreg s16;
	s16 =	simm.s32 $0x4A00;
	s19 =	simm.s32 $0x580  }
0x12: {  	s20 =	simm.s32 $0xD80;
	s21 =	simm.s32 $0x600;
	s22 =	sshll.u32 s15, $0x6  }
0x13: {  	s24 =	simm.s32 $0x680;
	s25 =	simm.s32 $0xE80;
	[dreg:$0x12] =	wrdreg s13  }
0x14: {  	s9 =	sshrl.u32 s6, $0x3;
	s11 =	sadd.s32 s17, s5;
	[dreg:$0x17] =	wrdreg s19  }
0x15: {  	s12 =	sshrl.u32 s18, $0x1;
	s7 =	smul.u32 $0x5A0, s7;
	[dreg:$0x18] =	wrdreg s20  }
0x16: {  	s26 =	sshrl.u32 s23, $0x2;
	s13 =	simm.s32 $0x70;
	[dreg:$0x19] =	wrdreg s21  }
0x17: {  	s23 =	simm.s32 $0xE00;
	s19 =	sor.u32 $0x1C04, s22;
	[dreg:$0x1b] =	wrdreg s24  }
0x18: {  	s20 =	simm.s32 $0x1;
	s21 =	simm.s32 $0x2;
	[dreg:$0x1c] =	wrdreg s25  }
0x19: {  	s6 =	sadd.s32 s6, s8;
	s11 =	sadd.s32 s10, s11;
	[dreg:$0x1a] =	wrdreg s23  }
0x1a: {  	s8 =	sadd.s32 s17, s1;
	s17 =	simm.s32 $0x500;
	[dreg:$0x5] =	wrdreg s11  }
0x1b: {  	s22 =	simm.s32 $0x3;
	s8 =	sadd.s32 s10, s8;
	[dreg:$0x15] =	wrdreg s17  }
0x1c: {  	s24 =	simm.s32 $0x780;
	s1 =	sadd.s32 s1, s7;
	[dreg:$0x6] =	wrdreg s8  }
0x1d: {  	s25 =	simm.s32 $0xF80;
	s5 =	sadd.s32 s5, s7;
	[dreg:$0x1e] =	wrdreg s1  }
0x1e: {  	s9 =	sadd.s32 s9, s0;
	s7 =	simm.s32 $0x300;
	[dreg:$0x1f] =	wrdreg s5  }
0x1f: {  	s23 =	simm.s32 $0xF00;
	s9 =	sadd.s32 $0x3200, s9;
	[dreg:$0xd] =	wrdreg s7  }
0x20: {  	s6 =	sshrl.u32 s6, $0x3;
	s10 =	simm.s32 $0x380;
	[smem:$0x7FC] =	sst s9  }
0x21: {  	s11 =	simm.s32 $0xB80;
	s0 =	sadd.s32 s6, s0;
	[dreg:$0xf] =	wrdreg s10  }
0x22: {  	s6 =	ssub.s32 s18, s12;
	s5 =	sadd.s32 s26, s2;
	[dreg:$0x10] =	wrdreg s11  }
0x23: {  	s8 =	simm.s32 $0xB00;
	s12 =	simm.s32 $0x400;
	[smem:$0x7FB] =	sst s5  }
0x24: {  	s11 =	simm.s32 $0x4;
	s18 =	simm.s32 $0xD00;
	[dreg:$0xe] =	wrdreg s8  }
0x25: {  	s26 =	simm.s32 $0x700;
	s1 =	simm.s32 $0x0;
	[dreg:$0x11] =	wrdreg s12  }
0x26: {  	s0 =	sadd.s32 $0x51C00, s0;
	s10 =	smax.u32 s6, $0x1;
	[dreg:$0x16] =	wrdreg s18  }
0x27: {  	s12 =	simm.s32 $0x900;
	s18 =	simm.s32 $0x8200;
	[dreg:$0x1d] =	wrdreg s26  }
0x28: {  	s26 =	simm.s32 $0x800;
	[smem:$0x7FD] =	sst s0;
	s0 =	simm.s32 $0x1180  }
.LBB2_1:
0x29: {  	s5 =	rddreg [dreg:$0x1e]  }
0x2a: {  	[tilespmem:s3], [sflag:$0x4] =	stream.linear.gather [hbm4b:s5+s3], $0x900, $0x38;
	[tilespmem:$0x1F600] =	vst v63  }
0x2b: {  	_ =	swait.ge [sflag:s11], $0x900  }
0x2c: {  	[sflag:s11] =	ssyncset.done $0x0  }
0x2d: {  	s9 =	rddreg [dreg:$0x1f];
	[sflag:s11] =	ssyncadd.s32 $0xFFFFF700  }
0x2e: {  	[tilespmem:s12], [sflag:$0x4] =	stream.linear.gather [hbm4b:s9+s3], $0x900, $0x38;
	[tilespmem:$0x1F600] =	vst v63  }
0x2f: {  	_ =	swait.ge [sflag:s11], $0x900  }
0x30: {  	[sflag:s11] =	ssyncset.done $0x0  }
0x31: {  	s6 =	sld [smem:$0x7FB];
	[sflag:s11] =	ssyncadd.s32 $0xFFFFF700  }
0x32: {  	[tilespmem:s14], [sflag:$0x1] =	stream.indirect.gather [hbm4b:s4+s13], $0x80, s3, s13, $0xb8;
	[tilespmem:$0x1F600] =	vst v63  }
0x33: {  	s15 =	simm.s32 $0x80;
	s7 =	sld [smem:$0x7FC]  }
0x34: {  	[tilespmem:s16], [sflag:$0x2] =	stream.indirect.gather [hbm4b:s4+s13], $0x80, s15, s13, $0xb8;
	[tilespmem:$0x1F600] =	vst v63  }
0x35: {  	s17 =	simm.s32 $0x100;
	s15 =	sshrl.u32 s6, $0x3  }
0x36: {  	[tilespmem:s18], [sflag:$0x3] =	stream.indirect.gather [hbm4b:s4+s13], $0x80, s17, s13, $0xb8;
	[tilespmem:$0x1F600] =	vst v63  }
0x37: {  	[spmem:s15], [sflag:s19] =	dma.local [hbm:s7], $0x2780  }
0x38: {  	_ =	swait.ge [sflag:s11], $0x2780  }
0x39: {  	[sflag:s11] =	ssyncset.done $0x0  }
0x3a: {  	[sflag:s11] =	ssyncadd.s32 $0xFFFFD880  }
0x3b: {  	[bflag:$0x0] =	sbarrier.arrive $0xFFFF  }
0x3c: {  	p0 =	por $0x1, $0x1;
	s5 =	rddreg [dreg:$0x6]  }
0x3d: {  	s6 =	simm.s32 @!p0 $0x0;
	s17 =	simm.s32 @!p0 $0x4;
	s5 =	sadd.s32 @!p0 $0x0, s5  }
0x3e: {  	[tilespmem:s6], [sflag:$0x4] =	stream.linear.gather @!p0 [hbm4b:s5+s6], $0x900, $0x38;
	[tilespmem:$0x1F600] =	vst v63  }
0x3f: {  	_ =	swait.ge @!p0 [sflag:s17], $0x900  }
0x40: {  	s5 =	rddreg [dreg:$0x5];
	[sflag:s17] =	ssyncset.done @!p0 $0x0  }
0x41: {  	s7 =	simm.s32 @!p0 $0x900;
	[sflag:s17] =	ssyncadd.s32 @!p0 $0xFFFFF700;
	s5 =	sadd.s32 @!p0 $0x0, s5  }
0x42: {  	[tilespmem:s7], [sflag:$0x4] =	stream.linear.gather @!p0 [hbm4b:s5+s6], $0x900, $0x38;
	[tilespmem:$0x1F600] =	vst v63  }
0x43: {  	_ =	swait.ge @!p0 [sflag:s17], $0x900  }
0x44: {  	[sflag:s17] =	ssyncset.done @!p0 $0x0  }
0x45: {  	s5 =	simm.s32 @!p0 $0x70;
	s7 =	simm.s32 @!p0 $0x1200;
	[sflag:s17] =	ssyncadd.s32 @!p0 $0xFFFFF700  }
0x46: {  	[tilespmem:s7], [sflag:$0x1] =	stream.indirect.gather @!p0 [hbm4b:s4+s5], $0x80, s6, s5, $0xb8;
	[tilespmem:$0x1F600] =	vst v63  }
0x47: {  	s6 =	simm.s32 @!p0 $0x80;
	s7 =	simm.s32 @!p0 $0x4A00  }
0x48: {  	[tilespmem:s7], [sflag:$0x2] =	stream.indirect.gather @!p0 [hbm4b:s4+s5], $0x80, s6, s5, $0xb8;
	[tilespmem:$0x1F600] =	vst v63  }
0x49: {  	s6 =	simm.s32 @!p0 $0x100;
	s7 =	simm.s32 @!p0 $0x8200  }
0x4a: {  	[tilespmem:s7], [sflag:$0x3] =	stream.indirect.gather @!p0 [hbm4b:s4+s5], $0x80, s6, s5, $0xb8;
	[tilespmem:$0x1F600] =	vst v63  }
0x4b: {  	_ =	swait.ge [sflag:s20], $0x3800  }
0x4c: {  	[sflag:s20] =	ssyncset.done $0x0  }
0x4d: {  	[sflag:s20] =	ssyncadd.s32 $0xFFFFC800  }
0x4e: {  	[spmem:s2] =	stream.indirect.scatter.add.f32 [tilespmem:s14], [sflag:$0x4], $0x80, s12, s13, $0xb8;
	[tilespmem:$0x1F600] =	vst v63  }
0x4f: {  	_ =	swait.ge [sflag:s11], $0x3800  }
0x50: {  	[sflag:s11] =	ssyncset.done $0x0  }
0x51: {  	s8 =	rddreg [dreg:$0x7];
	[sflag:s11] =	ssyncadd.s32 $0xFFFFC800  }
0x52: {  	[tilespmem:s14], [sflag:$0x1] =	stream.indirect.gather [hbm4b:s4+s13], $0x80, s8, s13, $0xb8;
	[tilespmem:$0x1F600] =	vst v63  }
0x53: {  	_ =	swait.ge [sflag:s21], $0x3800  }
0x54: {  	[sflag:s21] =	ssyncset.done $0x0  }
0x55: {  	s9 =	rddreg [dreg:$0x8];
	[sflag:s21] =	ssyncadd.s32 $0xFFFFC800  }
0x56: {  	[spmem:s2] =	stream.indirect.scatter.add.f32 [tilespmem:s16], [sflag:$0x4], $0x80, s9, s13, $0xb8;
	[tilespmem:$0x1F600] =	vst v63  }
0x57: {  	_ =	swait.ge [sflag:s11], $0x3800  }
0x58: {  	[sflag:s11] =	ssyncset.done $0x0  }
0x59: {  	s17 =	rddreg [dreg:$0x9];
	[sflag:s11] =	ssyncadd.s32 $0xFFFFC800  }
0x5a: {  	[tilespmem:s16], [sflag:$0x2] =	stream.indirect.gather [hbm4b:s4+s13], $0x80, s17, s13, $0xb8;
	[tilespmem:$0x1F600] =	vst v63  }
0x5b: {  	_ =	swait.ge [sflag:s22], $0x3800  }
0x5c: {  	[sflag:s22] =	ssyncset.done $0x0  }
0x5d: {  	s6 =	rddreg [dreg:$0xa];
	[sflag:s22] =	ssyncadd.s32 $0xFFFFC800  }
0x5e: {  	[spmem:s2] =	stream.indirect.scatter.add.f32 [tilespmem:s18], [sflag:$0x4], $0x80, s6, s13, $0xb8;
	[tilespmem:$0x1F600] =	vst v63  }
0x5f: {  	_ =	swait.ge [sflag:s11], $0x3800  }
0x60: {  	[sflag:s11] =	ssyncset.done $0x0  }
0x61: {  	s7 =	rddreg [dreg:$0xb];
	[sflag:s11] =	ssyncadd.s32 $0xFFFFC800  }
0x62: {  	[tilespmem:s18], [sflag:$0x3] =	stream.indirect.gather [hbm4b:s4+s13], $0x80, s7, s13, $0xb8;
	[tilespmem:$0x1F600] =	vst v63  }
0x63: {  	_ =	swait.ge [sflag:s20], $0x3800  }
0x64: {  	[sflag:s20] =	ssyncset.done $0x0  }
0x65: {  	s8 =	rddreg [dreg:$0xc];
	[sflag:s20] =	ssyncadd.s32 $0xFFFFC800  }
0x66: {  	[spmem:s2] =	stream.indirect.scatter.add.f32 [tilespmem:s14], [sflag:$0x4], $0x80, s8, s13, $0xb8;
	[tilespmem:$0x1F600] =	vst v63  }
0x67: {  	_ =	swait.ge [sflag:s11], $0x3800  }
0x68: {  	[sflag:s11] =	ssyncset.done $0x0  }
0x69: {  	s9 =	rddreg [dreg:$0xd];
	[sflag:s11] =	ssyncadd.s32 $0xFFFFC800  }
0x6a: {  	[tilespmem:s14], [sflag:$0x1] =	stream.indirect.gather [hbm4b:s4+s13], $0x80, s9, s13, $0xb8;
	[tilespmem:$0x1F600] =	vst v63  }
0x6b: {  	_ =	swait.ge [sflag:s21], $0x3800  }
0x6c: {  	[sflag:s21] =	ssyncset.done $0x0  }
0x6d: {  	s17 =	rddreg [dreg:$0xe];
	[sflag:s21] =	ssyncadd.s32 $0xFFFFC800  }
0x6e: {  	[spmem:s2] =	stream.indirect.scatter.add.f32 [tilespmem:s16], [sflag:$0x4], $0x80, s17, s13, $0xb8;
	[tilespmem:$0x1F600] =	vst v63  }
0x6f: {  	_ =	swait.ge [sflag:s11], $0x3800  }
0x70: {  	[sflag:s11] =	ssyncset.done $0x0  }
0x71: {  	s6 =	rddreg [dreg:$0xf];
	[sflag:s11] =	ssyncadd.s32 $0xFFFFC800  }
0x72: {  	[tilespmem:s16], [sflag:$0x2] =	stream.indirect.gather [hbm4b:s4+s13], $0x80, s6, s13, $0xb8;
	[tilespmem:$0x1F600] =	vst v63  }
0x73: {  	_ =	swait.ge [sflag:s22], $0x3800  }
0x74: {  	[sflag:s22] =	ssyncset.done $0x0  }
0x75: {  	s7 =	rddreg [dreg:$0x10];
	[sflag:s22] =	ssyncadd.s32 $0xFFFFC800  }
0x76: {  	[spmem:s2] =	stream.indirect.scatter.add.f32 [tilespmem:s18], [sflag:$0x4], $0x80, s7, s13, $0xb8;
	[tilespmem:$0x1F600] =	vst v63  }
0x77: {  	_ =	swait.ge [sflag:s11], $0x3800  }
0x78: {  	[sflag:s11] =	ssyncset.done $0x0  }
0x79: {  	s8 =	rddreg [dreg:$0x11];
	[sflag:s11] =	ssyncadd.s32 $0xFFFFC800  }
0x7a: {  	[tilespmem:s18], [sflag:$0x3] =	stream.indirect.gather [hbm4b:s4+s13], $0x80, s8, s13, $0xb8;
	[tilespmem:$0x1F600] =	vst v63  }
0x7b: {  	_ =	swait.ge [sflag:s20], $0x3800  }
0x7c: {  	[sflag:s20] =	ssyncset.done $0x0  }
0x7d: {  	s9 =	rddreg [dreg:$0x12];
	[sflag:s20] =	ssyncadd.s32 $0xFFFFC800  }
0x7e: {  	[spmem:s2] =	stream.indirect.scatter.add.f32 [tilespmem:s14], [sflag:$0x4], $0x80, s9, s13, $0xb8;
	[tilespmem:$0x1F600] =	vst v63  }
0x7f: {  	_ =	swait.ge [sflag:s11], $0x3800  }
0x80: {  	[sflag:s11] =	ssyncset.done $0x0  }
0x81: {  	s17 =	rddreg [dreg:$0x13];
	[sflag:s11] =	ssyncadd.s32 $0xFFFFC800  }
0x82: {  	[tilespmem:s14], [sflag:$0x1] =	stream.indirect.gather [hbm4b:s4+s13], $0x80, s17, s13, $0xb8;
	[tilespmem:$0x1F600] =	vst v63  }
0x83: {  	_ =	swait.ge [sflag:s21], $0x3800  }
0x84: {  	[sflag:s21] =	ssyncset.done $0x0  }
0x85: {  	s6 =	rddreg [dreg:$0x14];
	[sflag:s21] =	ssyncadd.s32 $0xFFFFC800  }
0x86: {  	[spmem:s2] =	stream.indirect.scatter.add.f32 [tilespmem:s16], [sflag:$0x4], $0x80, s6, s13, $0xb8;
	[tilespmem:$0x1F600] =	vst v63  }
0x87: {  	_ =	swait.ge [sflag:s11], $0x3800  }
0x88: {  	[sflag:s11] =	ssyncset.done $0x0  }
0x89: {  	s7 =	rddreg [dreg:$0x15];
	[sflag:s11] =	ssyncadd.s32 $0xFFFFC800  }
0x8a: {  	[tilespmem:s16], [sflag:$0x2] =	stream.indirect.gather [hbm4b:s4+s13], $0x80, s7, s13, $0xb8;
	[tilespmem:$0x1F600] =	vst v63  }
0x8b: {  	_ =	swait.ge [sflag:s22], $0x3800  }
0x8c: {  	[sflag:s22] =	ssyncset.done $0x0  }
0x8d: {  	s8 =	rddreg [dreg:$0x16];
	[sflag:s22] =	ssyncadd.s32 $0xFFFFC800  }
0x8e: {  	[spmem:s2] =	stream.indirect.scatter.add.f32 [tilespmem:s18], [sflag:$0x4], $0x80, s8, s13, $0xb8;
	[tilespmem:$0x1F600] =	vst v63  }
0x8f: {  	_ =	swait.ge [sflag:s11], $0x3800  }
0x90: {  	[sflag:s11] =	ssyncset.done $0x0  }
0x91: {  	s9 =	rddreg [dreg:$0x17];
	[sflag:s11] =	ssyncadd.s32 $0xFFFFC800  }
0x92: {  	[tilespmem:s18], [sflag:$0x3] =	stream.indirect.gather [hbm4b:s4+s13], $0x80, s9, s13, $0xb8;
	[tilespmem:$0x1F600] =	vst v63  }
0x93: {  	_ =	swait.ge [sflag:s20], $0x3800  }
0x94: {  	[sflag:s20] =	ssyncset.done $0x0  }
0x95: {  	s17 =	rddreg [dreg:$0x18];
	[sflag:s20] =	ssyncadd.s32 $0xFFFFC800  }
0x96: {  	[spmem:s2] =	stream.indirect.scatter.add.f32 [tilespmem:s14], [sflag:$0x4], $0x80, s17, s13, $0xb8;
	[tilespmem:$0x1F600] =	vst v63  }
0x97: {  	_ =	swait.ge [sflag:s11], $0x3800  }
0x98: {  	[sflag:s11] =	ssyncset.done $0x0  }
0x99: {  	s6 =	rddreg [dreg:$0x19];
	[sflag:s11] =	ssyncadd.s32 $0xFFFFC800  }
0x9a: {  	[tilespmem:s14], [sflag:$0x1] =	stream.indirect.gather [hbm4b:s4+s13], $0x80, s6, s13, $0xb8;
	[tilespmem:$0x1F600] =	vst v63  }
0x9b: {  	_ =	swait.ge [sflag:s21], $0x3800  }
0x9c: {  	[sflag:s21] =	ssyncset.done $0x0  }
0x9d: {  	s7 =	rddreg [dreg:$0x1a];
	[sflag:s21] =	ssyncadd.s32 $0xFFFFC800  }
0x9e: {  	[spmem:s2] =	stream.indirect.scatter.add.f32 [tilespmem:s16], [sflag:$0x4], $0x80, s7, s13, $0xb8;
	[tilespmem:$0x1F600] =	vst v63  }
0x9f: {  	_ =	swait.ge [sflag:s11], $0x3800  }
0xa0: {  	[sflag:s11] =	ssyncset.done $0x0  }
0xa1: {  	s8 =	rddreg [dreg:$0x1b];
	[sflag:s11] =	ssyncadd.s32 $0xFFFFC800  }
0xa2: {  	[tilespmem:s16], [sflag:$0x2] =	stream.indirect.gather [hbm4b:s4+s13], $0x80, s8, s13, $0xb8;
	[tilespmem:$0x1F600] =	vst v63  }
0xa3: {  	_ =	swait.ge [sflag:s22], $0x3800  }
0xa4: {  	[sflag:s22] =	ssyncset.done $0x0  }
0xa5: {  	s9 =	rddreg [dreg:$0x1c];
	[sflag:s22] =	ssyncadd.s32 $0xFFFFC800  }
0xa6: {  	[spmem:s2] =	stream.indirect.scatter.add.f32 [tilespmem:s18], [sflag:$0x4], $0x80, s9, s13, $0xb8;
	[tilespmem:$0x1F600] =	vst v63  }
0xa7: {  	_ =	swait.ge [sflag:s11], $0x3800  }
0xa8: {  	[sflag:s11] =	ssyncset.done $0x0  }
0xa9: {  	s17 =	rddreg [dreg:$0x1d];
	[sflag:s11] =	ssyncadd.s32 $0xFFFFC800  }
0xaa: {  	[tilespmem:s18], [sflag:$0x3] =	stream.indirect.gather [hbm4b:s4+s13], $0x80, s17, s13, $0xb8;
	[tilespmem:$0x1F600] =	vst v63  }
0xab: {  	_ =	swait.ge [sflag:s20], $0x3800  }
0xac: {  	[sflag:s20] =	ssyncset.done $0x0  }
0xad: {  	[sflag:s20] =	ssyncadd.s32 $0xFFFFC800  }
0xae: {  	[spmem:s2] =	stream.indirect.scatter.add.f32 [tilespmem:s14], [sflag:$0x4], $0x80, s23, s13, $0xb8;
	[tilespmem:$0x1F600] =	vst v63  }
0xaf: {  	_ =	swait.ge [sflag:s11], $0x3800  }
0xb0: {  	[sflag:s11] =	ssyncset.done $0x0  }
0xb1: {  	[sflag:s11] =	ssyncadd.s32 $0xFFFFC800  }
0xb2: {  	[tilespmem:s14], [sflag:$0x1] =	stream.indirect.gather [hbm4b:s4+s13], $0x80, s24, s13, $0xb8;
	[tilespmem:$0x1F600] =	vst v63  }
0xb3: {  	_ =	swait.ge [sflag:s21], $0x3800  }
0xb4: {  	[sflag:s21] =	ssyncset.done $0x0  }
0xb5: {  	[sflag:s21] =	ssyncadd.s32 $0xFFFFC800  }
0xb6: {  	[spmem:s2] =	stream.indirect.scatter.add.f32 [tilespmem:s16], [sflag:$0x4], $0x80, s25, s13, $0xb8;
	[tilespmem:$0x1F600] =	vst v63  }
0xb7: {  	_ =	swait.ge [sflag:s11], $0x3800  }
0xb8: {  	[sflag:s11] =	ssyncset.done $0x0  }
0xb9: {  	[sflag:s11] =	ssyncadd.s32 $0xFFFFC800  }
0xba: {  	[tilespmem:s16], [sflag:$0x2] =	stream.indirect.gather [hbm4b:s4+s13], $0x80, s26, s13, $0xb8;
	[tilespmem:$0x1F600] =	vst v63  }
0xbb: {  	_ =	swait.ge [sflag:s22], $0x3800  }
0xbc: {  	[sflag:s22] =	ssyncset.done $0x0  }
0xbd: {  	[sflag:s22] =	ssyncadd.s32 $0xFFFFC800  }
0xbe: {  	[spmem:s2] =	stream.indirect.scatter.add.f32 [tilespmem:s18], [sflag:$0x4], $0x80, s28, s13, $0xb8;
	[tilespmem:$0x1F600] =	vst v63  }
0xbf: {  	_ =	swait.ge [sflag:s11], $0x3800  }
0xc0: {  	[sflag:s11] =	ssyncset.done $0x0  }
0xc1: {  	[sflag:s11] =	ssyncadd.s32 $0xFFFFC800  }
0xc2: {  	[tilespmem:s18], [sflag:$0x3] =	stream.indirect.gather [hbm4b:s4+s13], $0x80, s29, s13, $0xb8;
	[tilespmem:$0x1F600] =	vst v63  }
0xc3: {  	_ =	swait.ge [sflag:s20], $0x3800  }
0xc4: {  	[sflag:s20] =	ssyncset.done $0x0  }
0xc5: {  	[sflag:s20] =	ssyncadd.s32 $0xFFFFC800  }
0xc6: {  	[spmem:s2] =	stream.indirect.scatter.add.f32 [tilespmem:s14], [sflag:$0x4], $0x80, s30, s13, $0xb8;
	[tilespmem:$0x1F600] =	vst v63  }
0xc7: {  	_ =	swait.ge [sflag:s11], $0x3800  }
0xc8: {  	[sflag:s11] =	ssyncset.done $0x0  }
0xc9: {  	[sflag:s11] =	ssyncadd.s32 $0xFFFFC800  }
0xca: {  	_ =	swait.ge [sflag:s21], $0x3800  }
0xcb: {  	[sflag:s21] =	ssyncset.done $0x0  }
0xcc: {  	[sflag:s21] =	ssyncadd.s32 $0xFFFFC800  }
0xcd: {  	[spmem:s2] =	stream.indirect.scatter.add.f32 [tilespmem:s16], [sflag:$0x4], $0x80, s31, s13, $0xb8;
	[tilespmem:$0x1F600] =	vst v63  }
0xce: {  	_ =	swait.ge [sflag:s11], $0x3800  }
0xcf: {  	[sflag:s11] =	ssyncset.done $0x0  }
0xd0: {  	[sflag:s11] =	ssyncadd.s32 $0xFFFFC800  }
0xd1: {  	_ =	swait.ge [sflag:s22], $0x3800  }
0xd2: {  	[sflag:s22] =	ssyncset.done $0x0  }
0xd3: {  	[sflag:s22] =	ssyncadd.s32 $0xFFFFC800  }
0xd4: {  	[spmem:s2] =	stream.indirect.scatter.add.f32 [tilespmem:s18], [sflag:$0x4], $0x80, s0, s13, $0xb8;
	[tilespmem:$0x1F600] =	vst v63  }
0xd5: {  	s5 =	simm.s32 $0x240;
	_ =	swait.ge [sflag:s11], $0x3800  }
0xd6: {  	s17 =	simm.s32 $0x120;
	s6 =	rddreg [dreg:$0x6];
	[sflag:s11] =	ssyncset.done $0x0  }
.LBB2_2:
0xd7: {  	[sflag:s11] =	ssyncadd.s32 $0xFFFFC800;
	p1 =	seq.s32 s17, $0x0  }
0xd8: {  	s6 =	sadd.s32 @!p1 s17, s6;
	s8 =	simm.s32 @!p1 $0x0;
	s9 =	simm.s32 @!p1 $0x4  }
0xd9: {  	[tilespmem:s8], [sflag:$0x4] =	stream.linear.gather @!p1 [hbm4b:s6+s8], $0x900, $0x38;
	[tilespmem:$0x1F600] =	vst v63  }
0xda: {  	_ =	swait.ge @!p1 [sflag:s9], $0x900  }
0xdb: {  	s6 =	rddreg [dreg:$0x5];
	[sflag:s9] =	ssyncset.done @!p1 $0x0  }
0xdc: {  	[sflag:s9] =	ssyncadd.s32 @!p1 $0xFFFFF700;
	s6 =	sadd.s32 @!p1 s17, s6;
	s17 =	simm.s32 @!p1 $0x900  }
0xdd: {  	[tilespmem:s17], [sflag:$0x4] =	stream.linear.gather @!p1 [hbm4b:s6+s8], $0x900, $0x38;
	[tilespmem:$0x1F600] =	vst v63  }
0xde: {  	s7 =	smov.u32 s5;
	_ =	swait.ge @!p1 [sflag:s9], $0x900  }
0xdf: {  	s17 =	smov.u32 s7;
	[sflag:s9] =	ssyncset.done @!p1 $0x0  }
0xe0: {  	s6 =	simm.s32 @!p1 $0x70;
	s7 =	simm.s32 @!p1 $0x1200;
	[sflag:s9] =	ssyncadd.s32 @!p1 $0xFFFFF700  }
0xe1: {  	[tilespmem:s7], [sflag:$0x1] =	stream.indirect.gather @!p1 [hbm4b:s4+s6], $0x80, s8, s6, $0xb8;
	[tilespmem:$0x1F600] =	vst v63  }
0xe2: {  	s7 =	simm.s32 @!p1 $0x80;
	s8 =	simm.s32 @!p1 $0x4A00  }
0xe3: {  	[tilespmem:s8], [sflag:$0x2] =	stream.indirect.gather @!p1 [hbm4b:s4+s6], $0x80, s7, s6, $0xb8;
	[tilespmem:$0x1F600] =	vst v63  }
0xe4: {  	s7 =	simm.s32 @!p1 $0x100;
	s8 =	simm.s32 @!p1 $0x8200  }
0xe5: {  	[tilespmem:s8], [sflag:$0x3] =	stream.indirect.gather @!p1 [hbm4b:s4+s6], $0x80, s7, s6, $0xb8;
	[tilespmem:$0x1F600] =	vst v63  }
0xe6: {  	_ =	swait.ge [sflag:s20], $0x3800  }
0xe7: {  	[sflag:s20] =	ssyncset.done $0x0  }
0xe8: {  	[sflag:s20] =	ssyncadd.s32 $0xFFFFC800  }
0xe9: {  	[spmem:s2] =	stream.indirect.scatter.add.f32 [tilespmem:s14], [sflag:$0x4], $0x80, s12, s13, $0xb8;
	[tilespmem:$0x1F600] =	vst v63  }
0xea: {  	_ =	swait.ge [sflag:s11], $0x3800  }
0xeb: {  	[sflag:s11] =	ssyncset.done $0x0  }
0xec: {  	s8 =	rddreg [dreg:$0x7];
	[sflag:s11] =	ssyncadd.s32 $0xFFFFC800  }
0xed: {  	[tilespmem:s14], [sflag:$0x1] =	stream.indirect.gather [hbm4b:s4+s13], $0x80, s8, s13, $0xb8;
	[tilespmem:$0x1F600] =	vst v63  }
0xee: {  	_ =	swait.ge [sflag:s21], $0x3800  }
0xef: {  	[sflag:s21] =	ssyncset.done $0x0  }
0xf0: {  	s9 =	rddreg [dreg:$0x8];
	[sflag:s21] =	ssyncadd.s32 $0xFFFFC800  }
0xf1: {  	[spmem:s2] =	stream.indirect.scatter.add.f32 [tilespmem:s16], [sflag:$0x4], $0x80, s9, s13, $0xb8;
	[tilespmem:$0x1F600] =	vst v63  }
0xf2: {  	_ =	swait.ge [sflag:s11], $0x3800  }
0xf3: {  	[sflag:s11] =	ssyncset.done $0x0  }
0xf4: {  	s7 =	rddreg [dreg:$0x9];
	[sflag:s11] =	ssyncadd.s32 $0xFFFFC800  }
0xf5: {  	[tilespmem:s16], [sflag:$0x2] =	stream.indirect.gather [hbm4b:s4+s13], $0x80, s7, s13, $0xb8;
	[tilespmem:$0x1F600] =	vst v63  }
0xf6: {  	_ =	swait.ge [sflag:s22], $0x3800  }
0xf7: {  	[sflag:s22] =	ssyncset.done $0x0  }
0xf8: {  	s8 =	rddreg [dreg:$0xa];
	[sflag:s22] =	ssyncadd.s32 $0xFFFFC800  }
0xf9: {  	[spmem:s2] =	stream.indirect.scatter.add.f32 [tilespmem:s18], [sflag:$0x4], $0x80, s8, s13, $0xb8;
	[tilespmem:$0x1F600] =	vst v63  }
0xfa: {  	_ =	swait.ge [sflag:s11], $0x3800  }
0xfb: {  	[sflag:s11] =	ssyncset.done $0x0  }
0xfc: {  	s9 =	rddreg [dreg:$0xb];
	[sflag:s11] =	ssyncadd.s32 $0xFFFFC800  }
0xfd: {  	[tilespmem:s18], [sflag:$0x3] =	stream.indirect.gather [hbm4b:s4+s13], $0x80, s9, s13, $0xb8;
	[tilespmem:$0x1F600] =	vst v63  }
0xfe: {  	_ =	swait.ge [sflag:s20], $0x3800  }
0xff: {  	[sflag:s20] =	ssyncset.done $0x0  }
0x100: {  	s7 =	rddreg [dreg:$0xc];
	[sflag:s20] =	ssyncadd.s32 $0xFFFFC800  }
0x101: {  	[spmem:s2] =	stream.indirect.scatter.add.f32 [tilespmem:s14], [sflag:$0x4], $0x80, s7, s13, $0xb8;
	[tilespmem:$0x1F600] =	vst v63  }
0x102: {  	_ =	swait.ge [sflag:s11], $0x3800  }
0x103: {  	[sflag:s11] =	ssyncset.done $0x0  }
0x104: {  	s8 =	rddreg [dreg:$0xd];
	[sflag:s11] =	ssyncadd.s32 $0xFFFFC800  }
0x105: {  	[tilespmem:s14], [sflag:$0x1] =	stream.indirect.gather [hbm4b:s4+s13], $0x80, s8, s13, $0xb8;
	[tilespmem:$0x1F600] =	vst v63  }
0x106: {  	_ =	swait.ge [sflag:s21], $0x3800  }
0x107: {  	[sflag:s21] =	ssyncset.done $0x0  }
0x108: {  	s9 =	rddreg [dreg:$0xe];
	[sflag:s21] =	ssyncadd.s32 $0xFFFFC800  }
0x109: {  	[spmem:s2] =	stream.indirect.scatter.add.f32 [tilespmem:s16], [sflag:$0x4], $0x80, s9, s13, $0xb8;
	[tilespmem:$0x1F600] =	vst v63  }
0x10a: {  	_ =	swait.ge [sflag:s11], $0x3800  }
0x10b: {  	[sflag:s11] =	ssyncset.done $0x0  }
0x10c: {  	s7 =	rddreg [dreg:$0xf];
	[sflag:s11] =	ssyncadd.s32 $0xFFFFC800  }
0x10d: {  	[tilespmem:s16], [sflag:$0x2] =	stream.indirect.gather [hbm4b:s4+s13], $0x80, s7, s13, $0xb8;
	[tilespmem:$0x1F600] =	vst v63  }
0x10e: {  	_ =	swait.ge [sflag:s22], $0x3800  }
0x10f: {  	[sflag:s22] =	ssyncset.done $0x0  }
0x110: {  	s8 =	rddreg [dreg:$0x10];
	[sflag:s22] =	ssyncadd.s32 $0xFFFFC800  }
0x111: {  	[spmem:s2] =	stream.indirect.scatter.add.f32 [tilespmem:s18], [sflag:$0x4], $0x80, s8, s13, $0xb8;
	[tilespmem:$0x1F600] =	vst v63  }
0x112: {  	_ =	swait.ge [sflag:s11], $0x3800  }
0x113: {  	[sflag:s11] =	ssyncset.done $0x0  }
0x114: {  	s9 =	rddreg [dreg:$0x11];
	[sflag:s11] =	ssyncadd.s32 $0xFFFFC800  }
0x115: {  	[tilespmem:s18], [sflag:$0x3] =	stream.indirect.gather [hbm4b:s4+s13], $0x80, s9, s13, $0xb8;
	[tilespmem:$0x1F600] =	vst v63  }
0x116: {  	_ =	swait.ge [sflag:s20], $0x3800  }
0x117: {  	[sflag:s20] =	ssyncset.done $0x0  }
0x118: {  	s7 =	rddreg [dreg:$0x12];
	[sflag:s20] =	ssyncadd.s32 $0xFFFFC800  }
0x119: {  	[spmem:s2] =	stream.indirect.scatter.add.f32 [tilespmem:s14], [sflag:$0x4], $0x80, s7, s13, $0xb8;
	[tilespmem:$0x1F600] =	vst v63  }
0x11a: {  	_ =	swait.ge [sflag:s11], $0x3800  }
0x11b: {  	[sflag:s11] =	ssyncset.done $0x0  }
0x11c: {  	s8 =	rddreg [dreg:$0x13];
	[sflag:s11] =	ssyncadd.s32 $0xFFFFC800  }
0x11d: {  	[tilespmem:s14], [sflag:$0x1] =	stream.indirect.gather [hbm4b:s4+s13], $0x80, s8, s13, $0xb8;
	[tilespmem:$0x1F600] =	vst v63  }
0x11e: {  	_ =	swait.ge [sflag:s21], $0x3800  }
0x11f: {  	[sflag:s21] =	ssyncset.done $0x0  }
0x120: {  	s9 =	rddreg [dreg:$0x14];
	[sflag:s21] =	ssyncadd.s32 $0xFFFFC800  }
0x121: {  	[spmem:s2] =	stream.indirect.scatter.add.f32 [tilespmem:s16], [sflag:$0x4], $0x80, s9, s13, $0xb8;
	[tilespmem:$0x1F600] =	vst v63  }
0x122: {  	_ =	swait.ge [sflag:s11], $0x3800  }
0x123: {  	[sflag:s11] =	ssyncset.done $0x0  }
0x124: {  	s7 =	rddreg [dreg:$0x15];
	[sflag:s11] =	ssyncadd.s32 $0xFFFFC800  }
0x125: {  	[tilespmem:s16], [sflag:$0x2] =	stream.indirect.gather [hbm4b:s4+s13], $0x80, s7, s13, $0xb8;
	[tilespmem:$0x1F600] =	vst v63  }
0x126: {  	_ =	swait.ge [sflag:s22], $0x3800  }
0x127: {  	[sflag:s22] =	ssyncset.done $0x0  }
0x128: {  	s8 =	rddreg [dreg:$0x16];
	[sflag:s22] =	ssyncadd.s32 $0xFFFFC800  }
0x129: {  	[spmem:s2] =	stream.indirect.scatter.add.f32 [tilespmem:s18], [sflag:$0x4], $0x80, s8, s13, $0xb8;
	[tilespmem:$0x1F600] =	vst v63  }
0x12a: {  	_ =	swait.ge [sflag:s11], $0x3800  }
0x12b: {  	[sflag:s11] =	ssyncset.done $0x0  }
0x12c: {  	s9 =	rddreg [dreg:$0x17];
	[sflag:s11] =	ssyncadd.s32 $0xFFFFC800  }
0x12d: {  	[tilespmem:s18], [sflag:$0x3] =	stream.indirect.gather [hbm4b:s4+s13], $0x80, s9, s13, $0xb8;
	[tilespmem:$0x1F600] =	vst v63  }
0x12e: {  	_ =	swait.ge [sflag:s20], $0x3800  }
0x12f: {  	[sflag:s20] =	ssyncset.done $0x0  }
0x130: {  	s7 =	rddreg [dreg:$0x18];
	[sflag:s20] =	ssyncadd.s32 $0xFFFFC800  }
0x131: {  	[spmem:s2] =	stream.indirect.scatter.add.f32 [tilespmem:s14], [sflag:$0x4], $0x80, s7, s13, $0xb8;
	[tilespmem:$0x1F600] =	vst v63  }
0x132: {  	_ =	swait.ge [sflag:s11], $0x3800  }
0x133: {  	[sflag:s11] =	ssyncset.done $0x0  }
0x134: {  	s8 =	rddreg [dreg:$0x19];
	[sflag:s11] =	ssyncadd.s32 $0xFFFFC800  }
0x135: {  	[tilespmem:s14], [sflag:$0x1] =	stream.indirect.gather [hbm4b:s4+s13], $0x80, s8, s13, $0xb8;
	[tilespmem:$0x1F600] =	vst v63  }
0x136: {  	_ =	swait.ge [sflag:s21], $0x3800  }
0x137: {  	[sflag:s21] =	ssyncset.done $0x0  }
0x138: {  	s9 =	rddreg [dreg:$0x1a];
	[sflag:s21] =	ssyncadd.s32 $0xFFFFC800  }
0x139: {  	[spmem:s2] =	stream.indirect.scatter.add.f32 [tilespmem:s16], [sflag:$0x4], $0x80, s9, s13, $0xb8;
	[tilespmem:$0x1F600] =	vst v63  }
0x13a: {  	_ =	swait.ge [sflag:s11], $0x3800  }
0x13b: {  	[sflag:s11] =	ssyncset.done $0x0  }
0x13c: {  	s7 =	rddreg [dreg:$0x1b];
	[sflag:s11] =	ssyncadd.s32 $0xFFFFC800  }
0x13d: {  	[tilespmem:s16], [sflag:$0x2] =	stream.indirect.gather [hbm4b:s4+s13], $0x80, s7, s13, $0xb8;
	[tilespmem:$0x1F600] =	vst v63  }
0x13e: {  	_ =	swait.ge [sflag:s22], $0x3800  }
0x13f: {  	[sflag:s22] =	ssyncset.done $0x0  }
0x140: {  	s8 =	rddreg [dreg:$0x1c];
	[sflag:s22] =	ssyncadd.s32 $0xFFFFC800  }
0x141: {  	[spmem:s2] =	stream.indirect.scatter.add.f32 [tilespmem:s18], [sflag:$0x4], $0x80, s8, s13, $0xb8;
	[tilespmem:$0x1F600] =	vst v63  }
0x142: {  	_ =	swait.ge [sflag:s11], $0x3800  }
0x143: {  	[sflag:s11] =	ssyncset.done $0x0  }
0x144: {  	s9 =	rddreg [dreg:$0x1d];
	[sflag:s11] =	ssyncadd.s32 $0xFFFFC800  }
0x145: {  	[tilespmem:s18], [sflag:$0x3] =	stream.indirect.gather [hbm4b:s4+s13], $0x80, s9, s13, $0xb8;
	[tilespmem:$0x1F600] =	vst v63  }
0x146: {  	_ =	swait.ge [sflag:s20], $0x3800  }
0x147: {  	[sflag:s20] =	ssyncset.done $0x0  }
0x148: {  	[sflag:s20] =	ssyncadd.s32 $0xFFFFC800  }
0x149: {  	[spmem:s2] =	stream.indirect.scatter.add.f32 [tilespmem:s14], [sflag:$0x4], $0x80, s23, s13, $0xb8;
	[tilespmem:$0x1F600] =	vst v63  }
0x14a: {  	_ =	swait.ge [sflag:s11], $0x3800  }
0x14b: {  	[sflag:s11] =	ssyncset.done $0x0  }
0x14c: {  	[sflag:s11] =	ssyncadd.s32 $0xFFFFC800  }
0x14d: {  	[tilespmem:s14], [sflag:$0x1] =	stream.indirect.gather [hbm4b:s4+s13], $0x80, s24, s13, $0xb8;
	[tilespmem:$0x1F600] =	vst v63  }
0x14e: {  	_ =	swait.ge [sflag:s21], $0x3800  }
0x14f: {  	[sflag:s21] =	ssyncset.done $0x0  }
0x150: {  	[sflag:s21] =	ssyncadd.s32 $0xFFFFC800  }
0x151: {  	[spmem:s2] =	stream.indirect.scatter.add.f32 [tilespmem:s16], [sflag:$0x4], $0x80, s25, s13, $0xb8;
	[tilespmem:$0x1F600] =	vst v63  }
0x152: {  	_ =	swait.ge [sflag:s11], $0x3800  }
0x153: {  	[sflag:s11] =	ssyncset.done $0x0  }
0x154: {  	[sflag:s11] =	ssyncadd.s32 $0xFFFFC800  }
0x155: {  	[tilespmem:s16], [sflag:$0x2] =	stream.indirect.gather [hbm4b:s4+s13], $0x80, s26, s13, $0xb8;
	[tilespmem:$0x1F600] =	vst v63  }
0x156: {  	_ =	swait.ge [sflag:s22], $0x3800  }
0x157: {  	[sflag:s22] =	ssyncset.done $0x0  }
0x158: {  	[sflag:s22] =	ssyncadd.s32 $0xFFFFC800  }
0x159: {  	[spmem:s2] =	stream.indirect.scatter.add.f32 [tilespmem:s18], [sflag:$0x4], $0x80, s28, s13, $0xb8;
	[tilespmem:$0x1F600] =	vst v63  }
0x15a: {  	_ =	swait.ge [sflag:s11], $0x3800  }
0x15b: {  	[sflag:s11] =	ssyncset.done $0x0  }
0x15c: {  	[sflag:s11] =	ssyncadd.s32 $0xFFFFC800  }
0x15d: {  	[tilespmem:s18], [sflag:$0x3] =	stream.indirect.gather [hbm4b:s4+s13], $0x80, s29, s13, $0xb8;
	[tilespmem:$0x1F600] =	vst v63  }
0x15e: {  	_ =	swait.ge [sflag:s20], $0x3800  }
0x15f: {  	[sflag:s20] =	ssyncset.done $0x0  }
0x160: {  	[sflag:s20] =	ssyncadd.s32 $0xFFFFC800  }
0x161: {  	[spmem:s2] =	stream.indirect.scatter.add.f32 [tilespmem:s14], [sflag:$0x4], $0x80, s30, s13, $0xb8;
	[tilespmem:$0x1F600] =	vst v63  }
0x162: {  	_ =	swait.ge [sflag:s11], $0x3800  }
0x163: {  	[sflag:s11] =	ssyncset.done $0x0  }
0x164: {  	[sflag:s11] =	ssyncadd.s32 $0xFFFFC800  }
0x165: {  	_ =	swait.ge [sflag:s21], $0x3800  }
0x166: {  	[sflag:s21] =	ssyncset.done $0x0  }
0x167: {  	[sflag:s21] =	ssyncadd.s32 $0xFFFFC800  }
0x168: {  	[spmem:s2] =	stream.indirect.scatter.add.f32 [tilespmem:s16], [sflag:$0x4], $0x80, s31, s13, $0xb8;
	[tilespmem:$0x1F600] =	vst v63  }
0x169: {  	_ =	swait.ge [sflag:s11], $0x3800  }
0x16a: {  	[sflag:s11] =	ssyncset.done $0x0  }
0x16b: {  	s5 =	sadd.s32 $0x120, s5;
	[sflag:s11] =	ssyncadd.s32 $0xFFFFC800  }
0x16c: {  	p0 =	sne.s32 s5, $0x5A0;
	_ =	swait.ge [sflag:s22], $0x3800  }
.Ltmp0:
0x16d: {  	[sflag:s22] =	ssyncset.done $0x0;
	(pc) =	sbr.rel @p0 .LBB2_2-.Ltmp0, $4  }
0x16e: {  	[sflag:s22] =	ssyncadd.s32 $0xFFFFC800  }
0x16f: {  	[spmem:s2] =	stream.indirect.scatter.add.f32 [tilespmem:s18], [sflag:$0x4], $0x80, s0, s13, $0xb8;
	[tilespmem:$0x1F600] =	vst v63  }
0x170: {  	_ =	swait.ge [sflag:s11], $0x3800  }
0x171: {  	s6 =	rddreg [dreg:$0x6];
	[sflag:s11] =	ssyncset.done $0x0  }
0x172: {  	[sflag:s11] =	ssyncadd.s32 $0xFFFFC800;
	p0 =	seq.s32 s17, $0x0  }
0x173: {  	s5 =	sadd.s32 @!p0 s17, s6;
	s6 =	simm.s32 @!p0 $0x0;
	s7 =	simm.s32 @!p0 $0x4  }
0x174: {  	[tilespmem:s6], [sflag:$0x4] =	stream.linear.gather @!p0 [hbm4b:s5+s6], $0x900, $0x38;
	[tilespmem:$0x1F600] =	vst v63  }
0x175: {  	_ =	swait.ge @!p0 [sflag:s7], $0x900  }
0x176: {  	s5 =	rddreg [dreg:$0x5];
	[sflag:s7] =	ssyncset.done @!p0 $0x0  }
0x177: {  	s8 =	simm.s32 @!p0 $0x900;
	[sflag:s7] =	ssyncadd.s32 @!p0 $0xFFFFF700;
	s5 =	sadd.s32 @!p0 s17, s5  }
0x178: {  	[tilespmem:s8], [sflag:$0x4] =	stream.linear.gather @!p0 [hbm4b:s5+s6], $0x900, $0x38;
	[tilespmem:$0x1F600] =	vst v63  }
0x179: {  	_ =	swait.ge @!p0 [sflag:s7], $0x900  }
0x17a: {  	[sflag:s7] =	ssyncset.done @!p0 $0x0  }
0x17b: {  	s5 =	simm.s32 @!p0 $0x70;
	[sflag:s7] =	ssyncadd.s32 @!p0 $0xFFFFF700;
	s7 =	simm.s32 @!p0 $0x1200  }
0x17c: {  	[tilespmem:s7], [sflag:$0x1] =	stream.indirect.gather @!p0 [hbm4b:s4+s5], $0x80, s6, s5, $0xb8;
	[tilespmem:$0x1F600] =	vst v63  }
0x17d: {  	s6 =	simm.s32 @!p0 $0x80;
	s7 =	simm.s32 @!p0 $0x4A00  }
0x17e: {  	[tilespmem:s7], [sflag:$0x2] =	stream.indirect.gather @!p0 [hbm4b:s4+s5], $0x80, s6, s5, $0xb8;
	[tilespmem:$0x1F600] =	vst v63  }
0x17f: {  	s6 =	simm.s32 @!p0 $0x100;
	s7 =	simm.s32 @!p0 $0x8200  }
0x180: {  	[tilespmem:s7], [sflag:$0x3] =	stream.indirect.gather @!p0 [hbm4b:s4+s5], $0x80, s6, s5, $0xb8;
	[tilespmem:$0x1F600] =	vst v63  }
0x181: {  	_ =	swait.ge [sflag:s20], $0x3800  }
0x182: {  	[sflag:s20] =	ssyncset.done $0x0  }
0x183: {  	[sflag:s20] =	ssyncadd.s32 $0xFFFFC800  }
0x184: {  	[spmem:s2] =	stream.indirect.scatter.add.f32 [tilespmem:s14], [sflag:$0x4], $0x80, s12, s13, $0xb8;
	[tilespmem:$0x1F600] =	vst v63  }
0x185: {  	_ =	swait.ge [sflag:s11], $0x3800  }
0x186: {  	[sflag:s11] =	ssyncset.done $0x0  }
0x187: {  	s7 =	rddreg [dreg:$0x7];
	[sflag:s11] =	ssyncadd.s32 $0xFFFFC800  }
0x188: {  	[tilespmem:s14], [sflag:$0x1] =	stream.indirect.gather [hbm4b:s4+s13], $0x80, s7, s13, $0xb8;
	[tilespmem:$0x1F600] =	vst v63  }
0x189: {  	_ =	swait.ge [sflag:s21], $0x3800  }
0x18a: {  	[sflag:s21] =	ssyncset.done $0x0  }
0x18b: {  	s8 =	rddreg [dreg:$0x8];
	[sflag:s21] =	ssyncadd.s32 $0xFFFFC800  }
0x18c: {  	[spmem:s2] =	stream.indirect.scatter.add.f32 [tilespmem:s16], [sflag:$0x4], $0x80, s8, s13, $0xb8;
	[tilespmem:$0x1F600] =	vst v63  }
0x18d: {  	_ =	swait.ge [sflag:s11], $0x3800  }
0x18e: {  	[sflag:s11] =	ssyncset.done $0x0  }
0x18f: {  	s9 =	rddreg [dreg:$0x9];
	[sflag:s11] =	ssyncadd.s32 $0xFFFFC800  }
0x190: {  	[tilespmem:s16], [sflag:$0x2] =	stream.indirect.gather [hbm4b:s4+s13], $0x80, s9, s13, $0xb8;
	[tilespmem:$0x1F600] =	vst v63  }
0x191: {  	_ =	swait.ge [sflag:s22], $0x3800  }
0x192: {  	[sflag:s22] =	ssyncset.done $0x0  }
0x193: {  	s17 =	rddreg [dreg:$0xa];
	[sflag:s22] =	ssyncadd.s32 $0xFFFFC800  }
0x194: {  	[spmem:s2] =	stream.indirect.scatter.add.f32 [tilespmem:s18], [sflag:$0x4], $0x80, s17, s13, $0xb8;
	[tilespmem:$0x1F600] =	vst v63  }
0x195: {  	_ =	swait.ge [sflag:s11], $0x3800  }
0x196: {  	[sflag:s11] =	ssyncset.done $0x0  }
0x197: {  	s6 =	rddreg [dreg:$0xb];
	[sflag:s11] =	ssyncadd.s32 $0xFFFFC800  }
0x198: {  	[tilespmem:s18], [sflag:$0x3] =	stream.indirect.gather [hbm4b:s4+s13], $0x80, s6, s13, $0xb8;
	[tilespmem:$0x1F600] =	vst v63  }
0x199: {  	_ =	swait.ge [sflag:s20], $0x3800  }
0x19a: {  	[sflag:s20] =	ssyncset.done $0x0  }
0x19b: {  	s7 =	rddreg [dreg:$0xc];
	[sflag:s20] =	ssyncadd.s32 $0xFFFFC800  }
0x19c: {  	[spmem:s2] =	stream.indirect.scatter.add.f32 [tilespmem:s14], [sflag:$0x4], $0x80, s7, s13, $0xb8;
	[tilespmem:$0x1F600] =	vst v63  }
0x19d: {  	_ =	swait.ge [sflag:s11], $0x3800  }
0x19e: {  	[sflag:s11] =	ssyncset.done $0x0  }
0x19f: {  	s8 =	rddreg [dreg:$0xd];
	[sflag:s11] =	ssyncadd.s32 $0xFFFFC800  }
0x1a0: {  	[tilespmem:s14], [sflag:$0x1] =	stream.indirect.gather [hbm4b:s4+s13], $0x80, s8, s13, $0xb8;
	[tilespmem:$0x1F600] =	vst v63  }
0x1a1: {  	_ =	swait.ge [sflag:s21], $0x3800  }
0x1a2: {  	[sflag:s21] =	ssyncset.done $0x0  }
0x1a3: {  	s9 =	rddreg [dreg:$0xe];
	[sflag:s21] =	ssyncadd.s32 $0xFFFFC800  }
0x1a4: {  	[spmem:s2] =	stream.indirect.scatter.add.f32 [tilespmem:s16], [sflag:$0x4], $0x80, s9, s13, $0xb8;
	[tilespmem:$0x1F600] =	vst v63  }
0x1a5: {  	_ =	swait.ge [sflag:s11], $0x3800  }
0x1a6: {  	[sflag:s11] =	ssyncset.done $0x0  }
0x1a7: {  	s17 =	rddreg [dreg:$0xf];
	[sflag:s11] =	ssyncadd.s32 $0xFFFFC800  }
0x1a8: {  	[tilespmem:s16], [sflag:$0x2] =	stream.indirect.gather [hbm4b:s4+s13], $0x80, s17, s13, $0xb8;
	[tilespmem:$0x1F600] =	vst v63  }
0x1a9: {  	_ =	swait.ge [sflag:s22], $0x3800  }
0x1aa: {  	[sflag:s22] =	ssyncset.done $0x0  }
0x1ab: {  	s6 =	rddreg [dreg:$0x10];
	[sflag:s22] =	ssyncadd.s32 $0xFFFFC800  }
0x1ac: {  	[spmem:s2] =	stream.indirect.scatter.add.f32 [tilespmem:s18], [sflag:$0x4], $0x80, s6, s13, $0xb8;
	[tilespmem:$0x1F600] =	vst v63  }
0x1ad: {  	_ =	swait.ge [sflag:s11], $0x3800  }
0x1ae: {  	[sflag:s11] =	ssyncset.done $0x0  }
0x1af: {  	s7 =	rddreg [dreg:$0x11];
	[sflag:s11] =	ssyncadd.s32 $0xFFFFC800  }
0x1b0: {  	[tilespmem:s18], [sflag:$0x3] =	stream.indirect.gather [hbm4b:s4+s13], $0x80, s7, s13, $0xb8;
	[tilespmem:$0x1F600] =	vst v63  }
0x1b1: {  	_ =	swait.ge [sflag:s20], $0x3800  }
0x1b2: {  	[sflag:s20] =	ssyncset.done $0x0  }
0x1b3: {  	s8 =	rddreg [dreg:$0x12];
	[sflag:s20] =	ssyncadd.s32 $0xFFFFC800  }
0x1b4: {  	[spmem:s2] =	stream.indirect.scatter.add.f32 [tilespmem:s14], [sflag:$0x4], $0x80, s8, s13, $0xb8;
	[tilespmem:$0x1F600] =	vst v63  }
0x1b5: {  	_ =	swait.ge [sflag:s11], $0x3800  }
0x1b6: {  	[sflag:s11] =	ssyncset.done $0x0  }
0x1b7: {  	s9 =	rddreg [dreg:$0x13];
	[sflag:s11] =	ssyncadd.s32 $0xFFFFC800  }
0x1b8: {  	[tilespmem:s14], [sflag:$0x1] =	stream.indirect.gather [hbm4b:s4+s13], $0x80, s9, s13, $0xb8;
	[tilespmem:$0x1F600] =	vst v63  }
0x1b9: {  	_ =	swait.ge [sflag:s21], $0x3800  }
0x1ba: {  	[sflag:s21] =	ssyncset.done $0x0  }
0x1bb: {  	s17 =	rddreg [dreg:$0x14];
	[sflag:s21] =	ssyncadd.s32 $0xFFFFC800  }
0x1bc: {  	[spmem:s2] =	stream.indirect.scatter.add.f32 [tilespmem:s16], [sflag:$0x4], $0x80, s17, s13, $0xb8;
	[tilespmem:$0x1F600] =	vst v63  }
0x1bd: {  	_ =	swait.ge [sflag:s11], $0x3800  }
0x1be: {  	[sflag:s11] =	ssyncset.done $0x0  }
0x1bf: {  	s6 =	rddreg [dreg:$0x15];
	[sflag:s11] =	ssyncadd.s32 $0xFFFFC800  }
0x1c0: {  	[tilespmem:s16], [sflag:$0x2] =	stream.indirect.gather [hbm4b:s4+s13], $0x80, s6, s13, $0xb8;
	[tilespmem:$0x1F600] =	vst v63  }
0x1c1: {  	_ =	swait.ge [sflag:s22], $0x3800  }
0x1c2: {  	[sflag:s22] =	ssyncset.done $0x0  }
0x1c3: {  	s7 =	rddreg [dreg:$0x16];
	[sflag:s22] =	ssyncadd.s32 $0xFFFFC800  }
0x1c4: {  	[spmem:s2] =	stream.indirect.scatter.add.f32 [tilespmem:s18], [sflag:$0x4], $0x80, s7, s13, $0xb8;
	[tilespmem:$0x1F600] =	vst v63  }
0x1c5: {  	_ =	swait.ge [sflag:s11], $0x3800  }
0x1c6: {  	[sflag:s11] =	ssyncset.done $0x0  }
0x1c7: {  	s8 =	rddreg [dreg:$0x17];
	[sflag:s11] =	ssyncadd.s32 $0xFFFFC800  }
0x1c8: {  	[tilespmem:s18], [sflag:$0x3] =	stream.indirect.gather [hbm4b:s4+s13], $0x80, s8, s13, $0xb8;
	[tilespmem:$0x1F600] =	vst v63  }
0x1c9: {  	_ =	swait.ge [sflag:s20], $0x3800  }
0x1ca: {  	[sflag:s20] =	ssyncset.done $0x0  }
0x1cb: {  	s9 =	rddreg [dreg:$0x18];
	[sflag:s20] =	ssyncadd.s32 $0xFFFFC800  }
0x1cc: {  	[spmem:s2] =	stream.indirect.scatter.add.f32 [tilespmem:s14], [sflag:$0x4], $0x80, s9, s13, $0xb8;
	[tilespmem:$0x1F600] =	vst v63  }
0x1cd: {  	_ =	swait.ge [sflag:s11], $0x3800  }
0x1ce: {  	[sflag:s11] =	ssyncset.done $0x0  }
0x1cf: {  	s17 =	rddreg [dreg:$0x19];
	[sflag:s11] =	ssyncadd.s32 $0xFFFFC800  }
0x1d0: {  	[tilespmem:s14], [sflag:$0x1] =	stream.indirect.gather [hbm4b:s4+s13], $0x80, s17, s13, $0xb8;
	[tilespmem:$0x1F600] =	vst v63  }
0x1d1: {  	_ =	swait.ge [sflag:s21], $0x3800  }
0x1d2: {  	[sflag:s21] =	ssyncset.done $0x0  }
0x1d3: {  	s6 =	rddreg [dreg:$0x1a];
	[sflag:s21] =	ssyncadd.s32 $0xFFFFC800  }
0x1d4: {  	[spmem:s2] =	stream.indirect.scatter.add.f32 [tilespmem:s16], [sflag:$0x4], $0x80, s6, s13, $0xb8;
	[tilespmem:$0x1F600] =	vst v63  }
0x1d5: {  	_ =	swait.ge [sflag:s11], $0x3800  }
0x1d6: {  	[sflag:s11] =	ssyncset.done $0x0  }
0x1d7: {  	s7 =	rddreg [dreg:$0x1b];
	[sflag:s11] =	ssyncadd.s32 $0xFFFFC800  }
0x1d8: {  	[tilespmem:s16], [sflag:$0x2] =	stream.indirect.gather [hbm4b:s4+s13], $0x80, s7, s13, $0xb8;
	[tilespmem:$0x1F600] =	vst v63  }
0x1d9: {  	_ =	swait.ge [sflag:s22], $0x3800  }
0x1da: {  	[sflag:s22] =	ssyncset.done $0x0  }
0x1db: {  	s8 =	rddreg [dreg:$0x1c];
	[sflag:s22] =	ssyncadd.s32 $0xFFFFC800  }
0x1dc: {  	[spmem:s2] =	stream.indirect.scatter.add.f32 [tilespmem:s18], [sflag:$0x4], $0x80, s8, s13, $0xb8;
	[tilespmem:$0x1F600] =	vst v63  }
0x1dd: {  	_ =	swait.ge [sflag:s11], $0x3800  }
0x1de: {  	[sflag:s11] =	ssyncset.done $0x0  }
0x1df: {  	s9 =	rddreg [dreg:$0x1d];
	[sflag:s11] =	ssyncadd.s32 $0xFFFFC800  }
0x1e0: {  	[tilespmem:s18], [sflag:$0x3] =	stream.indirect.gather [hbm4b:s4+s13], $0x80, s9, s13, $0xb8;
	[tilespmem:$0x1F600] =	vst v63  }
0x1e1: {  	_ =	swait.ge [sflag:s20], $0x3800  }
0x1e2: {  	[sflag:s20] =	ssyncset.done $0x0  }
0x1e3: {  	[sflag:s20] =	ssyncadd.s32 $0xFFFFC800  }
0x1e4: {  	[spmem:s2] =	stream.indirect.scatter.add.f32 [tilespmem:s14], [sflag:$0x4], $0x80, s23, s13, $0xb8;
	[tilespmem:$0x1F600] =	vst v63  }
0x1e5: {  	_ =	swait.ge [sflag:s11], $0x3800  }
0x1e6: {  	[sflag:s11] =	ssyncset.done $0x0  }
0x1e7: {  	[sflag:s11] =	ssyncadd.s32 $0xFFFFC800  }
0x1e8: {  	[tilespmem:s14], [sflag:$0x1] =	stream.indirect.gather [hbm4b:s4+s13], $0x80, s24, s13, $0xb8;
	[tilespmem:$0x1F600] =	vst v63  }
0x1e9: {  	_ =	swait.ge [sflag:s21], $0x3800  }
0x1ea: {  	[sflag:s21] =	ssyncset.done $0x0  }
0x1eb: {  	[sflag:s21] =	ssyncadd.s32 $0xFFFFC800  }
0x1ec: {  	[spmem:s2] =	stream.indirect.scatter.add.f32 [tilespmem:s16], [sflag:$0x4], $0x80, s25, s13, $0xb8;
	[tilespmem:$0x1F600] =	vst v63  }
0x1ed: {  	_ =	swait.ge [sflag:s11], $0x3800  }
0x1ee: {  	[sflag:s11] =	ssyncset.done $0x0  }
0x1ef: {  	[sflag:s11] =	ssyncadd.s32 $0xFFFFC800  }
0x1f0: {  	[tilespmem:s16], [sflag:$0x2] =	stream.indirect.gather [hbm4b:s4+s13], $0x80, s26, s13, $0xb8;
	[tilespmem:$0x1F600] =	vst v63  }
0x1f1: {  	_ =	swait.ge [sflag:s22], $0x3800  }
0x1f2: {  	[sflag:s22] =	ssyncset.done $0x0  }
0x1f3: {  	[sflag:s22] =	ssyncadd.s32 $0xFFFFC800  }
0x1f4: {  	[spmem:s2] =	stream.indirect.scatter.add.f32 [tilespmem:s18], [sflag:$0x4], $0x80, s28, s13, $0xb8;
	[tilespmem:$0x1F600] =	vst v63  }
0x1f5: {  	_ =	swait.ge [sflag:s11], $0x3800  }
0x1f6: {  	[sflag:s11] =	ssyncset.done $0x0  }
0x1f7: {  	[sflag:s11] =	ssyncadd.s32 $0xFFFFC800  }
0x1f8: {  	[tilespmem:s18], [sflag:$0x3] =	stream.indirect.gather [hbm4b:s4+s13], $0x80, s29, s13, $0xb8;
	[tilespmem:$0x1F600] =	vst v63  }
0x1f9: {  	_ =	swait.ge [sflag:s20], $0x3800  }
0x1fa: {  	[sflag:s20] =	ssyncset.done $0x0  }
0x1fb: {  	[sflag:s20] =	ssyncadd.s32 $0xFFFFC800  }
0x1fc: {  	[spmem:s2] =	stream.indirect.scatter.add.f32 [tilespmem:s14], [sflag:$0x4], $0x80, s30, s13, $0xb8;
	[tilespmem:$0x1F600] =	vst v63  }
0x1fd: {  	_ =	swait.ge [sflag:s11], $0x3800  }
0x1fe: {  	[sflag:s11] =	ssyncset.done $0x0  }
0x1ff: {  	[sflag:s11] =	ssyncadd.s32 $0xFFFFC800  }
0x200: {  	_ =	swait.ge [sflag:s21], $0x3800  }
0x201: {  	[sflag:s21] =	ssyncset.done $0x0  }
0x202: {  	[sflag:s21] =	ssyncadd.s32 $0xFFFFC800  }
0x203: {  	[spmem:s2] =	stream.indirect.scatter.add.f32 [tilespmem:s16], [sflag:$0x4], $0x80, s31, s13, $0xb8;
	[tilespmem:$0x1F600] =	vst v63  }
0x204: {  	_ =	swait.ge [sflag:s11], $0x3800  }
0x205: {  	[sflag:s11] =	ssyncset.done $0x0  }
0x206: {  	[sflag:s11] =	ssyncadd.s32 $0xFFFFC800  }
0x207: {  	_ =	swait.ge [sflag:s22], $0x3800  }
0x208: {  	[sflag:s22] =	ssyncset.done $0x0  }
0x209: {  	[sflag:s22] =	ssyncadd.s32 $0xFFFFC800  }
0x20a: {  	[spmem:s2] =	stream.indirect.scatter.add.f32 [tilespmem:s18], [sflag:$0x4], $0x80, s0, s13, $0xb8;
	[tilespmem:$0x1F600] =	vst v63  }
0x20b: {  	_ =	swait.ge [sflag:s11], $0x3800  }
0x20c: {  	[sflag:s11] =	ssyncset.done $0x0  }
0x20d: {  	[sflag:s11] =	ssyncadd.s32 $0xFFFFC800  }
0x20e: {  	[bflag:$0x0] =	sbarrier.arrive $0xFFFF  }
0x20f: {  	s1 =	sadd.s32 $0x1, s1;
	s17 =	sld [smem:$0x7FD]  }
0x210: {  	p0 =	sne.s32 s1, s10  }
.Ltmp1:
0x211: {  	_ = 	snop;
	(pc) =	sbr.rel @p0 .LBB2_1-.Ltmp1, $4  }
0x212: {  	[hbm:s17], [sflag:s19] =	dma.local [spmem:s15], $0x2780  }
0x213: {  	_ =	swait.ge [sflag:s11], $0x2780  }
0x214: {  	[sflag:s11] =	ssyncset.done $0x0  }
0x215: {  	[sflag:s11] =	ssyncadd.s32 $0xFFFFD880  }
0x216: {  	_ =	sfence.sel $0x180000  }
0x217: {  	[bflag:$0x0] =	sbarrier.arrive $0xFFFF  }
0x218: {  	_ =	strace $0x9000004A  }
0x219: {  	s0 =	stileid.u32;
	[bflag:$0x2] =	sbarrier.arrive $0xFFFF  }
0x21a: {  	p0 =	sne.s32 s0, $0x0;
	s0 =	rddreg [dreg:$0x4]  }
0x21b: {  	s0 =	sadd.s32 @!p0 $0x100000, s0  }
0x21c: {  	[sflag:s0] =	ssyncadd.tile.s32 @!p0 $0x1;
	_ =	shalt  }
.Lfunc_end2:
_tile_overlayer_lowered:
.L_overlay_start_2:
0x21d: {  	(tag) =	ssettag $0x2  }
0x21e: {  	s0 =	rddreg [dreg:$0x0];
	s2 =	stileid.u32  }
0x21f: {  	s1 =	rddreg [dreg:$0x1];
	p0 =	sne.s32 s2, $0x0  }
0x220: {  	s3 =	rddreg [dreg:$0x2];
	[bflag:$0x3] =	sbarrier.arrive $0xFFFF;
	s2 =	simm.s32 @!p0 $0x1C04  }
0x221: {  	[timem:s3], [sflag:s2] =	dma.local @!p0 [hbm:s0], s1  }
0x222: {  	s0 =	simm.s32 @!p0 $0x4  }
0x223: {  	_ =	swait.ge @!p0 [sflag:s0], s1  }
0x224: {  	s1 =	ssub.s32 @!p0 $0x0, s1;
	[sflag:s0] =	ssyncset.done @!p0 $0x0  }
0x225: {  	[sflag:s0] =	ssyncadd.s32 @!p0 s1  }
0x226: {  	[bflag:$0x3] =	sbarrier.arrive $0xFFFF  }
0x227: {  	_ =	shalt  }

</sc_bundles>
